<compile_context>
chip_gen: v7x
topology: tpu7x:2x2x1
jax: 0.10.2.dev20260603
libtpu: 0.0.44.dev20260713+nightly
codegen_flags: <defaults>
</compile_context>

<pallas_src>
import functools

import jax
import jax.numpy as jnp
import numpy as np
from jax import lax
from jax.experimental import pallas as pl
from jax.experimental.pallas import tpu as pltpu
from jax.experimental.pallas import tpu_sc as plsc

_H = 8
_N = 38416
_NV = _N // 16
_NW = 32
_VPW = 76
_CHUNK = _VPW * 16


def _bb_pos_flat(qq, kk):
    strides = int(np.ceil(np.sqrt(float(kk) / float(qq))))
    q_h = int(np.sqrt(float(qq)))
    k_h = int(np.sqrt(float(kk)))
    x1, y1 = np.meshgrid(np.arange(q_h), np.arange(q_h))
    x2, y2 = np.meshgrid(np.arange(k_h), np.arange(k_h))
    aa = np.concatenate([x1.reshape(-1, 1), y1.reshape(-1, 1)], axis=-1)
    b2 = np.concatenate([x2.reshape(-1, 1), y2.reshape(-1, 1)], axis=-1)
    cc = np.abs(b2[None, :, :] - aa[:, None, :] * strides)
    pos = cc[:, :, 0] + cc[:, :, 1] * k_h
    return pos.reshape(-1).astype(np.int32)


def _sc_gather_body(bb_hbm, idx_hbm, out_hbm, idx_v, bb_v, res_v):
    wid = lax.axis_index("s") * 2 + lax.axis_index("c")
    base = jnp.minimum(wid * _CHUNK, _N - _CHUNK)
    pltpu.sync_copy(bb_hbm, bb_v)
    pltpu.sync_copy(idx_hbm.at[pl.ds(base, _CHUNK)], idx_v)

    def j_body(j, carry):
        idx8 = idx_v[pl.ds(j * 16, 16)] * 8
        for h in range(_H):
            res_v[pl.ds(h * _CHUNK + j * 16, 16)] = plsc.load_gather(bb_v, [idx8 + h])
        return carry

    lax.fori_loop(0, _VPW, j_body, 0)
    for h in range(_H):
        pltpu.sync_copy(res_v.at[pl.ds(h * _CHUNK, _CHUNK)],
                        out_hbm.at[pl.ds(h * _N + base, _CHUNK)])


def _sc_gather(bb, idx_flat):
    mesh = plsc.VectorSubcoreMesh(core_axis_name="c", subcore_axis_name="s")
    return pl.kernel(
        _sc_gather_body,
        mesh=mesh,
        compiler_params=pltpu.CompilerParams(needs_layout_passes=False),
        out_type=jax.ShapeDtypeStruct((_H * _N,), jnp.float32),
        scratch_types=[
            pltpu.VMEM((_CHUNK,), jnp.int32),
            pltpu.VMEM((196 * _H,), jnp.float32),
            pltpu.VMEM((_H * _CHUNK,), jnp.float32),
        ],
    )(bb, idx_flat)


_G = 2401
_GBLK = 7
_NC = _G // _GBLK
_NBUF = 8


def _addp_body(x_hbm, pb_hbm, o_hbm, inb, outb, pbv, insem, outsem, pbsem):
    pltpu.make_async_copy(pb_hbm, pbv, pbsem).start()
    for i in range(_NBUF):
        pltpu.make_async_copy(x_hbm.at[pl.ds(i * _GBLK, _GBLK)], inb.at[i],
                              insem.at[i]).start()
    pltpu.make_async_copy(pb_hbm, pbv, pbsem).wait()

    row = jax.lax.broadcasted_iota(jnp.int32, (16, 2048), 0)
    col = jax.lax.broadcasted_iota(jnp.int32, (16, 2048), 1)
    rep = (row == col // 128).astype(jnp.float32)

    def chunk(c, carry):
        buf = lax.rem(c, _NBUF)
        pltpu.make_async_copy(x_hbm.at[pl.ds(c * _GBLK, _GBLK)], inb.at[buf],
                              insem.at[buf]).wait()

        @pl.when(c >= _NBUF)
        def _():
            pltpu.make_async_copy(
                outb.at[buf], o_hbm.at[pl.ds((c - _NBUF) * _GBLK, _GBLK)],
                outsem.at[buf]).wait()

        for g in range(_GBLK):
            t = jax.lax.dot_general(pbv[c * _GBLK + g], rep,
                                    (((1,), (0,)), ((), ())),
                                    preferred_element_type=jnp.float32)
            for j in range(16):
                outb[buf, g, j] = inb[buf, g, j] + t[:, j * 128:(j + 1) * 128]

        pltpu.make_async_copy(outb.at[buf], o_hbm.at[pl.ds(c * _GBLK, _GBLK)],
                              outsem.at[buf]).start()

        @pl.when(c + _NBUF < _NC)
        def _():
            pltpu.make_async_copy(x_hbm.at[pl.ds((c + _NBUF) * _GBLK, _GBLK)],
                                  inb.at[buf], insem.at[buf]).start()

        return carry

    lax.fori_loop(0, _NC, chunk, 0)
    for i in range(_NC - _NBUF, _NC):
        pltpu.make_async_copy(outb.at[i % _NBUF],
                              o_hbm.at[pl.ds(i * _GBLK, _GBLK)],
                              outsem.at[i % _NBUF]).wait()


def _tc_add(xt, pbt):
    return pl.pallas_call(
        _addp_body,
        in_specs=[
            pl.BlockSpec(memory_space=pl.ANY),
            pl.BlockSpec(memory_space=pl.ANY),
        ],
        out_specs=pl.BlockSpec(memory_space=pl.ANY),
        out_shape=jax.ShapeDtypeStruct((_G, 16, 8, 128), jnp.float32),
        scratch_shapes=[
            pltpu.VMEM((_NBUF, _GBLK, 16, 8, 128), jnp.float32),
            pltpu.VMEM((_NBUF, _GBLK, 16, 8, 128), jnp.float32),
            pltpu.VMEM((_G, 8, 16), jnp.float32),
            pltpu.SemaphoreType.DMA((_NBUF,)),
            pltpu.SemaphoreType.DMA((_NBUF,)),
            pltpu.SemaphoreType.DMA,
        ],
        compiler_params=pltpu.CompilerParams(vmem_limit_bytes=52 * 1024 * 1024),
    )(xt, pbt)


@jax.jit
def kernel(inputs, bb):
    B, H, QQ, KK = inputs.shape
    idx_flat = jnp.asarray(_bb_pos_flat(QQ, KK))
    pb = _sc_gather(bb.reshape(-1), idx_flat)
    xt = jnp.transpose(inputs, (2, 3, 1, 0)).reshape(_G, 16, H, B)
    pbt = jnp.transpose(pb.reshape(H, _G, 16), (1, 0, 2))
    ot = _tc_add(xt, pbt)
    return jnp.transpose(ot.reshape(QQ, KK, H, B), (3, 2, 0, 1))

# --- scband reference (transcript-rebuilt; emitter-appended) ---
"""Pipeline reference for scband-multi-head-positional-embedding-66271345377954 (READ-ONLY COPY).

The authoritative reference and input builder live on the scoring server;
editing this copy changes nothing except your own understanding.
"""

import jax, jax.numpy as jnp
import numpy as np


def _build_bb_pos(qq_blocks, kk_blocks):
    # Faithful port of the TF build() logic (tf.meshgrid default 'xy' indexing == np.meshgrid default)
    strides = int(np.ceil(np.sqrt(float(kk_blocks) / float(qq_blocks))))
    q_blocks_h = int(np.sqrt(float(qq_blocks)))
    k_blocks_h = int(np.sqrt(float(kk_blocks)))
    x1, y1 = np.meshgrid(np.arange(q_blocks_h), np.arange(q_blocks_h))
    x2, y2 = np.meshgrid(np.arange(k_blocks_h), np.arange(k_blocks_h))
    aa = np.concatenate([x1.reshape(-1, 1), y1.reshape(-1, 1)], axis=-1)  # (qq, 2)
    bb = np.concatenate([x2.reshape(-1, 1), y2.reshape(-1, 1)], axis=-1)  # (kk, 2)
    cc = np.abs(bb[None, :, :] - aa[:, None, :] * strides)  # (qq, kk, 2)
    bb_pos = cc[:, :, 0] + cc[:, :, 1] * k_blocks_h  # (qq, kk), values in [0, kk)
    return jnp.asarray(bb_pos, dtype=jnp.int32)


def setup_inputs(seed: int = 0) -> dict:
    key = jax.random.key(seed)
    k1, k2 = jax.random.split(key)
    B, H, QQ, KK = 128, 8, 196, 196
    inputs = jax.random.normal(k1, (B, H, QQ, KK), dtype=jnp.float32)
    # learned positional embedding table: shape (kk_blocks, num_heads); original inits to zeros,
    # use small random values so the op is numerically nontrivial
    bb = jax.random.normal(k2, (KK, H), dtype=jnp.float32) * 0.02
    return {"inputs": inputs, "bb": bb}


def reference(inputs, bb):
    QQ = inputs.shape[2]
    KK = inputs.shape[3]
    bb_pos = _build_bb_pos(QQ, KK)  # int32 (QQ, KK), constant derived from shapes
    pos_bias = jnp.take(bb, bb_pos, axis=0)  # gather -> (QQ, KK, num_heads)
    pos_bias = jnp.transpose(pos_bias, (2, 0, 1))  # (num_heads, QQ, KK)
    return inputs + pos_bias  # broadcast over batch

if __name__ == "__main__":
    import jax
    _d = setup_inputs()
    print(jax.jit(kernel)(*tuple(_d.values())))

</pallas_src>

<mosaic_0001>
#map = affine_map<(d0, d1) -> (0)>
module attributes {stable_mosaic.version = 14 : i64} {
  func.func @_sc_gather_body(%arg0: i32, %arg1: i32, %arg2: memref<1568xf32, #tpu.memory_space<hbm>>, %arg3: memref<38416xi32, #tpu.memory_space<hbm>>, %arg4: memref<307328xf32, #tpu.memory_space<hbm>>, %arg5: memref<1216xi32, #tpu.memory_space<vmem>>, %arg6: memref<1568xf32, #tpu.memory_space<vmem>>, %arg7: memref<9728xf32, #tpu.memory_space<vmem>>) attributes {dimension_semantics = [#tpu.dimension_semantics<core_parallel>, #tpu.dimension_semantics<subcore_parallel>], iteration_bounds = array<i64: 2, 16>, scalar_prefetch = 0 : i64, scratch_operands = 3 : i64, tpu.core_type = #tpu.core_type<sc_vector_subcore>, window_params = [{transform_indices = #map}, {transform_indices = #map}, {transform_indices = #map}]} {
    %mul3A = arith.constant 2 : i32
    %mul3A_0 = arith.muli %arg1, %mul3A : i32
    %add3A = arith.addi %mul3A_0, %arg0 : i32
    %mul3A_1 = arith.constant 1216 : i32
    %mul3A_2 = arith.muli %add3A, %mul3A_1 : i32
    %min3A = arith.constant 37200 : i32
    %min3A_3 = arith.minsi %mul3A_2, %min3A : i32
    "tpu.region"() ({
      %run_scoped3A = tpu.sem_alloc : memref<!tpu.dma_semaphore, #tpu.memory_space<semaphore_mem>>
      tpu.enqueue_dma source(%arg2 : memref<1568xf32, #tpu.memory_space<hbm>>) target(%arg6 : memref<1568xf32, #tpu.memory_space<vmem>>) target_semaphore(%run_scoped3A : memref<!tpu.dma_semaphore, #tpu.memory_space<semaphore_mem>>)
      tpu.wait_dma2 semaphore(%run_scoped3A : memref<!tpu.dma_semaphore, #tpu.memory_space<semaphore_mem>>) src(%arg2 : memref<1568xf32, #tpu.memory_space<hbm>>) dst(%arg6 : memref<1568xf32, #tpu.memory_space<vmem>>)
      tpu.yield
    }) : () -> ()
    "tpu.region"() ({
      %run_scoped3A = tpu.sem_alloc : memref<!tpu.dma_semaphore, #tpu.memory_space<semaphore_mem>>
      %dma_start3A = tpu.memref_slice %arg3[%min3A_3] : memref<38416xi32, #tpu.memory_space<hbm>> -> memref<1216xi32, #tpu.memory_space<hbm>>
      %dma_start3A_25 = tpu.memref_slice %arg3[%min3A_3] : memref<38416xi32, #tpu.memory_space<hbm>> -> memref<1216xi32, #tpu.memory_space<hbm>>
      tpu.enqueue_dma source(%dma_start3A_25 : memref<1216xi32, #tpu.memory_space<hbm>>) target(%arg5 : memref<1216xi32, #tpu.memory_space<vmem>>) target_semaphore(%run_scoped3A : memref<!tpu.dma_semaphore, #tpu.memory_space<semaphore_mem>>)
      %dma_wait3A = tpu.memref_slice %arg3[%min3A_3] : memref<38416xi32, #tpu.memory_space<hbm>> -> memref<1216xi32, #tpu.memory_space<hbm>>
      %dma_wait3A_26 = tpu.memref_slice %arg3[%min3A_3] : memref<38416xi32, #tpu.memory_space<hbm>> -> memref<1216xi32, #tpu.memory_space<hbm>>
      tpu.wait_dma2 semaphore(%run_scoped3A : memref<!tpu.dma_semaphore, #tpu.memory_space<semaphore_mem>>) src(%dma_wait3A_26 : memref<1216xi32, #tpu.memory_space<hbm>>) dst(%arg5 : memref<1216xi32, #tpu.memory_space<vmem>>)
      tpu.yield
    }) : () -> ()
    %scan3A = arith.constant 0 : i32
    %scan3A_4 = arith.constant 0 : i32
    %scan3A_5 = arith.constant 76 : i32
    %scan3A_6 = arith.addi %scan3A_4, %scan3A_5 : i32
    %scan3A_7 = arith.constant 1 : i32
    scf.for %scan3A_25 = %scan3A_4 to %scan3A_6 step %scan3A_7  : i32 {
      %mul3A_26 = arith.constant 16 : i32
      %mul3A_27 = arith.muli %scan3A_25, %mul3A_26 : i32
      %get3A = arith.index_cast %mul3A_27 : i32 to index
      %get3A_28 = tpu.vector_load %arg5[%get3A] {strides = array<i32>} : memref<1216xi32, #tpu.memory_space<vmem>>, vector<16xi32>,
      %mul3A_29 = arith.constant 8 : i32
      %mul3A_30 = vector.broadcast %mul3A_29 : i32 to vector<16xi32>
      %mul3A_31 = arith.muli %get3A_28, %mul3A_30 : vector<16xi32>
      %add3A_32 = arith.constant 0 : i32
      %add3A_33 = vector.broadcast %add3A_32 : i32 to vector<16xi32>
      %add3A_34 = arith.addi %mul3A_31, %add3A_33 : vector<16xi32>
      %gather3A = tpu.vector_load_idx %arg6[%add3A_34] : memref<1568xf32, #tpu.memory_space<vmem>>[vector<16xi32>], vector<16xf32>,
      %mul3A_35 = arith.constant 16 : i32
      %mul3A_36 = arith.muli %scan3A_25, %mul3A_35 : i32
      %add3A_37 = arith.constant 0 : i32
      %add3A_38 = arith.addi %add3A_37, %mul3A_36 : i32
      %swap3A = arith.index_cast %add3A_38 : i32 to index
      %swap3A_39 = tpu.vector_load %arg7[%swap3A] {strides = array<i32>} : memref<9728xf32, #tpu.memory_space<vmem>>, vector<16xf32>,
      tpu.vector_store %arg7[%swap3A], %gather3A {strides = array<i32>} : memref<9728xf32, #tpu.memory_space<vmem>>, vector<16xf32>,
      %add3A_40 = arith.constant 1 : i32
      %add3A_41 = vector.broadcast %add3A_40 : i32 to vector<16xi32>
      %add3A_42 = arith.addi %mul3A_31, %add3A_41 : vector<16xi32>
      %gather3A_43 = tpu.vector_load_idx %arg6[%add3A_42] : memref<1568xf32, #tpu.memory_space<vmem>>[vector<16xi32>], vector<16xf32>,
      %mul3A_44 = arith.constant 16 : i32
      %mul3A_45 = arith.muli %scan3A_25, %mul3A_44 : i32
      %add3A_46 = arith.constant 1216 : i32
      %add3A_47 = arith.addi %add3A_46, %mul3A_45 : i32
      %swap3A_48 = arith.index_cast %add3A_47 : i32 to index
      %swap3A_49 = tpu.vector_load %arg7[%swap3A_48] {strides = array<i32>} : memref<9728xf32, #tpu.memory_space<vmem>>, vector<16xf32>,
      tpu.vector_store %arg7[%swap3A_48], %gather3A_43 {strides = array<i32>} : memref<9728xf32, #tpu.memory_space<vmem>>, vector<16xf32>,
      %add3A_50 = arith.constant 2 : i32
      %add3A_51 = vector.broadcast %add3A_50 : i32 to vector<16xi32>
      %add3A_52 = arith.addi %mul3A_31, %add3A_51 : vector<16xi32>
      %gather3A_53 = tpu.vector_load_idx %arg6[%add3A_52] : memref<1568xf32, #tpu.memory_space<vmem>>[vector<16xi32>], vector<16xf32>,
      %mul3A_54 = arith.constant 16 : i32
      %mul3A_55 = arith.muli %scan3A_25, %mul3A_54 : i32
      %add3A_56 = arith.constant 2432 : i32
      %add3A_57 = arith.addi %add3A_56, %mul3A_55 : i32
      %swap3A_58 = arith.index_cast %add3A_57 : i32 to index
      %swap3A_59 = tpu.vector_load %arg7[%swap3A_58] {strides = array<i32>} : memref<9728xf32, #tpu.memory_space<vmem>>, vector<16xf32>,
      tpu.vector_store %arg7[%swap3A_58], %gather3A_53 {strides = array<i32>} : memref<9728xf32, #tpu.memory_space<vmem>>, vector<16xf32>,
      %add3A_60 = arith.constant 3 : i32
      %add3A_61 = vector.broadcast %add3A_60 : i32 to vector<16xi32>
      %add3A_62 = arith.addi %mul3A_31, %add3A_61 : vector<16xi32>
      %gather3A_63 = tpu.vector_load_idx %arg6[%add3A_62] : memref<1568xf32, #tpu.memory_space<vmem>>[vector<16xi32>], vector<16xf32>,
      %mul3A_64 = arith.constant 16 : i32
      %mul3A_65 = arith.muli %scan3A_25, %mul3A_64 : i32
      %add3A_66 = arith.constant 3648 : i32
      %add3A_67 = arith.addi %add3A_66, %mul3A_65 : i32
      %swap3A_68 = arith.index_cast %add3A_67 : i32 to index
      %swap3A_69 = tpu.vector_load %arg7[%swap3A_68] {strides = array<i32>} : memref<9728xf32, #tpu.memory_space<vmem>>, vector<16xf32>,
      tpu.vector_store %arg7[%swap3A_68], %gather3A_63 {strides = array<i32>} : memref<9728xf32, #tpu.memory_space<vmem>>, vector<16xf32>,
      %add3A_70 = arith.constant 4 : i32
      %add3A_71 = vector.broadcast %add3A_70 : i32 to vector<16xi32>
      %add3A_72 = arith.addi %mul3A_31, %add3A_71 : vector<16xi32>
      %gather3A_73 = tpu.vector_load_idx %arg6[%add3A_72] : memref<1568xf32, #tpu.memory_space<vmem>>[vector<16xi32>], vector<16xf32>,
      %mul3A_74 = arith.constant 16 : i32
      %mul3A_75 = arith.muli %scan3A_25, %mul3A_74 : i32
      %add3A_76 = arith.constant 4864 : i32
      %add3A_77 = arith.addi %add3A_76, %mul3A_75 : i32
      %swap3A_78 = arith.index_cast %add3A_77 : i32 to index
      %swap3A_79 = tpu.vector_load %arg7[%swap3A_78] {strides = array<i32>} : memref<9728xf32, #tpu.memory_space<vmem>>, vector<16xf32>,
      tpu.vector_store %arg7[%swap3A_78], %gather3A_73 {strides = array<i32>} : memref<9728xf32, #tpu.memory_space<vmem>>, vector<16xf32>,
      %add3A_80 = arith.constant 5 : i32
      %add3A_81 = vector.broadcast %add3A_80 : i32 to vector<16xi32>
      %add3A_82 = arith.addi %mul3A_31, %add3A_81 : vector<16xi32>
      %gather3A_83 = tpu.vector_load_idx %arg6[%add3A_82] : memref<1568xf32, #tpu.memory_space<vmem>>[vector<16xi32>], vector<16xf32>,
      %mul3A_84 = arith.constant 16 : i32
      %mul3A_85 = arith.muli %scan3A_25, %mul3A_84 : i32
      %add3A_86 = arith.constant 6080 : i32
      %add3A_87 = arith.addi %add3A_86, %mul3A_85 : i32
      %swap3A_88 = arith.index_cast %add3A_87 : i32 to index
      %swap3A_89 = tpu.vector_load %arg7[%swap3A_88] {strides = array<i32>} : memref<9728xf32, #tpu.memory_space<vmem>>, vector<16xf32>,
      tpu.vector_store %arg7[%swap3A_88], %gather3A_83 {strides = array<i32>} : memref<9728xf32, #tpu.memory_space<vmem>>, vector<16xf32>,
      %add3A_90 = arith.constant 6 : i32
      %add3A_91 = vector.broadcast %add3A_90 : i32 to vector<16xi32>
      %add3A_92 = arith.addi %mul3A_31, %add3A_91 : vector<16xi32>
      %gather3A_93 = tpu.vector_load_idx %arg6[%add3A_92] : memref<1568xf32, #tpu.memory_space<vmem>>[vector<16xi32>], vector<16xf32>,
      %mul3A_94 = arith.constant 16 : i32
      %mul3A_95 = arith.muli %scan3A_25, %mul3A_94 : i32
      %add3A_96 = arith.constant 7296 : i32
      %add3A_97 = arith.addi %add3A_96, %mul3A_95 : i32
      %swap3A_98 = arith.index_cast %add3A_97 : i32 to index
      %swap3A_99 = tpu.vector_load %arg7[%swap3A_98] {strides = array<i32>} : memref<9728xf32, #tpu.memory_space<vmem>>, vector<16xf32>,
      tpu.vector_store %arg7[%swap3A_98], %gather3A_93 {strides = array<i32>} : memref<9728xf32, #tpu.memory_space<vmem>>, vector<16xf32>,
      %add3A_100 = arith.constant 7 : i32
      %add3A_101 = vector.broadcast %add3A_100 : i32 to vector<16xi32>
      %add3A_102 = arith.addi %mul3A_31, %add3A_101 : vector<16xi32>
      %gather3A_103 = tpu.vector_load_idx %arg6[%add3A_102] : memref<1568xf32, #tpu.memory_space<vmem>>[vector<16xi32>], vector<16xf32>,
      %mul3A_104 = arith.constant 16 : i32
      %mul3A_105 = arith.muli %scan3A_25, %mul3A_104 : i32
      %add3A_106 = arith.constant 8512 : i32
      %add3A_107 = arith.addi %add3A_106, %mul3A_105 : i32
      %swap3A_108 = arith.index_cast %add3A_107 : i32 to index
      %swap3A_109 = tpu.vector_load %arg7[%swap3A_108] {strides = array<i32>} : memref<9728xf32, #tpu.memory_space<vmem>>, vector<16xf32>,
      tpu.vector_store %arg7[%swap3A_108], %gather3A_103 {strides = array<i32>} : memref<9728xf32, #tpu.memory_space<vmem>>, vector<16xf32>,
    }
    %scan3A_8 = arith.constant 76 : i32
    %add3A_9 = arith.constant 0 : i32
    %add3A_10 = arith.addi %add3A_9, %min3A_3 : i32
    "tpu.region"() ({
      %run_scoped3A = tpu.sem_alloc : memref<!tpu.dma_semaphore, #tpu.memory_space<semaphore_mem>>
      %dma_start3A = arith.constant 0 : i32
      %dma_start3A_25 = tpu.memref_slice %arg7[%dma_start3A] : memref<9728xf32, #tpu.memory_space<vmem>> -> memref<1216xf32, #tpu.memory_space<vmem>>
      %dma_start3A_26 = tpu.memref_slice %arg4[%add3A_10] : memref<307328xf32, #tpu.memory_space<hbm>> -> memref<1216xf32, #tpu.memory_space<hbm>>
      %dma_start3A_27 = tpu.memref_slice %arg4[%add3A_10] : memref<307328xf32, #tpu.memory_space<hbm>> -> memref<1216xf32, #tpu.memory_space<hbm>>
      %dma_start3A_28 = arith.constant 0 : i32
      %dma_start3A_29 = tpu.memref_slice %arg7[%dma_start3A_28] : memref<9728xf32, #tpu.memory_space<vmem>> -> memref<1216xf32, #tpu.memory_space<vmem>>
      tpu.enqueue_dma source(%dma_start3A_29 : memref<1216xf32, #tpu.memory_space<vmem>>) target(%dma_start3A_27 : memref<1216xf32, #tpu.memory_space<hbm>>) target_semaphore(%run_scoped3A : memref<!tpu.dma_semaphore, #tpu.memory_space<semaphore_mem>>)
      %dma_wait3A = arith.constant 0 : i32
      %dma_wait3A_30 = tpu.memref_slice %arg7[%dma_wait3A] : memref<9728xf32, #tpu.memory_space<vmem>> -> memref<1216xf32, #tpu.memory_space<vmem>>
      %dma_wait3A_31 = tpu.memref_slice %arg4[%add3A_10] : memref<307328xf32, #tpu.memory_space<hbm>> -> memref<1216xf32, #tpu.memory_space<hbm>>
      %dma_wait3A_32 = tpu.memref_slice %arg4[%add3A_10] : memref<307328xf32, #tpu.memory_space<hbm>> -> memref<1216xf32, #tpu.memory_space<hbm>>
      %dma_wait3A_33 = arith.constant 0 : i32
      %dma_wait3A_34 = tpu.memref_slice %arg7[%dma_wait3A_33] : memref<9728xf32, #tpu.memory_space<vmem>> -> memref<1216xf32, #tpu.memory_space<vmem>>
      tpu.wait_dma2 semaphore(%run_scoped3A : memref<!tpu.dma_semaphore, #tpu.memory_space<semaphore_mem>>) src(%dma_wait3A_34 : memref<1216xf32, #tpu.memory_space<vmem>>) dst(%dma_wait3A_32 : memref<1216xf32, #tpu.memory_space<hbm>>)
      tpu.yield
    }) : () -> ()
    %add3A_11 = arith.constant 38416 : i32
    %add3A_12 = arith.addi %add3A_11, %min3A_3 : i32
    "tpu.region"() ({
      %run_scoped3A = tpu.sem_alloc : memref<!tpu.dma_semaphore, #tpu.memory_space<semaphore_mem>>
      %dma_start3A = arith.constant 1216 : i32
      %dma_start3A_25 = tpu.memref_slice %arg7[%dma_start3A] : memref<9728xf32, #tpu.memory_space<vmem>> -> memref<1216xf32, #tpu.memory_space<vmem>>
      %dma_start3A_26 = tpu.memref_slice %arg4[%add3A_12] : memref<307328xf32, #tpu.memory_space<hbm>> -> memref<1216xf32, #tpu.memory_space<hbm>>
      %dma_start3A_27 = tpu.memref_slice %arg4[%add3A_12] : memref<307328xf32, #tpu.memory_space<hbm>> -> memref<1216xf32, #tpu.memory_space<hbm>>
      %dma_start3A_28 = arith.constant 1216 : i32
      %dma_start3A_29 = tpu.memref_slice %arg7[%dma_start3A_28] : memref<9728xf32, #tpu.memory_space<vmem>> -> memref<1216xf32, #tpu.memory_space<vmem>>
      tpu.enqueue_dma source(%dma_start3A_29 : memref<1216xf32, #tpu.memory_space<vmem>>) target(%dma_start3A_27 : memref<1216xf32, #tpu.memory_space<hbm>>) target_semaphore(%run_scoped3A : memref<!tpu.dma_semaphore, #tpu.memory_space<semaphore_mem>>)
      %dma_wait3A = arith.constant 1216 : i32
      %dma_wait3A_30 = tpu.memref_slice %arg7[%dma_wait3A] : memref<9728xf32, #tpu.memory_space<vmem>> -> memref<1216xf32, #tpu.memory_space<vmem>>
      %dma_wait3A_31 = tpu.memref_slice %arg4[%add3A_12] : memref<307328xf32, #tpu.memory_space<hbm>> -> memref<1216xf32, #tpu.memory_space<hbm>>
      %dma_wait3A_32 = tpu.memref_slice %arg4[%add3A_12] : memref<307328xf32, #tpu.memory_space<hbm>> -> memref<1216xf32, #tpu.memory_space<hbm>>
      %dma_wait3A_33 = arith.constant 1216 : i32
      %dma_wait3A_34 = tpu.memref_slice %arg7[%dma_wait3A_33] : memref<9728xf32, #tpu.memory_space<vmem>> -> memref<1216xf32, #tpu.memory_space<vmem>>
      tpu.wait_dma2 semaphore(%run_scoped3A : memref<!tpu.dma_semaphore, #tpu.memory_space<semaphore_mem>>) src(%dma_wait3A_34 : memref<1216xf32, #tpu.memory_space<vmem>>) dst(%dma_wait3A_32 : memref<1216xf32, #tpu.memory_space<hbm>>)
      tpu.yield
    }) : () -> ()
    %add3A_13 = arith.constant 76832 : i32
    %add3A_14 = arith.addi %add3A_13, %min3A_3 : i32
    "tpu.region"() ({
      %run_scoped3A = tpu.sem_alloc : memref<!tpu.dma_semaphore, #tpu.memory_space<semaphore_mem>>
      %dma_start3A = arith.constant 2432 : i32
      %dma_start3A_25 = tpu.memref_slice %arg7[%dma_start3A] : memref<9728xf32, #tpu.memory_space<vmem>> -> memref<1216xf32, #tpu.memory_space<vmem>>
      %dma_start3A_26 = tpu.memref_slice %arg4[%add3A_14] : memref<307328xf32, #tpu.memory_space<hbm>> -> memref<1216xf32, #tpu.memory_space<hbm>>
      %dma_start3A_27 = tpu.memref_slice %arg4[%add3A_14] : memref<307328xf32, #tpu.memory_space<hbm>> -> memref<1216xf32, #tpu.memory_space<hbm>>
      %dma_start3A_28 = arith.constant 2432 : i32
      %dma_start3A_29 = tpu.memref_slice %arg7[%dma_start3A_28] : memref<9728xf32, #tpu.memory_space<vmem>> -> memref<1216xf32, #tpu.memory_space<vmem>>
      tpu.enqueue_dma source(%dma_start3A_29 : memref<1216xf32, #tpu.memory_space<vmem>>) target(%dma_start3A_27 : memref<1216xf32, #tpu.memory_space<hbm>>) target_semaphore(%run_scoped3A : memref<!tpu.dma_semaphore, #tpu.memory_space<semaphore_mem>>)
      %dma_wait3A = arith.constant 2432 : i32
      %dma_wait3A_30 = tpu.memref_slice %arg7[%dma_wait3A] : memref<9728xf32, #tpu.memory_space<vmem>> -> memref<1216xf32, #tpu.memory_space<vmem>>
      %dma_wait3A_31 = tpu.memref_slice %arg4[%add3A_14] : memref<307328xf32, #tpu.memory_space<hbm>> -> memref<1216xf32, #tpu.memory_space<hbm>>
      %dma_wait3A_32 = tpu.memref_slice %arg4[%add3A_14] : memref<307328xf32, #tpu.memory_space<hbm>> -> memref<1216xf32, #tpu.memory_space<hbm>>
      %dma_wait3A_33 = arith.constant 2432 : i32
      %dma_wait3A_34 = tpu.memref_slice %arg7[%dma_wait3A_33] : memref<9728xf32, #tpu.memory_space<vmem>> -> memref<1216xf32, #tpu.memory_space<vmem>>
      tpu.wait_dma2 semaphore(%run_scoped3A : memref<!tpu.dma_semaphore, #tpu.memory_space<semaphore_mem>>) src(%dma_wait3A_34 : memref<1216xf32, #tpu.memory_space<vmem>>) dst(%dma_wait3A_32 : memref<1216xf32, #tpu.memory_space<hbm>>)
      tpu.yield
    }) : () -> ()
    %add3A_15 = arith.constant 115248 : i32
    %add3A_16 = arith.addi %add3A_15, %min3A_3 : i32
    "tpu.region"() ({
      %run_scoped3A = tpu.sem_alloc : memref<!tpu.dma_semaphore, #tpu.memory_space<semaphore_mem>>
      %dma_start3A = arith.constant 3648 : i32
      %dma_start3A_25 = tpu.memref_slice %arg7[%dma_start3A] : memref<9728xf32, #tpu.memory_space<vmem>> -> memref<1216xf32, #tpu.memory_space<vmem>>
      %dma_start3A_26 = tpu.memref_slice %arg4[%add3A_16] : memref<307328xf32, #tpu.memory_space<hbm>> -> memref<1216xf32, #tpu.memory_space<hbm>>
      %dma_start3A_27 = tpu.memref_slice %arg4[%add3A_16] : memref<307328xf32, #tpu.memory_space<hbm>> -> memref<1216xf32, #tpu.memory_space<hbm>>
      %dma_start3A_28 = arith.constant 3648 : i32
      %dma_start3A_29 = tpu.memref_slice %arg7[%dma_start3A_28] : memref<9728xf32, #tpu.memory_space<vmem>> -> memref<1216xf32, #tpu.memory_space<vmem>>
      tpu.enqueue_dma source(%dma_start3A_29 : memref<1216xf32, #tpu.memory_space<vmem>>) target(%dma_start3A_27 : memref<1216xf32, #tpu.memory_space<hbm>>) target_semaphore(%run_scoped3A : memref<!tpu.dma_semaphore, #tpu.memory_space<semaphore_mem>>)
      %dma_wait3A = arith.constant 3648 : i32
      %dma_wait3A_30 = tpu.memref_slice %arg7[%dma_wait3A] : memref<9728xf32, #tpu.memory_space<vmem>> -> memref<1216xf32, #tpu.memory_space<vmem>>
      %dma_wait3A_31 = tpu.memref_slice %arg4[%add3A_16] : memref<307328xf32, #tpu.memory_space<hbm>> -> memref<1216xf32, #tpu.memory_space<hbm>>
      %dma_wait3A_32 = tpu.memref_slice %arg4[%add3A_16] : memref<307328xf32, #tpu.memory_space<hbm>> -> memref<1216xf32, #tpu.memory_space<hbm>>
      %dma_wait3A_33 = arith.constant 3648 : i32
      %dma_wait3A_34 = tpu.memref_slice %arg7[%dma_wait3A_33] : memref<9728xf32, #tpu.memory_space<vmem>> -> memref<1216xf32, #tpu.memory_space<vmem>>
      tpu.wait_dma2 semaphore(%run_scoped3A : memref<!tpu.dma_semaphore, #tpu.memory_space<semaphore_mem>>) src(%dma_wait3A_34 : memref<1216xf32, #tpu.memory_space<vmem>>) dst(%dma_wait3A_32 : memref<1216xf32, #tpu.memory_space<hbm>>)
      tpu.yield
    }) : () -> ()
    %add3A_17 = arith.constant 153664 : i32
    %add3A_18 = arith.addi %add3A_17, %min3A_3 : i32
    "tpu.region"() ({
      %run_scoped3A = tpu.sem_alloc : memref<!tpu.dma_semaphore, #tpu.memory_space<semaphore_mem>>
      %dma_start3A = arith.constant 4864 : i32
      %dma_start3A_25 = tpu.memref_slice %arg7[%dma_start3A] : memref<9728xf32, #tpu.memory_space<vmem>> -> memref<1216xf32, #tpu.memory_space<vmem>>
      %dma_start3A_26 = tpu.memref_slice %arg4[%add3A_18] : memref<307328xf32, #tpu.memory_space<hbm>> -> memref<1216xf32, #tpu.memory_space<hbm>>
      %dma_start3A_27 = tpu.memref_slice %arg4[%add3A_18] : memref<307328xf32, #tpu.memory_space<hbm>> -> memref<1216xf32, #tpu.memory_space<hbm>>
      %dma_start3A_28 = arith.constant 4864 : i32
      %dma_start3A_29 = tpu.memref_slice %arg7[%dma_start3A_28] : memref<9728xf32, #tpu.memory_space<vmem>> -> memref<1216xf32, #tpu.memory_space<vmem>>
      tpu.enqueue_dma source(%dma_start3A_29 : memref<1216xf32, #tpu.memory_space<vmem>>) target(%dma_start3A_27 : memref<1216xf32, #tpu.memory_space<hbm>>) target_semaphore(%run_scoped3A : memref<!tpu.dma_semaphore, #tpu.memory_space<semaphore_mem>>)
      %dma_wait3A = arith.constant 4864 : i32
      %dma_wait3A_30 = tpu.memref_slice %arg7[%dma_wait3A] : memref<9728xf32, #tpu.memory_space<vmem>> -> memref<1216xf32, #tpu.memory_space<vmem>>
      %dma_wait3A_31 = tpu.memref_slice %arg4[%add3A_18] : memref<307328xf32, #tpu.memory_space<hbm>> -> memref<1216xf32, #tpu.memory_space<hbm>>
      %dma_wait3A_32 = tpu.memref_slice %arg4[%add3A_18] : memref<307328xf32, #tpu.memory_space<hbm>> -> memref<1216xf32, #tpu.memory_space<hbm>>
      %dma_wait3A_33 = arith.constant 4864 : i32
      %dma_wait3A_34 = tpu.memref_slice %arg7[%dma_wait3A_33] : memref<9728xf32, #tpu.memory_space<vmem>> -> memref<1216xf32, #tpu.memory_space<vmem>>
      tpu.wait_dma2 semaphore(%run_scoped3A : memref<!tpu.dma_semaphore, #tpu.memory_space<semaphore_mem>>) src(%dma_wait3A_34 : memref<1216xf32, #tpu.memory_space<vmem>>) dst(%dma_wait3A_32 : memref<1216xf32, #tpu.memory_space<hbm>>)
      tpu.yield
    }) : () -> ()
    %add3A_19 = arith.constant 192080 : i32
    %add3A_20 = arith.addi %add3A_19, %min3A_3 : i32
    "tpu.region"() ({
      %run_scoped3A = tpu.sem_alloc : memref<!tpu.dma_semaphore, #tpu.memory_space<semaphore_mem>>
      %dma_start3A = arith.constant 6080 : i32
      %dma_start3A_25 = tpu.memref_slice %arg7[%dma_start3A] : memref<9728xf32, #tpu.memory_space<vmem>> -> memref<1216xf32, #tpu.memory_space<vmem>>
      %dma_start3A_26 = tpu.memref_slice %arg4[%add3A_20] : memref<307328xf32, #tpu.memory_space<hbm>> -> memref<1216xf32, #tpu.memory_space<hbm>>
      %dma_start3A_27 = tpu.memref_slice %arg4[%add3A_20] : memref<307328xf32, #tpu.memory_space<hbm>> -> memref<1216xf32, #tpu.memory_space<hbm>>
      %dma_start3A_28 = arith.constant 6080 : i32
      %dma_start3A_29 = tpu.memref_slice %arg7[%dma_start3A_28] : memref<9728xf32, #tpu.memory_space<vmem>> -> memref<1216xf32, #tpu.memory_space<vmem>>
      tpu.enqueue_dma source(%dma_start3A_29 : memref<1216xf32, #tpu.memory_space<vmem>>) target(%dma_start3A_27 : memref<1216xf32, #tpu.memory_space<hbm>>) target_semaphore(%run_scoped3A : memref<!tpu.dma_semaphore, #tpu.memory_space<semaphore_mem>>)
      %dma_wait3A = arith.constant 6080 : i32
      %dma_wait3A_30 = tpu.memref_slice %arg7[%dma_wait3A] : memref<9728xf32, #tpu.memory_space<vmem>> -> memref<1216xf32, #tpu.memory_space<vmem>>
      %dma_wait3A_31 = tpu.memref_slice %arg4[%add3A_20] : memref<307328xf32, #tpu.memory_space<hbm>> -> memref<1216xf32, #tpu.memory_space<hbm>>
      %dma_wait3A_32 = tpu.memref_slice %arg4[%add3A_20] : memref<307328xf32, #tpu.memory_space<hbm>> -> memref<1216xf32, #tpu.memory_space<hbm>>
      %dma_wait3A_33 = arith.constant 6080 : i32
      %dma_wait3A_34 = tpu.memref_slice %arg7[%dma_wait3A_33] : memref<9728xf32, #tpu.memory_space<vmem>> -> memref<1216xf32, #tpu.memory_space<vmem>>
      tpu.wait_dma2 semaphore(%run_scoped3A : memref<!tpu.dma_semaphore, #tpu.memory_space<semaphore_mem>>) src(%dma_wait3A_34 : memref<1216xf32, #tpu.memory_space<vmem>>) dst(%dma_wait3A_32 : memref<1216xf32, #tpu.memory_space<hbm>>)
      tpu.yield
    }) : () -> ()
    %add3A_21 = arith.constant 230496 : i32
    %add3A_22 = arith.addi %add3A_21, %min3A_3 : i32
    "tpu.region"() ({
      %run_scoped3A = tpu.sem_alloc : memref<!tpu.dma_semaphore, #tpu.memory_space<semaphore_mem>>
      %dma_start3A = arith.constant 7296 : i32
      %dma_start3A_25 = tpu.memref_slice %arg7[%dma_start3A] : memref<9728xf32, #tpu.memory_space<vmem>> -> memref<1216xf32, #tpu.memory_space<vmem>>
      %dma_start3A_26 = tpu.memref_slice %arg4[%add3A_22] : memref<307328xf32, #tpu.memory_space<hbm>> -> memref<1216xf32, #tpu.memory_space<hbm>>
      %dma_start3A_27 = tpu.memref_slice %arg4[%add3A_22] : memref<307328xf32, #tpu.memory_space<hbm>> -> memref<1216xf32, #tpu.memory_space<hbm>>
      %dma_start3A_28 = arith.constant 7296 : i32
      %dma_start3A_29 = tpu.memref_slice %arg7[%dma_start3A_28] : memref<9728xf32, #tpu.memory_space<vmem>> -> memref<1216xf32, #tpu.memory_space<vmem>>
      tpu.enqueue_dma source(%dma_start3A_29 : memref<1216xf32, #tpu.memory_space<vmem>>) target(%dma_start3A_27 : memref<1216xf32, #tpu.memory_space<hbm>>) target_semaphore(%run_scoped3A : memref<!tpu.dma_semaphore, #tpu.memory_space<semaphore_mem>>)
      %dma_wait3A = arith.constant 7296 : i32
      %dma_wait3A_30 = tpu.memref_slice %arg7[%dma_wait3A] : memref<9728xf32, #tpu.memory_space<vmem>> -> memref<1216xf32, #tpu.memory_space<vmem>>
      %dma_wait3A_31 = tpu.memref_slice %arg4[%add3A_22] : memref<307328xf32, #tpu.memory_space<hbm>> -> memref<1216xf32, #tpu.memory_space<hbm>>
      %dma_wait3A_32 = tpu.memref_slice %arg4[%add3A_22] : memref<307328xf32, #tpu.memory_space<hbm>> -> memref<1216xf32, #tpu.memory_space<hbm>>
      %dma_wait3A_33 = arith.constant 7296 : i32
      %dma_wait3A_34 = tpu.memref_slice %arg7[%dma_wait3A_33] : memref<9728xf32, #tpu.memory_space<vmem>> -> memref<1216xf32, #tpu.memory_space<vmem>>
      tpu.wait_dma2 semaphore(%run_scoped3A : memref<!tpu.dma_semaphore, #tpu.memory_space<semaphore_mem>>) src(%dma_wait3A_34 : memref<1216xf32, #tpu.memory_space<vmem>>) dst(%dma_wait3A_32 : memref<1216xf32, #tpu.memory_space<hbm>>)
      tpu.yield
    }) : () -> ()
    %add3A_23 = arith.constant 268912 : i32
    %add3A_24 = arith.addi %add3A_23, %min3A_3 : i32
    "tpu.region"() ({
      %run_scoped3A = tpu.sem_alloc : memref<!tpu.dma_semaphore, #tpu.memory_space<semaphore_mem>>
      %dma_start3A = arith.constant 8512 : i32
      %dma_start3A_25 = tpu.memref_slice %arg7[%dma_start3A] : memref<9728xf32, #tpu.memory_space<vmem>> -> memref<1216xf32, #tpu.memory_space<vmem>>
      %dma_start3A_26 = tpu.memref_slice %arg4[%add3A_24] : memref<307328xf32, #tpu.memory_space<hbm>> -> memref<1216xf32, #tpu.memory_space<hbm>>
      %dma_start3A_27 = tpu.memref_slice %arg4[%add3A_24] : memref<307328xf32, #tpu.memory_space<hbm>> -> memref<1216xf32, #tpu.memory_space<hbm>>
      %dma_start3A_28 = arith.constant 8512 : i32
      %dma_start3A_29 = tpu.memref_slice %arg7[%dma_start3A_28] : memref<9728xf32, #tpu.memory_space<vmem>> -> memref<1216xf32, #tpu.memory_space<vmem>>
      tpu.enqueue_dma source(%dma_start3A_29 : memref<1216xf32, #tpu.memory_space<vmem>>) target(%dma_start3A_27 : memref<1216xf32, #tpu.memory_space<hbm>>) target_semaphore(%run_scoped3A : memref<!tpu.dma_semaphore, #tpu.memory_space<semaphore_mem>>)
      %dma_wait3A = arith.constant 8512 : i32
      %dma_wait3A_30 = tpu.memref_slice %arg7[%dma_wait3A] : memref<9728xf32, #tpu.memory_space<vmem>> -> memref<1216xf32, #tpu.memory_space<vmem>>
      %dma_wait3A_31 = tpu.memref_slice %arg4[%add3A_24] : memref<307328xf32, #tpu.memory_space<hbm>> -> memref<1216xf32, #tpu.memory_space<hbm>>
      %dma_wait3A_32 = tpu.memref_slice %arg4[%add3A_24] : memref<307328xf32, #tpu.memory_space<hbm>> -> memref<1216xf32, #tpu.memory_space<hbm>>
      %dma_wait3A_33 = arith.constant 8512 : i32
      %dma_wait3A_34 = tpu.memref_slice %arg7[%dma_wait3A_33] : memref<9728xf32, #tpu.memory_space<vmem>> -> memref<1216xf32, #tpu.memory_space<vmem>>
      tpu.wait_dma2 semaphore(%run_scoped3A : memref<!tpu.dma_semaphore, #tpu.memory_space<semaphore_mem>>) src(%dma_wait3A_34 : memref<1216xf32, #tpu.memory_space<vmem>>) dst(%dma_wait3A_32 : memref<1216xf32, #tpu.memory_space<hbm>>)
      tpu.yield
    }) : () -> ()
    return
  }
}

module attributes {stable_mosaic.version = 14 : i64} {
  func.func @_addp_body(%arg0: memref<2401x16x8x128xf32, #tpu.memory_space<any>>, %arg1: memref<2401x8x16xf32, #tpu.memory_space<any>>, %arg2: memref<2401x16x8x128xf32, #tpu.memory_space<any>>, %arg3: memref<8x7x16x8x128xf32, #tpu.memory_space<vmem>>, %arg4: memref<8x7x16x8x128xf32, #tpu.memory_space<vmem>>, %arg5: memref<2401x8x16xf32, #tpu.memory_space<vmem>>, %arg6: memref<8x!tpu.dma_semaphore, #tpu.memory_space<semaphore_mem>>, %arg7: memref<8x!tpu.dma_semaphore, #tpu.memory_space<semaphore_mem>>, %arg8: memref<!tpu.dma_semaphore, #tpu.memory_space<semaphore_mem>>) attributes {dimension_semantics = [], scalar_prefetch = 0 : i64, scratch_operands = 6 : i64, tpu.core_type = #tpu.core_type<tc>} {
    tpu.enqueue_dma source(%arg1 : memref<2401x8x16xf32, #tpu.memory_space<any>>) target(%arg5 : memref<2401x8x16xf32, #tpu.memory_space<vmem>>) target_semaphore(%arg8 : memref<!tpu.dma_semaphore, #tpu.memory_space<semaphore_mem>>)
    %dma_start3A = arith.constant 0 : i32
    %dma_start3A_0 = arith.constant 0 : i32
    %dma_start3A_1 = tpu.memref_slice %arg6[%dma_start3A_0] : memref<8x!tpu.dma_semaphore, #tpu.memory_space<semaphore_mem>> -> memref<1x!tpu.dma_semaphore, #tpu.memory_space<semaphore_mem>>
    %dma_start3A_2 = tpu.memref_squeeze %dma_start3A_1 : memref<1x!tpu.dma_semaphore, #tpu.memory_space<semaphore_mem>> -> memref<!tpu.dma_semaphore, #tpu.memory_space<semaphore_mem>>
    %dma_start3A_3 = arith.constant 0 : i32
    %dma_start3A_4 = arith.constant 0 : i32
    %dma_start3A_5 = arith.constant 0 : i32
    %dma_start3A_6 = arith.constant 0 : i32
    %dma_start3A_7 = tpu.memref_slice %arg3[%dma_start3A, %dma_start3A_3, %dma_start3A_4, %dma_start3A_5, %dma_start3A_6] : memref<8x7x16x8x128xf32, #tpu.memory_space<vmem>> -> memref<1x7x16x8x128xf32, #tpu.memory_space<vmem>>
    %dma_start3A_8 = tpu.memref_squeeze %dma_start3A_7 : memref<1x7x16x8x128xf32, #tpu.memory_space<vmem>> -> memref<7x16x8x128xf32, #tpu.memory_space<vmem>>
    %dma_start3A_9 = arith.constant 0 : i32
    %dma_start3A_10 = arith.constant 0 : i32
    %dma_start3A_11 = arith.constant 0 : i32
    %dma_start3A_12 = arith.constant 0 : i32
    %dma_start3A_13 = tpu.memref_slice %arg0[%dma_start3A_9, %dma_start3A_10, %dma_start3A_11, %dma_start3A_12] : memref<2401x16x8x128xf32, #tpu.memory_space<any>> -> memref<7x16x8x128xf32, #tpu.memory_space<any>>
    tpu.enqueue_dma source(%dma_start3A_13 : memref<7x16x8x128xf32, #tpu.memory_space<any>>) target(%dma_start3A_8 : memref<7x16x8x128xf32, #tpu.memory_space<vmem>>) target_semaphore(%dma_start3A_2 : memref<!tpu.dma_semaphore, #tpu.memory_space<semaphore_mem>>)
    %dma_start3A_14 = arith.constant 1 : i32
    %dma_start3A_15 = arith.constant 1 : i32
    %dma_start3A_16 = tpu.memref_slice %arg6[%dma_start3A_15] : memref<8x!tpu.dma_semaphore, #tpu.memory_space<semaphore_mem>> -> memref<1x!tpu.dma_semaphore, #tpu.memory_space<semaphore_mem>>
    %dma_start3A_17 = tpu.memref_squeeze %dma_start3A_16 : memref<1x!tpu.dma_semaphore, #tpu.memory_space<semaphore_mem>> -> memref<!tpu.dma_semaphore, #tpu.memory_space<semaphore_mem>>
    %dma_start3A_18 = arith.constant 0 : i32
    %dma_start3A_19 = arith.constant 0 : i32
    %dma_start3A_20 = arith.constant 0 : i32
    %dma_start3A_21 = arith.constant 0 : i32
    %dma_start3A_22 = tpu.memref_slice %arg3[%dma_start3A_14, %dma_start3A_18, %dma_start3A_19, %dma_start3A_20, %dma_start3A_21] : memref<8x7x16x8x128xf32, #tpu.memory_space<vmem>> -> memref<1x7x16x8x128xf32, #tpu.memory_space<vmem>>
    %dma_start3A_23 = tpu.memref_squeeze %dma_start3A_22 : memref<1x7x16x8x128xf32, #tpu.memory_space<vmem>> -> memref<7x16x8x128xf32, #tpu.memory_space<vmem>>
    %dma_start3A_24 = arith.constant 7 : i32
    %dma_start3A_25 = arith.constant 0 : i32
    %dma_start3A_26 = arith.constant 0 : i32
    %dma_start3A_27 = arith.constant 0 : i32
    %dma_start3A_28 = tpu.memref_slice %arg0[%dma_start3A_24, %dma_start3A_25, %dma_start3A_26, %dma_start3A_27] : memref<2401x16x8x128xf32, #tpu.memory_space<any>> -> memref<7x16x8x128xf32, #tpu.memory_space<any>>
    tpu.enqueue_dma source(%dma_start3A_28 : memref<7x16x8x128xf32, #tpu.memory_space<any>>) target(%dma_start3A_23 : memref<7x16x8x128xf32, #tpu.memory_space<vmem>>) target_semaphore(%dma_start3A_17 : memref<!tpu.dma_semaphore, #tpu.memory_space<semaphore_mem>>)
    %dma_start3A_29 = arith.constant 2 : i32
    %dma_start3A_30 = arith.constant 2 : i32
    %dma_start3A_31 = tpu.memref_slice %arg6[%dma_start3A_30] : memref<8x!tpu.dma_semaphore, #tpu.memory_space<semaphore_mem>> -> memref<1x!tpu.dma_semaphore, #tpu.memory_space<semaphore_mem>>
    %dma_start3A_32 = tpu.memref_squeeze %dma_start3A_31 : memref<1x!tpu.dma_semaphore, #tpu.memory_space<semaphore_mem>> -> memref<!tpu.dma_semaphore, #tpu.memory_space<semaphore_mem>>
    %dma_start3A_33 = arith.constant 0 : i32
    %dma_start3A_34 = arith.constant 0 : i32
    %dma_start3A_35 = arith.constant 0 : i32
    %dma_start3A_36 = arith.constant 0 : i32
    %dma_start3A_37 = tpu.memref_slice %arg3[%dma_start3A_29, %dma_start3A_33, %dma_start3A_34, %dma_start3A_35, %dma_start3A_36] : memref<8x7x16x8x128xf32, #tpu.memory_space<vmem>> -> memref<1x7x16x8x128xf32, #tpu.memory_space<vmem>>
    %dma_start3A_38 = tpu.memref_squeeze %dma_start3A_37 : memref<1x7x16x8x128xf32, #tpu.memory_space<vmem>> -> memref<7x16x8x128xf32, #tpu.memory_space<vmem>>
    %dma_start3A_39 = arith.constant 14 : i32
    %dma_start3A_40 = arith.constant 0 : i32
    %dma_start3A_41 = arith.constant 0 : i32
    %dma_start3A_42 = arith.constant 0 : i32
    %dma_start3A_43 = tpu.memref_slice %arg0[%dma_start3A_39, %dma_start3A_40, %dma_start3A_41, %dma_start3A_42] : memref<2401x16x8x128xf32, #tpu.memory_space<any>> -> memref<7x16x8x128xf32, #tpu.memory_space<any>>
    tpu.enqueue_dma source(%dma_start3A_43 : memref<7x16x8x128xf32, #tpu.memory_space<any>>) target(%dma_start3A_38 : memref<7x16x8x128xf32, #tpu.memory_space<vmem>>) target_semaphore(%dma_start3A_32 : memref<!tpu.dma_semaphore, #tpu.memory_space<semaphore_mem>>)
    %dma_start3A_44 = arith.constant 3 : i32
    %dma_start3A_45 = arith.constant 3 : i32
    %dma_start3A_46 = tpu.memref_slice %arg6[%dma_start3A_45] : memref<8x!tpu.dma_semaphore, #tpu.memory_space<semaphore_mem>> -> memref<1x!tpu.dma_semaphore, #tpu.memory_space<semaphore_mem>>
    %dma_start3A_47 = tpu.memref_squeeze %dma_start3A_46 : memref<1x!tpu.dma_semaphore, #tpu.memory_space<semaphore_mem>> -> memref<!tpu.dma_semaphore, #tpu.memory_space<semaphore_mem>>
    %dma_start3A_48 = arith.constant 0 : i32
    %dma_start3A_49 = arith.constant 0 : i32
    %dma_start3A_50 = arith.constant 0 : i32
    %dma_start3A_51 = arith.constant 0 : i32
    %dma_start3A_52 = tpu.memref_slice %arg3[%dma_start3A_44, %dma_start3A_48, %dma_start3A_49, %dma_start3A_50, %dma_start3A_51] : memref<8x7x16x8x128xf32, #tpu.memory_space<vmem>> -> memref<1x7x16x8x128xf32, #tpu.memory_space<vmem>>
    %dma_start3A_53 = tpu.memref_squeeze %dma_start3A_52 : memref<1x7x16x8x128xf32, #tpu.memory_space<vmem>> -> memref<7x16x8x128xf32, #tpu.memory_space<vmem>>
    %dma_start3A_54 = arith.constant 21 : i32
    %dma_start3A_55 = arith.constant 0 : i32
    %dma_start3A_56 = arith.constant 0 : i32
    %dma_start3A_57 = arith.constant 0 : i32
    %dma_start3A_58 = tpu.memref_slice %arg0[%dma_start3A_54, %dma_start3A_55, %dma_start3A_56, %dma_start3A_57] : memref<2401x16x8x128xf32, #tpu.memory_space<any>> -> memref<7x16x8x128xf32, #tpu.memory_space<any>>
    tpu.enqueue_dma source(%dma_start3A_58 : memref<7x16x8x128xf32, #tpu.memory_space<any>>) target(%dma_start3A_53 : memref<7x16x8x128xf32, #tpu.memory_space<vmem>>) target_semaphore(%dma_start3A_47 : memref<!tpu.dma_semaphore, #tpu.memory_space<semaphore_mem>>)
    %dma_start3A_59 = arith.constant 4 : i32
    %dma_start3A_60 = arith.constant 4 : i32
    %dma_start3A_61 = tpu.memref_slice %arg6[%dma_start3A_60] : memref<8x!tpu.dma_semaphore, #tpu.memory_space<semaphore_mem>> -> memref<1x!tpu.dma_semaphore, #tpu.memory_space<semaphore_mem>>
    %dma_start3A_62 = tpu.memref_squeeze %dma_start3A_61 : memref<1x!tpu.dma_semaphore, #tpu.memory_space<semaphore_mem>> -> memref<!tpu.dma_semaphore, #tpu.memory_space<semaphore_mem>>
    %dma_start3A_63 = arith.constant 0 : i32
    %dma_start3A_64 = arith.constant 0 : i32
    %dma_start3A_65 = arith.constant 0 : i32
    %dma_start3A_66 = arith.constant 0 : i32
    %dma_start3A_67 = tpu.memref_slice %arg3[%dma_start3A_59, %dma_start3A_63, %dma_start3A_64, %dma_start3A_65, %dma_start3A_66] : memref<8x7x16x8x128xf32, #tpu.memory_space<vmem>> -> memref<1x7x16x8x128xf32, #tpu.memory_space<vmem>>
    %dma_start3A_68 = tpu.memref_squeeze %dma_start3A_67 : memref<1x7x16x8x128xf32, #tpu.memory_space<vmem>> -> memref<7x16x8x128xf32, #tpu.memory_space<vmem>>
    %dma_start3A_69 = arith.constant 28 : i32
    %dma_start3A_70 = arith.constant 0 : i32
    %dma_start3A_71 = arith.constant 0 : i32
    %dma_start3A_72 = arith.constant 0 : i32
    %dma_start3A_73 = tpu.memref_slice %arg0[%dma_start3A_69, %dma_start3A_70, %dma_start3A_71, %dma_start3A_72] : memref<2401x16x8x128xf32, #tpu.memory_space<any>> -> memref<7x16x8x128xf32, #tpu.memory_space<any>>
    tpu.enqueue_dma source(%dma_start3A_73 : memref<7x16x8x128xf32, #tpu.memory_space<any>>) target(%dma_start3A_68 : memref<7x16x8x128xf32, #tpu.memory_space<vmem>>) target_semaphore(%dma_start3A_62 : memref<!tpu.dma_semaphore, #tpu.memory_space<semaphore_mem>>)
    %dma_start3A_74 = arith.constant 5 : i32
    %dma_start3A_75 = arith.constant 5 : i32
    %dma_start3A_76 = tpu.memref_slice %arg6[%dma_start3A_75] : memref<8x!tpu.dma_semaphore, #tpu.memory_space<semaphore_mem>> -> memref<1x!tpu.dma_semaphore, #tpu.memory_space<semaphore_mem>>
    %dma_start3A_77 = tpu.memref_squeeze %dma_start3A_76 : memref<1x!tpu.dma_semaphore, #tpu.memory_space<semaphore_mem>> -> memref<!tpu.dma_semaphore, #tpu.memory_space<semaphore_mem>>
    %dma_start3A_78 = arith.constant 0 : i32
    %dma_start3A_79 = arith.constant 0 : i32
    %dma_start3A_80 = arith.constant 0 : i32
    %dma_start3A_81 = arith.constant 0 : i32
    %dma_start3A_82 = tpu.memref_slice %arg3[%dma_start3A_74, %dma_start3A_78, %dma_start3A_79, %dma_start3A_80, %dma_start3A_81] : memref<8x7x16x8x128xf32, #tpu.memory_space<vmem>> -> memref<1x7x16x8x128xf32, #tpu.memory_space<vmem>>
    %dma_start3A_83 = tpu.memref_squeeze %dma_start3A_82 : memref<1x7x16x8x128xf32, #tpu.memory_space<vmem>> -> memref<7x16x8x128xf32, #tpu.memory_space<vmem>>
    %dma_start3A_84 = arith.constant 35 : i32
    %dma_start3A_85 = arith.constant 0 : i32
    %dma_start3A_86 = arith.constant 0 : i32
    %dma_start3A_87 = arith.constant 0 : i32
    %dma_start3A_88 = tpu.memref_slice %arg0[%dma_start3A_84, %dma_start3A_85, %dma_start3A_86, %dma_start3A_87] : memref<2401x16x8x128xf32, #tpu.memory_space<any>> -> memref<7x16x8x128xf32, #tpu.memory_space<any>>
    tpu.enqueue_dma source(%dma_start3A_88 : memref<7x16x8x128xf32, #tpu.memory_space<any>>) target(%dma_start3A_83 : memref<7x16x8x128xf32, #tpu.memory_space<vmem>>) target_semaphore(%dma_start3A_77 : memref<!tpu.dma_semaphore, #tpu.memory_space<semaphore_mem>>)
    %dma_start3A_89 = arith.constant 6 : i32
    %dma_start3A_90 = arith.constant 6 : i32
    %dma_start3A_91 = tpu.memref_slice %arg6[%dma_start3A_90] : memref<8x!tpu.dma_semaphore, #tpu.memory_space<semaphore_mem>> -> memref<1x!tpu.dma_semaphore, #tpu.memory_space<semaphore_mem>>
    %dma_start3A_92 = tpu.memref_squeeze %dma_start3A_91 : memref<1x!tpu.dma_semaphore, #tpu.memory_space<semaphore_mem>> -> memref<!tpu.dma_semaphore, #tpu.memory_space<semaphore_mem>>
    %dma_start3A_93 = arith.constant 0 : i32
    %dma_start3A_94 = arith.constant 0 : i32
    %dma_start3A_95 = arith.constant 0 : i32
    %dma_start3A_96 = arith.constant 0 : i32
    %dma_start3A_97 = tpu.memref_slice %arg3[%dma_start3A_89, %dma_start3A_93, %dma_start3A_94, %dma_start3A_95, %dma_start3A_96] : memref<8x7x16x8x128xf32, #tpu.memory_space<vmem>> -> memref<1x7x16x8x128xf32, #tpu.memory_space<vmem>>
    %dma_start3A_98 = tpu.memref_squeeze %dma_start3A_97 : memref<1x7x16x8x128xf32, #tpu.memory_space<vmem>> -> memref<7x16x8x128xf32, #tpu.memory_space<vmem>>
    %dma_start3A_99 = arith.constant 42 : i32
    %dma_start3A_100 = arith.constant 0 : i32
    %dma_start3A_101 = arith.constant 0 : i32
    %dma_start3A_102 = arith.constant 0 : i32
    %dma_start3A_103 = tpu.memref_slice %arg0[%dma_start3A_99, %dma_start3A_100, %dma_start3A_101, %dma_start3A_102] : memref<2401x16x8x128xf32, #tpu.memory_space<any>> -> memref<7x16x8x128xf32, #tpu.memory_space<any>>
    tpu.enqueue_dma source(%dma_start3A_103 : memref<7x16x8x128xf32, #tpu.memory_space<any>>) target(%dma_start3A_98 : memref<7x16x8x128xf32, #tpu.memory_space<vmem>>) target_semaphore(%dma_start3A_92 : memref<!tpu.dma_semaphore, #tpu.memory_space<semaphore_mem>>)
    %dma_start3A_104 = arith.constant 7 : i32
    %dma_start3A_105 = arith.constant 7 : i32
    %dma_start3A_106 = tpu.memref_slice %arg6[%dma_start3A_105] : memref<8x!tpu.dma_semaphore, #tpu.memory_space<semaphore_mem>> -> memref<1x!tpu.dma_semaphore, #tpu.memory_space<semaphore_mem>>
    %dma_start3A_107 = tpu.memref_squeeze %dma_start3A_106 : memref<1x!tpu.dma_semaphore, #tpu.memory_space<semaphore_mem>> -> memref<!tpu.dma_semaphore, #tpu.memory_space<semaphore_mem>>
    %dma_start3A_108 = arith.constant 0 : i32
    %dma_start3A_109 = arith.constant 0 : i32
    %dma_start3A_110 = arith.constant 0 : i32
    %dma_start3A_111 = arith.constant 0 : i32
    %dma_start3A_112 = tpu.memref_slice %arg3[%dma_start3A_104, %dma_start3A_108, %dma_start3A_109, %dma_start3A_110, %dma_start3A_111] : memref<8x7x16x8x128xf32, #tpu.memory_space<vmem>> -> memref<1x7x16x8x128xf32, #tpu.memory_space<vmem>>
    %dma_start3A_113 = tpu.memref_squeeze %dma_start3A_112 : memref<1x7x16x8x128xf32, #tpu.memory_space<vmem>> -> memref<7x16x8x128xf32, #tpu.memory_space<vmem>>
    %dma_start3A_114 = arith.constant 49 : i32
    %dma_start3A_115 = arith.constant 0 : i32
    %dma_start3A_116 = arith.constant 0 : i32
    %dma_start3A_117 = arith.constant 0 : i32
    %dma_start3A_118 = tpu.memref_slice %arg0[%dma_start3A_114, %dma_start3A_115, %dma_start3A_116, %dma_start3A_117] : memref<2401x16x8x128xf32, #tpu.memory_space<any>> -> memref<7x16x8x128xf32, #tpu.memory_space<any>>
    tpu.enqueue_dma source(%dma_start3A_118 : memref<7x16x8x128xf32, #tpu.memory_space<any>>) target(%dma_start3A_113 : memref<7x16x8x128xf32, #tpu.memory_space<vmem>>) target_semaphore(%dma_start3A_107 : memref<!tpu.dma_semaphore, #tpu.memory_space<semaphore_mem>>)
    tpu.wait_dma2 semaphore(%arg8 : memref<!tpu.dma_semaphore, #tpu.memory_space<semaphore_mem>>) src(%arg1 : memref<2401x8x16xf32, #tpu.memory_space<any>>) dst(%arg5 : memref<2401x8x16xf32, #tpu.memory_space<vmem>>)
    %iota3A = tpu.iota {dimensions = array<i32: 0>} : vector<16x2048xi32>
    %iota3A_119 = tpu.iota {dimensions = array<i32: 1>} : vector<16x2048xi32>
    %jit3A = arith.constant 128 : i32
    %div3A = vector.broadcast %jit3A : i32 to vector<16x2048xi32>
    %div3A_120 = arith.divsi %iota3A_119, %div3A : vector<16x2048xi32>
    %sign3A = arith.constant 0 : i32
    %sign3A_121 = vector.broadcast %sign3A : i32 to vector<16x2048xi32>
    %sign3A_122 = arith.cmpi sgt, %iota3A_119, %sign3A_121 : vector<16x2048xi32>
    %sign3A_123 = arith.extui %sign3A_122 : vector<16x2048xi1> to vector<16x2048xi32>
    %sign3A_124 = arith.constant 0 : i32
    %sign3A_125 = vector.broadcast %sign3A_124 : i32 to vector<16x2048xi32>
    %sign3A_126 = arith.cmpi slt, %iota3A_119, %sign3A_125 : vector<16x2048xi32>
    %sign3A_127 = arith.extui %sign3A_126 : vector<16x2048xi1> to vector<16x2048xi32>
    %sign3A_128 = arith.subi %sign3A_123, %sign3A_127 : vector<16x2048xi32>
    %sign3A_129 = arith.constant 0 : i32
    %sign3A_130 = arith.cmpi sgt, %jit3A, %sign3A_129 : i32
    %sign3A_131 = arith.extui %sign3A_130 : i1 to i32
    %sign3A_132 = arith.constant 0 : i32
    %sign3A_133 = arith.cmpi slt, %jit3A, %sign3A_132 : i32
    %sign3A_134 = arith.extui %sign3A_133 : i1 to i32
    %sign3A_135 = arith.subi %sign3A_131, %sign3A_134 : i32
    %ne3A = vector.broadcast %sign3A_135 : i32 to vector<16x2048xi32>
    %ne3A_136 = arith.cmpi ne, %sign3A_128, %ne3A : vector<16x2048xi32>
    %rem3A = vector.broadcast %jit3A : i32 to vector<16x2048xi32>
    %rem3A_137 = arith.remsi %iota3A_119, %rem3A : vector<16x2048xi32>
    %ne3A_138 = arith.constant 0 : i32
    %ne3A_139 = vector.broadcast %ne3A_138 : i32 to vector<16x2048xi32>
    %ne3A_140 = arith.cmpi ne, %rem3A_137, %ne3A_139 : vector<16x2048xi32>
    %and3A = arith.andi %ne3A_136, %ne3A_140 : vector<16x2048xi1>
    %sub3A = arith.constant 1 : i32
    %sub3A_141 = vector.broadcast %sub3A : i32 to vector<16x2048xi32>
    %sub3A_142 = arith.subi %div3A_120, %sub3A_141 : vector<16x2048xi32>
    %select_n3A = arith.select %and3A, %sub3A_142, %div3A_120 : vector<16x2048xi1>, vector<16x2048xi32>
    %eq3A = arith.cmpi eq, %iota3A, %select_n3A : vector<16x2048xi32>
    %convert_element_type3A = arith.extui %eq3A : vector<16x2048xi1> to vector<16x2048xi32>
    %convert_element_type3A_143 = arith.sitofp %convert_element_type3A : vector<16x2048xi32> to vector<16x2048xf32>
    %scan3A = arith.constant 0 : i32
    %scan3A_144 = arith.constant 343 : i32
    %scan3A_145 = arith.addi %scan3A, %scan3A_144 : i32
    %scan3A_146 = arith.constant 1 : i32
    scf.for %scan3A_267 = %scan3A to %scan3A_145 step %scan3A_146  : i32 {
      %rem3A_268 = arith.constant 8 : i32
      %rem3A_269 = arith.remsi %scan3A_267, %rem3A_268 : i32
      %mul3A = arith.constant 7 : i32
      %mul3A_270 = arith.muli %scan3A_267, %mul3A : i32
      %dma_wait3A_271 = tpu.memref_slice %arg6[%rem3A_269] : memref<8x!tpu.dma_semaphore, #tpu.memory_space<semaphore_mem>> -> memref<1x!tpu.dma_semaphore, #tpu.memory_space<semaphore_mem>>
      %dma_wait3A_272 = tpu.memref_squeeze %dma_wait3A_271 : memref<1x!tpu.dma_semaphore, #tpu.memory_space<semaphore_mem>> -> memref<!tpu.dma_semaphore, #tpu.memory_space<semaphore_mem>>
      %dma_wait3A_273 = arith.constant 0 : i32
      %dma_wait3A_274 = arith.constant 0 : i32
      %dma_wait3A_275 = arith.constant 0 : i32
      %dma_wait3A_276 = arith.constant 0 : i32
      %dma_wait3A_277 = tpu.memref_slice %arg3[%rem3A_269, %dma_wait3A_273, %dma_wait3A_274, %dma_wait3A_275, %dma_wait3A_276] : memref<8x7x16x8x128xf32, #tpu.memory_space<vmem>> -> memref<1x7x16x8x128xf32, #tpu.memory_space<vmem>>
      %dma_wait3A_278 = tpu.memref_squeeze %dma_wait3A_277 : memref<1x7x16x8x128xf32, #tpu.memory_space<vmem>> -> memref<7x16x8x128xf32, #tpu.memory_space<vmem>>
      %dma_wait3A_279 = arith.constant 0 : i32
      %dma_wait3A_280 = arith.constant 0 : i32
      %dma_wait3A_281 = arith.constant 0 : i32
      %dma_wait3A_282 = tpu.memref_slice %arg0[%mul3A_270, %dma_wait3A_279, %dma_wait3A_280, %dma_wait3A_281] : memref<2401x16x8x128xf32, #tpu.memory_space<any>> -> memref<7x16x8x128xf32, #tpu.memory_space<any>>
      tpu.wait_dma2 semaphore(%dma_wait3A_272 : memref<!tpu.dma_semaphore, #tpu.memory_space<semaphore_mem>>) src(%dma_wait3A_282 : memref<7x16x8x128xf32, #tpu.memory_space<any>>) dst(%dma_wait3A_278 : memref<7x16x8x128xf32, #tpu.memory_space<vmem>>)
      %ge3A = arith.constant 8 : i32
      %ge3A_283 = arith.cmpi sge, %scan3A_267, %ge3A : i32
      %convert_element_type3A_284 = arith.extui %ge3A_283 : i1 to i32
      %cond3A = arith.constant 0 : i32
      %cond3A_285 = arith.cmpi ne, %convert_element_type3A_284, %cond3A : i32
      scf.if %cond3A_285 {
        %sub3A_2282 = arith.constant 8 : i32
        %sub3A_2283 = arith.subi %scan3A_267, %sub3A_2282 : i32
        %mul3A_2284 = arith.constant 7 : i32
        %mul3A_2285 = arith.muli %sub3A_2283, %mul3A_2284 : i32
        %dma_wait3A_2286 = tpu.memref_slice %arg7[%rem3A_269] : memref<8x!tpu.dma_semaphore, #tpu.memory_space<semaphore_mem>> -> memref<1x!tpu.dma_semaphore, #tpu.memory_space<semaphore_mem>>
        %dma_wait3A_2287 = tpu.memref_squeeze %dma_wait3A_2286 : memref<1x!tpu.dma_semaphore, #tpu.memory_space<semaphore_mem>> -> memref<!tpu.dma_semaphore, #tpu.memory_space<semaphore_mem>>
        %dma_wait3A_2288 = arith.constant 0 : i32
        %dma_wait3A_2289 = arith.constant 0 : i32
        %dma_wait3A_2290 = arith.constant 0 : i32
        %dma_wait3A_2291 = tpu.memref_slice %arg2[%mul3A_2285, %dma_wait3A_2288, %dma_wait3A_2289, %dma_wait3A_2290] : memref<2401x16x8x128xf32, #tpu.memory_space<any>> -> memref<7x16x8x128xf32, #tpu.memory_space<any>>
        %dma_wait3A_2292 = arith.constant 0 : i32
        %dma_wait3A_2293 = arith.constant 0 : i32
        %dma_wait3A_2294 = arith.constant 0 : i32
        %dma_wait3A_2295 = arith.constant 0 : i32
        %dma_wait3A_2296 = tpu.memref_slice %arg4[%rem3A_269, %dma_wait3A_2292, %dma_wait3A_2293, %dma_wait3A_2294, %dma_wait3A_2295] : memref<8x7x16x8x128xf32, #tpu.memory_space<vmem>> -> memref<1x7x16x8x128xf32, #tpu.memory_space<vmem>>
        %dma_wait3A_2297 = tpu.memref_squeeze %dma_wait3A_2296 : memref<1x7x16x8x128xf32, #tpu.memory_space<vmem>> -> memref<7x16x8x128xf32, #tpu.memory_space<vmem>>
        tpu.wait_dma2 semaphore(%dma_wait3A_2287 : memref<!tpu.dma_semaphore, #tpu.memory_space<semaphore_mem>>) src(%dma_wait3A_2297 : memref<7x16x8x128xf32, #tpu.memory_space<vmem>>) dst(%dma_wait3A_2291 : memref<7x16x8x128xf32, #tpu.memory_space<any>>)
      } else {
      }
      %mul3A_286 = arith.constant 7 : i32
      %mul3A_287 = arith.muli %scan3A_267, %mul3A_286 : i32
      %add3A = arith.constant 0 : i32
      %add3A_288 = arith.addi %mul3A_287, %add3A : i32
      %get3A = arith.index_cast %add3A_288 : i32 to index
      %get3A_289 = arith.constant 0 : index
      %get3A_290 = arith.constant 0 : index
      %get3A_291 = vector.load %arg5[%get3A, %get3A_289, %get3A_290] : memref<2401x8x16xf32, #tpu.memory_space<vmem>>, vector<1x8x16xf32>
      %get3A_292 = vector.shape_cast %get3A_291 : vector<1x8x16xf32> to vector<8x16xf32>
      %dot_general3A = arith.constant dense<0.000000e+00> : vector<8x2048xf32>
      %dot_general3A_293 = tpu.matmul %get3A_292, %convert_element_type3A_143, %dot_general3A {dimension_numbers = #tpu.dot_dimension_numbers<[1], [0], [0], [1], [0, 0, 1, 1], [], []>, transpose_lhs_hint = false} : vector<8x16xf32>, vector<16x2048xf32>, vector<8x2048xf32> -> vector<8x2048xf32>
      %get3A_294 = arith.index_cast %rem3A_269 : i32 to index
      %get3A_295 = arith.constant 0 : index
      %get3A_296 = arith.constant 0 : index
      %get3A_297 = arith.constant 0 : index
      %get3A_298 = arith.constant 0 : index
      %get3A_299 = vector.load %arg3[%get3A_294, %get3A_295, %get3A_296, %get3A_297, %get3A_298] : memref<8x7x16x8x128xf32, #tpu.memory_space<vmem>>, vector<1x1x1x8x128xf32>
      %get3A_300 = vector.shape_cast %get3A_299 : vector<1x1x1x8x128xf32> to vector<8x128xf32>
      %slice3A = vector.extract_strided_slice %dot_general3A_293 {offsets = [0, 0], sizes = [8, 128], strides = [1, 1]} : vector<8x2048xf32> to vector<8x128xf32>
      %add3A_301 = arith.addf %get3A_300, %slice3A : vector<8x128xf32>
      %swap3A = arith.index_cast %rem3A_269 : i32 to index
      %swap3A_302 = arith.constant 0 : index
      %swap3A_303 = arith.constant 0 : index
      %swap3A_304 = arith.constant 0 : index
      %swap3A_305 = arith.constant 0 : index
      %swap3A_306 = vector.load %arg4[%swap3A, %swap3A_302, %swap3A_303, %swap3A_304, %swap3A_305] : memref<8x7x16x8x128xf32, #tpu.memory_space<vmem>>, vector<1x1x1x8x128xf32>
      %swap3A_307 = vector.shape_cast %swap3A_306 : vector<1x1x1x8x128xf32> to vector<8x128xf32>
      %swap3A_308 = vector.shape_cast %add3A_301 : vector<8x128xf32> to vector<1x1x1x8x128xf32>
      tpu.vector_store %arg4[%swap3A, %swap3A_302, %swap3A_303, %swap3A_304, %swap3A_305], %swap3A_308 {strides = array<i32>} : memref<8x7x16x8x128xf32, #tpu.memory_space<vmem>>, vector<1x1x1x8x128xf32>,
      %get3A_309 = arith.index_cast %rem3A_269 : i32 to index
      %get3A_310 = arith.constant 0 : index
      %get3A_311 = arith.constant 1 : index
      %get3A_312 = arith.constant 0 : index
      %get3A_313 = arith.constant 0 : index
      %get3A_314 = vector.load %arg3[%get3A_309, %get3A_310, %get3A_311, %get3A_312, %get3A_313] : memref<8x7x16x8x128xf32, #tpu.memory_space<vmem>>, vector<1x1x1x8x128xf32>
      %get3A_315 = vector.shape_cast %get3A_314 : vector<1x1x1x8x128xf32> to vector<8x128xf32>
      %slice3A_316 = vector.extract_strided_slice %dot_general3A_293 {offsets = [0, 128], sizes = [8, 128], strides = [1, 1]} : vector<8x2048xf32> to vector<8x128xf32>
      %add3A_317 = arith.addf %get3A_315, %slice3A_316 : vector<8x128xf32>
      %swap3A_318 = arith.index_cast %rem3A_269 : i32 to index
      %swap3A_319 = arith.constant 0 : index
      %swap3A_320 = arith.constant 1 : index
      %swap3A_321 = arith.constant 0 : index
      %swap3A_322 = arith.constant 0 : index
      %swap3A_323 = vector.load %arg4[%swap3A_318, %swap3A_319, %swap3A_320, %swap3A_321, %swap3A_322] : memref<8x7x16x8x128xf32, #tpu.memory_space<vmem>>, vector<1x1x1x8x128xf32>
      %swap3A_324 = vector.shape_cast %swap3A_323 : vector<1x1x1x8x128xf32> to vector<8x128xf32>
      %swap3A_325 = vector.shape_cast %add3A_317 : vector<8x128xf32> to vector<1x1x1x8x128xf32>
      tpu.vector_store %arg4[%swap3A_318, %swap3A_319, %swap3A_320, %swap3A_321, %swap3A_322], %swap3A_325 {strides = array<i32>} : memref<8x7x16x8x128xf32, #tpu.memory_space<vmem>>, vector<1x1x1x8x128xf32>,
      %get3A_326 = arith.index_cast %rem3A_269 : i32 to index
      %get3A_327 = arith.constant 0 : index
      %get3A_328 = arith.constant 2 : index
      %get3A_329 = arith.constant 0 : index
      %get3A_330 = arith.constant 0 : index
      %get3A_331 = vector.load %arg3[%get3A_326, %get3A_327, %get3A_328, %get3A_329, %get3A_330] : memref<8x7x16x8x128xf32, #tpu.memory_space<vmem>>, vector<1x1x1x8x128xf32>
      %get3A_332 = vector.shape_cast %get3A_331 : vector<1x1x1x8x128xf32> to vector<8x128xf32>
      %slice3A_333 = vector.extract_strided_slice %dot_general3A_293 {offsets = [0, 256], sizes = [8, 128], strides = [1, 1]} : vector<8x2048xf32> to vector<8x128xf32>
      %add3A_334 = arith.addf %get3A_332, %slice3A_333 : vector<8x128xf32>
      %swap3A_335 = arith.index_cast %rem3A_269 : i32 to index
      %swap3A_336 = arith.constant 0 : index
      %swap3A_337 = arith.constant 2 : index
      %swap3A_338 = arith.constant 0 : index
      %swap3A_339 = arith.constant 0 : index
      %swap3A_340 = vector.load %arg4[%swap3A_335, %swap3A_336, %swap3A_337, %swap3A_338, %swap3A_339] : memref<8x7x16x8x128xf32, #tpu.memory_space<vmem>>, vector<1x1x1x8x128xf32>
      %swap3A_341 = vector.shape_cast %swap3A_340 : vector<1x1x1x8x128xf32> to vector<8x128xf32>
      %swap3A_342 = vector.shape_cast %add3A_334 : vector<8x128xf32> to vector<1x1x1x8x128xf32>
      tpu.vector_store %arg4[%swap3A_335, %swap3A_336, %swap3A_337, %swap3A_338, %swap3A_339], %swap3A_342 {strides = array<i32>} : memref<8x7x16x8x128xf32, #tpu.memory_space<vmem>>, vector<1x1x1x8x128xf32>,
      %get3A_343 = arith.index_cast %rem3A_269 : i32 to index
      %get3A_344 = arith.constant 0 : index
      %get3A_345 = arith.constant 3 : index
      %get3A_346 = arith.constant 0 : index
      %get3A_347 = arith.constant 0 : index
      %get3A_348 = vector.load %arg3[%get3A_343, %get3A_344, %get3A_345, %get3A_346, %get3A_347] : memref<8x7x16x8x128xf32, #tpu.memory_space<vmem>>, vector<1x1x1x8x128xf32>
      %get3A_349 = vector.shape_cast %get3A_348 : vector<1x1x1x8x128xf32> to vector<8x128xf32>
      %slice3A_350 = vector.extract_strided_slice %dot_general3A_293 {offsets = [0, 384], sizes = [8, 128], strides = [1, 1]} : vector<8x2048xf32> to vector<8x128xf32>
      %add3A_351 = arith.addf %get3A_349, %slice3A_350 : vector<8x128xf32>
      %swap3A_352 = arith.index_cast %rem3A_269 : i32 to index
      %swap3A_353 = arith.constant 0 : index
      %swap3A_354 = arith.constant 3 : index
      %swap3A_355 = arith.constant 0 : index
      %swap3A_356 = arith.constant 0 : index
      %swap3A_357 = vector.load %arg4[%swap3A_352, %swap3A_353, %swap3A_354, %swap3A_355, %swap3A_356] : memref<8x7x16x8x128xf32, #tpu.memory_space<vmem>>, vector<1x1x1x8x128xf32>
      %swap3A_358 = vector.shape_cast %swap3A_357 : vector<1x1x1x8x128xf32> to vector<8x128xf32>
      %swap3A_359 = vector.shape_cast %add3A_351 : vector<8x128xf32> to vector<1x1x1x8x128xf32>
      tpu.vector_store %arg4[%swap3A_352, %swap3A_353, %swap3A_354, %swap3A_355, %swap3A_356], %swap3A_359 {strides = array<i32>} : memref<8x7x16x8x128xf32, #tpu.memory_space<vmem>>, vector<1x1x1x8x128xf32>,
      %get3A_360 = arith.index_cast %rem3A_269 : i32 to index
      %get3A_361 = arith.constant 0 : index
      %get3A_362 = arith.constant 4 : index
      %get3A_363 = arith.constant 0 : index
      %get3A_364 = arith.constant 0 : index
      %get3A_365 = vector.load %arg3[%get3A_360, %get3A_361, %get3A_362, %get3A_363, %get3A_364] : memref<8x7x16x8x128xf32, #tpu.memory_space<vmem>>, vector<1x1x1x8x128xf32>
      %get3A_366 = vector.shape_cast %get3A_365 : vector<1x1x1x8x128xf32> to vector<8x128xf32>
      %slice3A_367 = vector.extract_strided_slice %dot_general3A_293 {offsets = [0, 512], sizes = [8, 128], strides = [1, 1]} : vector<8x2048xf32> to vector<8x128xf32>
      %add3A_368 = arith.addf %get3A_366, %slice3A_367 : vector<8x128xf32>
      %swap3A_369 = arith.index_cast %rem3A_269 : i32 to index
      %swap3A_370 = arith.constant 0 : index
      %swap3A_371 = arith.constant 4 : index
      %swap3A_372 = arith.constant 0 : index
      %swap3A_373 = arith.constant 0 : index
      %swap3A_374 = vector.load %arg4[%swap3A_369, %swap3A_370, %swap3A_371, %swap3A_372, %swap3A_373] : memref<8x7x16x8x128xf32, #tpu.memory_space<vmem>>, vector<1x1x1x8x128xf32>
      %swap3A_375 = vector.shape_cast %swap3A_374 : vector<1x1x1x8x128xf32> to vector<8x128xf32>
      %swap3A_376 = vector.shape_cast %add3A_368 : vector<8x128xf32> to vector<1x1x1x8x128xf32>
      tpu.vector_store %arg4[%swap3A_369, %swap3A_370, %swap3A_371, %swap3A_372, %swap3A_373], %swap3A_376 {strides = array<i32>} : memref<8x7x16x8x128xf32, #tpu.memory_space<vmem>>, vector<1x1x1x8x128xf32>,
      %get3A_377 = arith.index_cast %rem3A_269 : i32 to index
      %get3A_378 = arith.constant 0 : index
      %get3A_379 = arith.constant 5 : index
      %get3A_380 = arith.constant 0 : index
      %get3A_381 = arith.constant 0 : index
      %get3A_382 = vector.load %arg3[%get3A_377, %get3A_378, %get3A_379, %get3A_380, %get3A_381] : memref<8x7x16x8x128xf32, #tpu.memory_space<vmem>>, vector<1x1x1x8x128xf32>
      %get3A_383 = vector.shape_cast %get3A_382 : vector<1x1x1x8x128xf32> to vector<8x128xf32>
      %slice3A_384 = vector.extract_strided_slice %dot_general3A_293 {offsets = [0, 640], sizes = [8, 128], strides = [1, 1]} : vector<8x2048xf32> to vector<8x128xf32>
      %add3A_385 = arith.addf %get3A_383, %slice3A_384 : vector<8x128xf32>
      %swap3A_386 = arith.index_cast %rem3A_269 : i32 to index
      %swap3A_387 = arith.constant 0 : index
      %swap3A_388 = arith.constant 5 : index
      %swap3A_389 = arith.constant 0 : index
      %swap3A_390 = arith.constant 0 : index
      %swap3A_391 = vector.load %arg4[%swap3A_386, %swap3A_387, %swap3A_388, %swap3A_389, %swap3A_390] : memref<8x7x16x8x128xf32, #tpu.memory_space<vmem>>, vector<1x1x1x8x128xf32>
      %swap3A_392 = vector.shape_cast %swap3A_391 : vector<1x1x1x8x128xf32> to vector<8x128xf32>
      %swap3A_393 = vector.shape_cast %add3A_385 : vector<8x128xf32> to vector<1x1x1x8x128xf32>
      tpu.vector_store %arg4[%swap3A_386, %swap3A_387, %swap3A_388, %swap3A_389, %swap3A_390], %swap3A_393 {strides = array<i32>} : memref<8x7x16x8x128xf32, #tpu.memory_space<vmem>>, vector<1x1x1x8x128xf32>,
      %get3A_394 = arith.index_cast %rem3A_269 : i32 to index
      %get3A_395 = arith.constant 0 : index
      %get3A_396 = arith.constant 6 : index
      %get3A_397 = arith.constant 0 : index
      %get3A_398 = arith.constant 0 : index
      %get3A_399 = vector.load %arg3[%get3A_394, %get3A_395, %get3A_396, %get3A_397, %get3A_398] : memref<8x7x16x8x128xf32, #tpu.memory_space<vmem>>, vector<1x1x1x8x128xf32>
      %get3A_400 = vector.shape_cast %get3A_399 : vector<1x1x1x8x128xf32> to vector<8x128xf32>
      %slice3A_401 = vector.extract_strided_slice %dot_general3A_293 {offsets = [0, 768], sizes = [8, 128], strides = [1, 1]} : vector<8x2048xf32> to vector<8x128xf32>
      %add3A_402 = arith.addf %get3A_400, %slice3A_401 : vector<8x128xf32>
      %swap3A_403 = arith.index_cast %rem3A_269 : i32 to index
      %swap3A_404 = arith.constant 0 : index
      %swap3A_405 = arith.constant 6 : index
      %swap3A_406 = arith.constant 0 : index
      %swap3A_407 = arith.constant 0 : index
      %swap3A_408 = vector.load %arg4[%swap3A_403, %swap3A_404, %swap3A_405, %swap3A_406, %swap3A_407] : memref<8x7x16x8x128xf32, #tpu.memory_space<vmem>>, vector<1x1x1x8x128xf32>
      %swap3A_409 = vector.shape_cast %swap3A_408 : vector<1x1x1x8x128xf32> to vector<8x128xf32>
      %swap3A_410 = vector.shape_cast %add3A_402 : vector<8x128xf32> to vector<1x1x1x8x128xf32>
      tpu.vector_store %arg4[%swap3A_403, %swap3A_404, %swap3A_405, %swap3A_406, %swap3A_407], %swap3A_410 {strides = array<i32>} : memref<8x7x16x8x128xf32, #tpu.memory_space<vmem>>, vector<1x1x1x8x128xf32>,
      %get3A_411 = arith.index_cast %rem3A_269 : i32 to index
      %get3A_412 = arith.constant 0 : index
      %get3A_413 = arith.constant 7 : index
      %get3A_414 = arith.constant 0 : index
      %get3A_415 = arith.constant 0 : index
      %get3A_416 = vector.load %arg3[%get3A_411, %get3A_412, %get3A_413, %get3A_414, %get3A_415] : memref<8x7x16x8x128xf32, #tpu.memory_space<vmem>>, vector<1x1x1x8x128xf32>
      %get3A_417 = vector.shape_cast %get3A_416 : vector<1x1x1x8x128xf32> to vector<8x128xf32>
      %slice3A_418 = vector.extract_strided_slice %dot_general3A_293 {offsets = [0, 896], sizes = [8, 128], strides = [1, 1]} : vector<8x2048xf32> to vector<8x128xf32>
      %add3A_419 = arith.addf %get3A_417, %slice3A_418 : vector<8x128xf32>
      %swap3A_420 = arith.index_cast %rem3A_269 : i32 to index
      %swap3A_421 = arith.constant 0 : index
      %swap3A_422 = arith.constant 7 : index
      %swap3A_423 = arith.constant 0 : index
      %swap3A_424 = arith.constant 0 : index
      %swap3A_425 = vector.load %arg4[%swap3A_420, %swap3A_421, %swap3A_422, %swap3A_423, %swap3A_424] : memref<8x7x16x8x128xf32, #tpu.memory_space<vmem>>, vector<1x1x1x8x128xf32>
      %swap3A_426 = vector.shape_cast %swap3A_425 : vector<1x1x1x8x128xf32> to vector<8x128xf32>
      %swap3A_427 = vector.shape_cast %add3A_419 : vector<8x128xf32> to vector<1x1x1x8x128xf32>
      tpu.vector_store %arg4[%swap3A_420, %swap3A_421, %swap3A_422, %swap3A_423, %swap3A_424], %swap3A_427 {strides = array<i32>} : memref<8x7x16x8x128xf32, #tpu.memory_space<vmem>>, vector<1x1x1x8x128xf32>,
      %get3A_428 = arith.index_cast %rem3A_269 : i32 to index
      %get3A_429 = arith.constant 0 : index
      %get3A_430 = arith.constant 8 : index
      %get3A_431 = arith.constant 0 : index
      %get3A_432 = arith.constant 0 : index
      %get3A_433 = vector.load %arg3[%get3A_428, %get3A_429, %get3A_430, %get3A_431, %get3A_432] : memref<8x7x16x8x128xf32, #tpu.memory_space<vmem>>, vector<1x1x1x8x128xf32>
      %get3A_434 = vector.shape_cast %get3A_433 : vector<1x1x1x8x128xf32> to vector<8x128xf32>
      %slice3A_435 = vector.extract_strided_slice %dot_general3A_293 {offsets = [0, 1024], sizes = [8, 128], strides = [1, 1]} : vector<8x2048xf32> to vector<8x128xf32>
      %add3A_436 = arith.addf %get3A_434, %slice3A_435 : vector<8x128xf32>
      %swap3A_437 = arith.index_cast %rem3A_269 : i32 to index
      %swap3A_438 = arith.constant 0 : index
      %swap3A_439 = arith.constant 8 : index
      %swap3A_440 = arith.constant 0 : index
      %swap3A_441 = arith.constant 0 : index
      %swap3A_442 = vector.load %arg4[%swap3A_437, %swap3A_438, %swap3A_439, %swap3A_440, %swap3A_441] : memref<8x7x16x8x128xf32, #tpu.memory_space<vmem>>, vector<1x1x1x8x128xf32>
      %swap3A_443 = vector.shape_cast %swap3A_442 : vector<1x1x1x8x128xf32> to vector<8x128xf32>
      %swap3A_444 = vector.shape_cast %add3A_436 : vector<8x128xf32> to vector<1x1x1x8x128xf32>
      tpu.vector_store %arg4[%swap3A_437, %swap3A_438, %swap3A_439, %swap3A_440, %swap3A_441], %swap3A_444 {strides = array<i32>} : memref<8x7x16x8x128xf32, #tpu.memory_space<vmem>>, vector<1x1x1x8x128xf32>,
      %get3A_445 = arith.index_cast %rem3A_269 : i32 to index
      %get3A_446 = arith.constant 0 : index
      %get3A_447 = arith.constant 9 : index
      %get3A_448 = arith.constant 0 : index
      %get3A_449 = arith.constant 0 : index
      %get3A_450 = vector.load %arg3[%get3A_445, %get3A_446, %get3A_447, %get3A_448, %get3A_449] : memref<8x7x16x8x128xf32, #tpu.memory_space<vmem>>, vector<1x1x1x8x128xf32>
      %get3A_451 = vector.shape_cast %get3A_450 : vector<1x1x1x8x128xf32> to vector<8x128xf32>
      %slice3A_452 = vector.extract_strided_slice %dot_general3A_293 {offsets = [0, 1152], sizes = [8, 128], strides = [1, 1]} : vector<8x2048xf32> to vector<8x128xf32>
      %add3A_453 = arith.addf %get3A_451, %slice3A_452 : vector<8x128xf32>
      %swap3A_454 = arith.index_cast %rem3A_269 : i32 to index
      %swap3A_455 = arith.constant 0 : index
      %swap3A_456 = arith.constant 9 : index
      %swap3A_457 = arith.constant 0 : index
      %swap3A_458 = arith.constant 0 : index
      %swap3A_459 = vector.load %arg4[%swap3A_454, %swap3A_455, %swap3A_456, %swap3A_457, %swap3A_458] : memref<8x7x16x8x128xf32, #tpu.memory_space<vmem>>, vector<1x1x1x8x128xf32>
      %swap3A_460 = vector.shape_cast %swap3A_459 : vector<1x1x1x8x128xf32> to vector<8x128xf32>
      %swap3A_461 = vector.shape_cast %add3A_453 : vector<8x128xf32> to vector<1x1x1x8x128xf32>
      tpu.vector_store %arg4[%swap3A_454, %swap3A_455, %swap3A_456, %swap3A_457, %swap3A_458], %swap3A_461 {strides = array<i32>} : memref<8x7x16x8x128xf32, #tpu.memory_space<vmem>>, vector<1x1x1x8x128xf32>,
      %get3A_462 = arith.index_cast %rem3A_269 : i32 to index
      %get3A_463 = arith.constant 0 : index
      %get3A_464 = arith.constant 10 : index
      %get3A_465 = arith.constant 0 : index
      %get3A_466 = arith.constant 0 : index
      %get3A_467 = vector.load %arg3[%get3A_462, %get3A_463, %get3A_464, %get3A_465, %get3A_466] : memref<8x7x16x8x128xf32, #tpu.memory_space<vmem>>, vector<1x1x1x8x128xf32>
      %get3A_468 = vector.shape_cast %get3A_467 : vector<1x1x1x8x128xf32> to vector<8x128xf32>
      %slice3A_469 = vector.extract_strided_slice %dot_general3A_293 {offsets = [0, 1280], sizes = [8, 128], strides = [1, 1]} : vector<8x2048xf32> to vector<8x128xf32>
      %add3A_470 = arith.addf %get3A_468, %slice3A_469 : vector<8x128xf32>
      %swap3A_471 = arith.index_cast %rem3A_269 : i32 to index
      %swap3A_472 = arith.constant 0 : index
      %swap3A_473 = arith.constant 10 : index
      %swap3A_474 = arith.constant 0 : index
      %swap3A_475 = arith.constant 0 : index
      %swap3A_476 = vector.load %arg4[%swap3A_471, %swap3A_472, %swap3A_473, %swap3A_474, %swap3A_475] : memref<8x7x16x8x128xf32, #tpu.memory_space<vmem>>, vector<1x1x1x8x128xf32>
      %swap3A_477 = vector.shape_cast %swap3A_476 : vector<1x1x1x8x128xf32> to vector<8x128xf32>
      %swap3A_478 = vector.shape_cast %add3A_470 : vector<8x128xf32> to vector<1x1x1x8x128xf32>
      tpu.vector_store %arg4[%swap3A_471, %swap3A_472, %swap3A_473, %swap3A_474, %swap3A_475], %swap3A_478 {strides = array<i32>} : memref<8x7x16x8x128xf32, #tpu.memory_space<vmem>>, vector<1x1x1x8x128xf32>,
      %get3A_479 = arith.index_cast %rem3A_269 : i32 to index
      %get3A_480 = arith.constant 0 : index
      %get3A_481 = arith.constant 11 : index
      %get3A_482 = arith.constant 0 : index
      %get3A_483 = arith.constant 0 : index
      %get3A_484 = vector.load %arg3[%get3A_479, %get3A_480, %get3A_481, %get3A_482, %get3A_483] : memref<8x7x16x8x128xf32, #tpu.memory_space<vmem>>, vector<1x1x1x8x128xf32>
      %get3A_485 = vector.shape_cast %get3A_484 : vector<1x1x1x8x128xf32> to vector<8x128xf32>
      %slice3A_486 = vector.extract_strided_slice %dot_general3A_293 {offsets = [0, 1408], sizes = [8, 128], strides = [1, 1]} : vector<8x2048xf32> to vector<8x128xf32>
      %add3A_487 = arith.addf %get3A_485, %slice3A_486 : vector<8x128xf32>
      %swap3A_488 = arith.index_cast %rem3A_269 : i32 to index
      %swap3A_489 = arith.constant 0 : index
      %swap3A_490 = arith.constant 11 : index
      %swap3A_491 = arith.constant 0 : index
      %swap3A_492 = arith.constant 0 : index
      %swap3A_493 = vector.load %arg4[%swap3A_488, %swap3A_489, %swap3A_490, %swap3A_491, %swap3A_492] : memref<8x7x16x8x128xf32, #tpu.memory_space<vmem>>, vector<1x1x1x8x128xf32>
      %swap3A_494 = vector.shape_cast %swap3A_493 : vector<1x1x1x8x128xf32> to vector<8x128xf32>
      %swap3A_495 = vector.shape_cast %add3A_487 : vector<8x128xf32> to vector<1x1x1x8x128xf32>
      tpu.vector_store %arg4[%swap3A_488, %swap3A_489, %swap3A_490, %swap3A_491, %swap3A_492], %swap3A_495 {strides = array<i32>} : memref<8x7x16x8x128xf32, #tpu.memory_space<vmem>>, vector<1x1x1x8x128xf32>,
      %get3A_496 = arith.index_cast %rem3A_269 : i32 to index
      %get3A_497 = arith.constant 0 : index
      %get3A_498 = arith.constant 12 : index
      %get3A_499 = arith.constant 0 : index
      %get3A_500 = arith.constant 0 : index
      %get3A_501 = vector.load %arg3[%get3A_496, %get3A_497, %get3A_498, %get3A_499, %get3A_500] : memref<8x7x16x8x128xf32, #tpu.memory_space<vmem>>, vector<1x1x1x8x128xf32>
      %get3A_502 = vector.shape_cast %get3A_501 : vector<1x1x1x8x128xf32> to vector<8x128xf32>
      %slice3A_503 = vector.extract_strided_slice %dot_general3A_293 {offsets = [0, 1536], sizes = [8, 128], strides = [1, 1]} : vector<8x2048xf32> to vector<8x128xf32>
      %add3A_504 = arith.addf %get3A_502, %slice3A_503 : vector<8x128xf32>
      %swap3A_505 = arith.index_cast %rem3A_269 : i32 to index
      %swap3A_506 = arith.constant 0 : index
      %swap3A_507 = arith.constant 12 : index
      %swap3A_508 = arith.constant 0 : index
      %swap3A_509 = arith.constant 0 : index
      %swap3A_510 = vector.load %arg4[%swap3A_505, %swap3A_506, %swap3A_507, %swap3A_508, %swap3A_509] : memref<8x7x16x8x128xf32, #tpu.memory_space<vmem>>, vector<1x1x1x8x128xf32>
      %swap3A_511 = vector.shape_cast %swap3A_510 : vector<1x1x1x8x128xf32> to vector<8x128xf32>
      %swap3A_512 = vector.shape_cast %add3A_504 : vector<8x128xf32> to vector<1x1x1x8x128xf32>
      tpu.vector_store %arg4[%swap3A_505, %swap3A_506, %swap3A_507, %swap3A_508, %swap3A_509], %swap3A_512 {strides = array<i32>} : memref<8x7x16x8x128xf32, #tpu.memory_space<vmem>>, vector<1x1x1x8x128xf32>,
      %get3A_513 = arith.index_cast %rem3A_269 : i32 to index
      %get3A_514 = arith.constant 0 : index
      %get3A_515 = arith.constant 13 : index
      %get3A_516 = arith.constant 0 : index
      %get3A_517 = arith.constant 0 : index
      %get3A_518 = vector.load %arg3[%get3A_513, %get3A_514, %get3A_515, %get3A_516, %get3A_517] : memref<8x7x16x8x128xf32, #tpu.memory_space<vmem>>, vector<1x1x1x8x128xf32>
      %get3A_519 = vector.shape_cast %get3A_518 : vector<1x1x1x8x128xf32> to vector<8x128xf32>
      %slice3A_520 = vector.extract_strided_slice %dot_general3A_293 {offsets = [0, 1664], sizes = [8, 128], strides = [1, 1]} : vector<8x2048xf32> to vector<8x128xf32>
      %add3A_521 = arith.addf %get3A_519, %slice3A_520 : vector<8x128xf32>
      %swap3A_522 = arith.index_cast %rem3A_269 : i32 to index
      %swap3A_523 = arith.constant 0 : index
      %swap3A_524 = arith.constant 13 : index
      %swap3A_525 = arith.constant 0 : index
      %swap3A_526 = arith.constant 0 : index
      %swap3A_527 = vector.load %arg4[%swap3A_522, %swap3A_523, %swap3A_524, %swap3A_525, %swap3A_526] : memref<8x7x16x8x128xf32, #tpu.memory_space<vmem>>, vector<1x1x1x8x128xf32>
      %swap3A_528 = vector.shape_cast %swap3A_527 : vector<1x1x1x8x128xf32> to vector<8x128xf32>
      %swap3A_529 = vector.shape_cast %add3A_521 : vector<8x128xf32> to vector<1x1x1x8x128xf32>
      tpu.vector_store %arg4[%swap3A_522, %swap3A_523, %swap3A_524, %swap3A_525, %swap3A_526], %swap3A_529 {strides = array<i32>} : memref<8x7x16x8x128xf32, #tpu.memory_space<vmem>>, vector<1x1x1x8x128xf32>,
      %get3A_530 = arith.index_cast %rem3A_269 : i32 to index
      %get3A_531 = arith.constant 0 : index
      %get3A_532 = arith.constant 14 : index
      %get3A_533 = arith.constant 0 : index
      %get3A_534 = arith.constant 0 : index
      %get3A_535 = vector.load %arg3[%get3A_530, %get3A_531, %get3A_532, %get3A_533, %get3A_534] : memref<8x7x16x8x128xf32, #tpu.memory_space<vmem>>, vector<1x1x1x8x128xf32>
      %get3A_536 = vector.shape_cast %get3A_535 : vector<1x1x1x8x128xf32> to vector<8x128xf32>
      %slice3A_537 = vector.extract_strided_slice %dot_general3A_293 {offsets = [0, 1792], sizes = [8, 128], strides = [1, 1]} : vector<8x2048xf32> to vector<8x128xf32>
      %add3A_538 = arith.addf %get3A_536, %slice3A_537 : vector<8x128xf32>
      %swap3A_539 = arith.index_cast %rem3A_269 : i32 to index
      %swap3A_540 = arith.constant 0 : index
      %swap3A_541 = arith.constant 14 : index
      %swap3A_542 = arith.constant 0 : index
      %swap3A_543 = arith.constant 0 : index
      %swap3A_544 = vector.load %arg4[%swap3A_539, %swap3A_540, %swap3A_541, %swap3A_542, %swap3A_543] : memref<8x7x16x8x128xf32, #tpu.memory_space<vmem>>, vector<1x1x1x8x128xf32>
      %swap3A_545 = vector.shape_cast %swap3A_544 : vector<1x1x1x8x128xf32> to vector<8x128xf32>
      %swap3A_546 = vector.shape_cast %add3A_538 : vector<8x128xf32> to vector<1x1x1x8x128xf32>
      tpu.vector_store %arg4[%swap3A_539, %swap3A_540, %swap3A_541, %swap3A_542, %swap3A_543], %swap3A_546 {strides = array<i32>} : memref<8x7x16x8x128xf32, #tpu.memory_space<vmem>>, vector<1x1x1x8x128xf32>,
      %get3A_547 = arith.index_cast %rem3A_269 : i32 to index
      %get3A_548 = arith.constant 0 : index
      %get3A_549 = arith.constant 15 : index
      %get3A_550 = arith.constant 0 : index
      %get3A_551 = arith.constant 0 : index
      %get3A_552 = vector.load %arg3[%get3A_547, %get3A_548, %get3A_549, %get3A_550, %get3A_551] : memref<8x7x16x8x128xf32, #tpu.memory_space<vmem>>, vector<1x1x1x8x128xf32>
      %get3A_553 = vector.shape_cast %get3A_552 : vector<1x1x1x8x128xf32> to vector<8x128xf32>
      %slice3A_554 = vector.extract_strided_slice %dot_general3A_293 {offsets = [0, 1920], sizes = [8, 128], strides = [1, 1]} : vector<8x2048xf32> to vector<8x128xf32>
      %add3A_555 = arith.addf %get3A_553, %slice3A_554 : vector<8x128xf32>
      %swap3A_556 = arith.index_cast %rem3A_269 : i32 to index
      %swap3A_557 = arith.constant 0 : index
      %swap3A_558 = arith.constant 15 : index
      %swap3A_559 = arith.constant 0 : index
      %swap3A_560 = arith.constant 0 : index
      %swap3A_561 = vector.load %arg4[%swap3A_556, %swap3A_557, %swap3A_558, %swap3A_559, %swap3A_560] : memref<8x7x16x8x128xf32, #tpu.memory_space<vmem>>, vector<1x1x1x8x128xf32>
      %swap3A_562 = vector.shape_cast %swap3A_561 : vector<1x1x1x8x128xf32> to vector<8x128xf32>
      %swap3A_563 = vector.shape_cast %add3A_555 : vector<8x128xf32> to vector<1x1x1x8x128xf32>
      tpu.vector_store %arg4[%swap3A_556, %swap3A_557, %swap3A_558, %swap3A_559, %swap3A_560], %swap3A_563 {strides = array<i32>} : memref<8x7x16x8x128xf32, #tpu.memory_space<vmem>>, vector<1x1x1x8x128xf32>,
      %mul3A_564 = arith.constant 7 : i32
      %mul3A_565 = arith.muli %scan3A_267, %mul3A_564 : i32
      %add3A_566 = arith.constant 1 : i32
      %add3A_567 = arith.addi %mul3A_565, %add3A_566 : i32
      %get3A_568 = arith.index_cast %add3A_567 : i32 to index
      %get3A_569 = arith.constant 0 : index
      %get3A_570 = arith.constant 0 : index
      %get3A_571 = vector.load %arg5[%get3A_568, %get3A_569, %get3A_570] : memref<2401x8x16xf32, #tpu.memory_space<vmem>>, vector<1x8x16xf32>
      %get3A_572 = vector.shape_cast %get3A_571 : vector<1x8x16xf32> to vector<8x16xf32>
      %dot_general3A_573 = arith.constant dense<0.000000e+00> : vector<8x2048xf32>
      %dot_general3A_574 = tpu.matmul %get3A_572, %convert_element_type3A_143, %dot_general3A_573 {dimension_numbers = #tpu.dot_dimension_numbers<[1], [0], [0], [1], [0, 0, 1, 1], [], []>, transpose_lhs_hint = false} : vector<8x16xf32>, vector<16x2048xf32>, vector<8x2048xf32> -> vector<8x2048xf32>
      %get3A_575 = arith.index_cast %rem3A_269 : i32 to index
      %get3A_576 = arith.constant 1 : index
      %get3A_577 = arith.constant 0 : index
      %get3A_578 = arith.constant 0 : index
      %get3A_579 = arith.constant 0 : index
      %get3A_580 = vector.load %arg3[%get3A_575, %get3A_576, %get3A_577, %get3A_578, %get3A_579] : memref<8x7x16x8x128xf32, #tpu.memory_space<vmem>>, vector<1x1x1x8x128xf32>
      %get3A_581 = vector.shape_cast %get3A_580 : vector<1x1x1x8x128xf32> to vector<8x128xf32>
      %slice3A_582 = vector.extract_strided_slice %dot_general3A_574 {offsets = [0, 0], sizes = [8, 128], strides = [1, 1]} : vector<8x2048xf32> to vector<8x128xf32>
      %add3A_583 = arith.addf %get3A_581, %slice3A_582 : vector<8x128xf32>
      %swap3A_584 = arith.index_cast %rem3A_269 : i32 to index
      %swap3A_585 = arith.constant 1 : index
      %swap3A_586 = arith.constant 0 : index
      %swap3A_587 = arith.constant 0 : index
      %swap3A_588 = arith.constant 0 : index
      %swap3A_589 = vector.load %arg4[%swap3A_584, %swap3A_585, %swap3A_586, %swap3A_587, %swap3A_588] : memref<8x7x16x8x128xf32, #tpu.memory_space<vmem>>, vector<1x1x1x8x128xf32>
      %swap3A_590 = vector.shape_cast %swap3A_589 : vector<1x1x1x8x128xf32> to vector<8x128xf32>
      %swap3A_591 = vector.shape_cast %add3A_583 : vector<8x128xf32> to vector<1x1x1x8x128xf32>
      tpu.vector_store %arg4[%swap3A_584, %swap3A_585, %swap3A_586, %swap3A_587, %swap3A_588], %swap3A_591 {strides = array<i32>} : memref<8x7x16x8x128xf32, #tpu.memory_space<vmem>>, vector<1x1x1x8x128xf32>,
      %get3A_592 = arith.index_cast %rem3A_269 : i32 to index
      %get3A_593 = arith.constant 1 : index
      %get3A_594 = arith.constant 1 : index
      %get3A_595 = arith.constant 0 : index
      %get3A_596 = arith.constant 0 : index
      %get3A_597 = vector.load %arg3[%get3A_592, %get3A_593, %get3A_594, %get3A_595, %get3A_596] : memref<8x7x16x8x128xf32, #tpu.memory_space<vmem>>, vector<1x1x1x8x128xf32>
      %get3A_598 = vector.shape_cast %get3A_597 : vector<1x1x1x8x128xf32> to vector<8x128xf32>
      %slice3A_599 = vector.extract_strided_slice %dot_general3A_574 {offsets = [0, 128], sizes = [8, 128], strides = [1, 1]} : vector<8x2048xf32> to vector<8x128xf32>
      %add3A_600 = arith.addf %get3A_598, %slice3A_599 : vector<8x128xf32>
      %swap3A_601 = arith.index_cast %rem3A_269 : i32 to index
      %swap3A_602 = arith.constant 1 : index
      %swap3A_603 = arith.constant 1 : index
      %swap3A_604 = arith.constant 0 : index
      %swap3A_605 = arith.constant 0 : index
      %swap3A_606 = vector.load %arg4[%swap3A_601, %swap3A_602, %swap3A_603, %swap3A_604, %swap3A_605] : memref<8x7x16x8x128xf32, #tpu.memory_space<vmem>>, vector<1x1x1x8x128xf32>
      %swap3A_607 = vector.shape_cast %swap3A_606 : vector<1x1x1x8x128xf32> to vector<8x128xf32>
      %swap3A_608 = vector.shape_cast %add3A_600 : vector<8x128xf32> to vector<1x1x1x8x128xf32>
      tpu.vector_store %arg4[%swap3A_601, %swap3A_602, %swap3A_603, %swap3A_604, %swap3A_605], %swap3A_608 {strides = array<i32>} : memref<8x7x16x8x128xf32, #tpu.memory_space<vmem>>, vector<1x1x1x8x128xf32>,
      %get3A_609 = arith.index_cast %rem3A_269 : i32 to index
      %get3A_610 = arith.constant 1 : index
      %get3A_611 = arith.constant 2 : index
      %get3A_612 = arith.constant 0 : index
      %get3A_613 = arith.constant 0 : index
      %get3A_614 = vector.load %arg3[%get3A_609, %get3A_610, %get3A_611, %get3A_612, %get3A_613] : memref<8x7x16x8x128xf32, #tpu.memory_space<vmem>>, vector<1x1x1x8x128xf32>
      %get3A_615 = vector.shape_cast %get3A_614 : vector<1x1x1x8x128xf32> to vector<8x128xf32>
      %slice3A_616 = vector.extract_strided_slice %dot_general3A_574 {offsets = [0, 256], sizes = [8, 128], strides = [1, 1]} : vector<8x2048xf32> to vector<8x128xf32>
      %add3A_617 = arith.addf %get3A_615, %slice3A_616 : vector<8x128xf32>
      %swap3A_618 = arith.index_cast %rem3A_269 : i32 to index
      %swap3A_619 = arith.constant 1 : index
      %swap3A_620 = arith.constant 2 : index
      %swap3A_621 = arith.constant 0 : index
      %swap3A_622 = arith.constant 0 : index
      %swap3A_623 = vector.load %arg4[%swap3A_618, %swap3A_619, %swap3A_620, %swap3A_621, %swap3A_622] : memref<8x7x16x8x128xf32, #tpu.memory_space<vmem>>, vector<1x1x1x8x128xf32>
      %swap3A_624 = vector.shape_cast %swap3A_623 : vector<1x1x1x8x128xf32> to vector<8x128xf32>
      %swap3A_625 = vector.shape_cast %add3A_617 : vector<8x128xf32> to vector<1x1x1x8x128xf32>
      tpu.vector_store %arg4[%swap3A_618, %swap3A_619, %swap3A_620, %swap3A_621, %swap3A_622], %swap3A_625 {strides = array<i32>} : memref<8x7x16x8x128xf32, #tpu.memory_space<vmem>>, vector<1x1x1x8x128xf32>,
      %get3A_626 = arith.index_cast %rem3A_269 : i32 to index
      %get3A_627 = arith.constant 1 : index
      %get3A_628 = arith.constant 3 : index
      %get3A_629 = arith.constant 0 : index
      %get3A_630 = arith.constant 0 : index
      %get3A_631 = vector.load %arg3[%get3A_626, %get3A_627, %get3A_628, %get3A_629, %get3A_630] : memref<8x7x16x8x128xf32, #tpu.memory_space<vmem>>, vector<1x1x1x8x128xf32>
      %get3A_632 = vector.shape_cast %get3A_631 : vector<1x1x1x8x128xf32> to vector<8x128xf32>
      %slice3A_633 = vector.extract_strided_slice %dot_general3A_574 {offsets = [0, 384], sizes = [8, 128], strides = [1, 1]} : vector<8x2048xf32> to vector<8x128xf32>
      %add3A_634 = arith.addf %get3A_632, %slice3A_633 : vector<8x128xf32>
      %swap3A_635 = arith.index_cast %rem3A_269 : i32 to index
      %swap3A_636 = arith.constant 1 : index
      %swap3A_637 = arith.constant 3 : index
      %swap3A_638 = arith.constant 0 : index
      %swap3A_639 = arith.constant 0 : index
      %swap3A_640 = vector.load %arg4[%swap3A_635, %swap3A_636, %swap3A_637, %swap3A_638, %swap3A_639] : memref<8x7x16x8x128xf32, #tpu.memory_space<vmem>>, vector<1x1x1x8x128xf32>
      %swap3A_641 = vector.shape_cast %swap3A_640 : vector<1x1x1x8x128xf32> to vector<8x128xf32>
      %swap3A_642 = vector.shape_cast %add3A_634 : vector<8x128xf32> to vector<1x1x1x8x128xf32>
      tpu.vector_store %arg4[%swap3A_635, %swap3A_636, %swap3A_637, %swap3A_638, %swap3A_639], %swap3A_642 {strides = array<i32>} : memref<8x7x16x8x128xf32, #tpu.memory_space<vmem>>, vector<1x1x1x8x128xf32>,
      %get3A_643 = arith.index_cast %rem3A_269 : i32 to index
      %get3A_644 = arith.constant 1 : index
      %get3A_645 = arith.constant 4 : index
      %get3A_646 = arith.constant 0 : index
      %get3A_647 = arith.constant 0 : index
      %get3A_648 = vector.load %arg3[%get3A_643, %get3A_644, %get3A_645, %get3A_646, %get3A_647] : memref<8x7x16x8x128xf32, #tpu.memory_space<vmem>>, vector<1x1x1x8x128xf32>
      %get3A_649 = vector.shape_cast %get3A_648 : vector<1x1x1x8x128xf32> to vector<8x128xf32>
      %slice3A_650 = vector.extract_strided_slice %dot_general3A_574 {offsets = [0, 512], sizes = [8, 128], strides = [1, 1]} : vector<8x2048xf32> to vector<8x128xf32>
      %add3A_651 = arith.addf %get3A_649, %slice3A_650 : vector<8x128xf32>
      %swap3A_652 = arith.index_cast %rem3A_269 : i32 to index
      %swap3A_653 = arith.constant 1 : index
      %swap3A_654 = arith.constant 4 : index
      %swap3A_655 = arith.constant 0 : index
      %swap3A_656 = arith.constant 0 : index
      %swap3A_657 = vector.load %arg4[%swap3A_652, %swap3A_653, %swap3A_654, %swap3A_655, %swap3A_656] : memref<8x7x16x8x128xf32, #tpu.memory_space<vmem>>, vector<1x1x1x8x128xf32>
      %swap3A_658 = vector.shape_cast %swap3A_657 : vector<1x1x1x8x128xf32> to vector<8x128xf32>
      %swap3A_659 = vector.shape_cast %add3A_651 : vector<8x128xf32> to vector<1x1x1x8x128xf32>
      tpu.vector_store %arg4[%swap3A_652, %swap3A_653, %swap3A_654, %swap3A_655, %swap3A_656], %swap3A_659 {strides = array<i32>} : memref<8x7x16x8x128xf32, #tpu.memory_space<vmem>>, vector<1x1x1x8x128xf32>,
      %get3A_660 = arith.index_cast %rem3A_269 : i32 to index
      %get3A_661 = arith.constant 1 : index
      %get3A_662 = arith.constant 5 : index
      %get3A_663 = arith.constant 0 : index
      %get3A_664 = arith.constant 0 : index
      %get3A_665 = vector.load %arg3[%get3A_660, %get3A_661, %get3A_662, %get3A_663, %get3A_664] : memref<8x7x16x8x128xf32, #tpu.memory_space<vmem>>, vector<1x1x1x8x128xf32>
      %get3A_666 = vector.shape_cast %get3A_665 : vector<1x1x1x8x128xf32> to vector<8x128xf32>
      %slice3A_667 = vector.extract_strided_slice %dot_general3A_574 {offsets = [0, 640], sizes = [8, 128], strides = [1, 1]} : vector<8x2048xf32> to vector<8x128xf32>
      %add3A_668 = arith.addf %get3A_666, %slice3A_667 : vector<8x128xf32>
      %swap3A_669 = arith.index_cast %rem3A_269 : i32 to index
      %swap3A_670 = arith.constant 1 : index
      %swap3A_671 = arith.constant 5 : index
      %swap3A_672 = arith.constant 0 : index
      %swap3A_673 = arith.constant 0 : index
      %swap3A_674 = vector.load %arg4[%swap3A_669, %swap3A_670, %swap3A_671, %swap3A_672, %swap3A_673] : memref<8x7x16x8x128xf32, #tpu.memory_space<vmem>>, vector<1x1x1x8x128xf32>
      %swap3A_675 = vector.shape_cast %swap3A_674 : vector<1x1x1x8x128xf32> to vector<8x128xf32>
      %swap3A_676 = vector.shape_cast %add3A_668 : vector<8x128xf32> to vector<1x1x1x8x128xf32>
      tpu.vector_store %arg4[%swap3A_669, %swap3A_670, %swap3A_671, %swap3A_672, %swap3A_673], %swap3A_676 {strides = array<i32>} : memref<8x7x16x8x128xf32, #tpu.memory_space<vmem>>, vector<1x1x1x8x128xf32>,
      %get3A_677 = arith.index_cast %rem3A_269 : i32 to index
      %get3A_678 = arith.constant 1 : index
      %get3A_679 = arith.constant 6 : index
      %get3A_680 = arith.constant 0 : index
      %get3A_681 = arith.constant 0 : index
      %get3A_682 = vector.load %arg3[%get3A_677, %get3A_678, %get3A_679, %get3A_680, %get3A_681] : memref<8x7x16x8x128xf32, #tpu.memory_space<vmem>>, vector<1x1x1x8x128xf32>
      %get3A_683 = vector.shape_cast %get3A_682 : vector<1x1x1x8x128xf32> to vector<8x128xf32>
      %slice3A_684 = vector.extract_strided_slice %dot_general3A_574 {offsets = [0, 768], sizes = [8, 128], strides = [1, 1]} : vector<8x2048xf32> to vector<8x128xf32>
      %add3A_685 = arith.addf %get3A_683, %slice3A_684 : vector<8x128xf32>
      %swap3A_686 = arith.index_cast %rem3A_269 : i32 to index
      %swap3A_687 = arith.constant 1 : index
      %swap3A_688 = arith.constant 6 : index
      %swap3A_689 = arith.constant 0 : index
      %swap3A_690 = arith.constant 0 : index
      %swap3A_691 = vector.load %arg4[%swap3A_686, %swap3A_687, %swap3A_688, %swap3A_689, %swap3A_690] : memref<8x7x16x8x128xf32, #tpu.memory_space<vmem>>, vector<1x1x1x8x128xf32>
      %swap3A_692 = vector.shape_cast %swap3A_691 : vector<1x1x1x8x128xf32> to vector<8x128xf32>
      %swap3A_693 = vector.shape_cast %add3A_685 : vector<8x128xf32> to vector<1x1x1x8x128xf32>
      tpu.vector_store %arg4[%swap3A_686, %swap3A_687, %swap3A_688, %swap3A_689, %swap3A_690], %swap3A_693 {strides = array<i32>} : memref<8x7x16x8x128xf32, #tpu.memory_space<vmem>>, vector<1x1x1x8x128xf32>,
      %get3A_694 = arith.index_cast %rem3A_269 : i32 to index
      %get3A_695 = arith.constant 1 : index
      %get3A_696 = arith.constant 7 : index
      %get3A_697 = arith.constant 0 : index
      %get3A_698 = arith.constant 0 : index
      %get3A_699 = vector.load %arg3[%get3A_694, %get3A_695, %get3A_696, %get3A_697, %get3A_698] : memref<8x7x16x8x128xf32, #tpu.memory_space<vmem>>, vector<1x1x1x8x128xf32>
      %get3A_700 = vector.shape_cast %get3A_699 : vector<1x1x1x8x128xf32> to vector<8x128xf32>
      %slice3A_701 = vector.extract_strided_slice %dot_general3A_574 {offsets = [0, 896], sizes = [8, 128], strides = [1, 1]} : vector<8x2048xf32> to vector<8x128xf32>
      %add3A_702 = arith.addf %get3A_700, %slice3A_701 : vector<8x128xf32>
      %swap3A_703 = arith.index_cast %rem3A_269 : i32 to index
      %swap3A_704 = arith.constant 1 : index
      %swap3A_705 = arith.constant 7 : index
      %swap3A_706 = arith.constant 0 : index
      %swap3A_707 = arith.constant 0 : index
      %swap3A_708 = vector.load %arg4[%swap3A_703, %swap3A_704, %swap3A_705, %swap3A_706, %swap3A_707] : memref<8x7x16x8x128xf32, #tpu.memory_space<vmem>>, vector<1x1x1x8x128xf32>
      %swap3A_709 = vector.shape_cast %swap3A_708 : vector<1x1x1x8x128xf32> to vector<8x128xf32>
      %swap3A_710 = vector.shape_cast %add3A_702 : vector<8x128xf32> to vector<1x1x1x8x128xf32>
      tpu.vector_store %arg4[%swap3A_703, %swap3A_704, %swap3A_705, %swap3A_706, %swap3A_707], %swap3A_710 {strides = array<i32>} : memref<8x7x16x8x128xf32, #tpu.memory_space<vmem>>, vector<1x1x1x8x128xf32>,
      %get3A_711 = arith.index_cast %rem3A_269 : i32 to index
      %get3A_712 = arith.constant 1 : index
      %get3A_713 = arith.constant 8 : index
      %get3A_714 = arith.constant 0 : index
      %get3A_715 = arith.constant 0 : index
      %get3A_716 = vector.load %arg3[%get3A_711, %get3A_712, %get3A_713, %get3A_714, %get3A_715] : memref<8x7x16x8x128xf32, #tpu.memory_space<vmem>>, vector<1x1x1x8x128xf32>
      %get3A_717 = vector.shape_cast %get3A_716 : vector<1x1x1x8x128xf32> to vector<8x128xf32>
      %slice3A_718 = vector.extract_strided_slice %dot_general3A_574 {offsets = [0, 1024], sizes = [8, 128], strides = [1, 1]} : vector<8x2048xf32> to vector<8x128xf32>
      %add3A_719 = arith.addf %get3A_717, %slice3A_718 : vector<8x128xf32>
      %swap3A_720 = arith.index_cast %rem3A_269 : i32 to index
      %swap3A_721 = arith.constant 1 : index
      %swap3A_722 = arith.constant 8 : index
      %swap3A_723 = arith.constant 0 : index
      %swap3A_724 = arith.constant 0 : index
      %swap3A_725 = vector.load %arg4[%swap3A_720, %swap3A_721, %swap3A_722, %swap3A_723, %swap3A_724] : memref<8x7x16x8x128xf32, #tpu.memory_space<vmem>>, vector<1x1x1x8x128xf32>
      %swap3A_726 = vector.shape_cast %swap3A_725 : vector<1x1x1x8x128xf32> to vector<8x128xf32>
      %swap3A_727 = vector.shape_cast %add3A_719 : vector<8x128xf32> to vector<1x1x1x8x128xf32>
      tpu.vector_store %arg4[%swap3A_720, %swap3A_721, %swap3A_722, %swap3A_723, %swap3A_724], %swap3A_727 {strides = array<i32>} : memref<8x7x16x8x128xf32, #tpu.memory_space<vmem>>, vector<1x1x1x8x128xf32>,
      %get3A_728 = arith.index_cast %rem3A_269 : i32 to index
      %get3A_729 = arith.constant 1 : index
      %get3A_730 = arith.constant 9 : index
      %get3A_731 = arith.constant 0 : index
      %get3A_732 = arith.constant 0 : index
      %get3A_733 = vector.load %arg3[%get3A_728, %get3A_729, %get3A_730, %get3A_731, %get3A_732] : memref<8x7x16x8x128xf32, #tpu.memory_space<vmem>>, vector<1x1x1x8x128xf32>
      %get3A_734 = vector.shape_cast %get3A_733 : vector<1x1x1x8x128xf32> to vector<8x128xf32>
      %slice3A_735 = vector.extract_strided_slice %dot_general3A_574 {offsets = [0, 1152], sizes = [8, 128], strides = [1, 1]} : vector<8x2048xf32> to vector<8x128xf32>
      %add3A_736 = arith.addf %get3A_734, %slice3A_735 : vector<8x128xf32>
      %swap3A_737 = arith.index_cast %rem3A_269 : i32 to index
      %swap3A_738 = arith.constant 1 : index
      %swap3A_739 = arith.constant 9 : index
      %swap3A_740 = arith.constant 0 : index
      %swap3A_741 = arith.constant 0 : index
      %swap3A_742 = vector.load %arg4[%swap3A_737, %swap3A_738, %swap3A_739, %swap3A_740, %swap3A_741] : memref<8x7x16x8x128xf32, #tpu.memory_space<vmem>>, vector<1x1x1x8x128xf32>
      %swap3A_743 = vector.shape_cast %swap3A_742 : vector<1x1x1x8x128xf32> to vector<8x128xf32>
      %swap3A_744 = vector.shape_cast %add3A_736 : vector<8x128xf32> to vector<1x1x1x8x128xf32>
      tpu.vector_store %arg4[%swap3A_737, %swap3A_738, %swap3A_739, %swap3A_740, %swap3A_741], %swap3A_744 {strides = array<i32>} : memref<8x7x16x8x128xf32, #tpu.memory_space<vmem>>, vector<1x1x1x8x128xf32>,
      %get3A_745 = arith.index_cast %rem3A_269 : i32 to index
      %get3A_746 = arith.constant 1 : index
      %get3A_747 = arith.constant 10 : index
      %get3A_748 = arith.constant 0 : index
      %get3A_749 = arith.constant 0 : index
      %get3A_750 = vector.load %arg3[%get3A_745, %get3A_746, %get3A_747, %get3A_748, %get3A_749] : memref<8x7x16x8x128xf32, #tpu.memory_space<vmem>>, vector<1x1x1x8x128xf32>
      %get3A_751 = vector.shape_cast %get3A_750 : vector<1x1x1x8x128xf32> to vector<8x128xf32>
      %slice3A_752 = vector.extract_strided_slice %dot_general3A_574 {offsets = [0, 1280], sizes = [8, 128], strides = [1, 1]} : vector<8x2048xf32> to vector<8x128xf32>
      %add3A_753 = arith.addf %get3A_751, %slice3A_752 : vector<8x128xf32>
      %swap3A_754 = arith.index_cast %rem3A_269 : i32 to index
      %swap3A_755 = arith.constant 1 : index
      %swap3A_756 = arith.constant 10 : index
      %swap3A_757 = arith.constant 0 : index
      %swap3A_758 = arith.constant 0 : index
      %swap3A_759 = vector.load %arg4[%swap3A_754, %swap3A_755, %swap3A_756, %swap3A_757, %swap3A_758] : memref<8x7x16x8x128xf32, #tpu.memory_space<vmem>>, vector<1x1x1x8x128xf32>
      %swap3A_760 = vector.shape_cast %swap3A_759 : vector<1x1x1x8x128xf32> to vector<8x128xf32>
      %swap3A_761 = vector.shape_cast %add3A_753 : vector<8x128xf32> to vector<1x1x1x8x128xf32>
      tpu.vector_store %arg4[%swap3A_754, %swap3A_755, %swap3A_756, %swap3A_757, %swap3A_758], %swap3A_761 {strides = array<i32>} : memref<8x7x16x8x128xf32, #tpu.memory_space<vmem>>, vector<1x1x1x8x128xf32>,
      %get3A_762 = arith.index_cast %rem3A_269 : i32 to index
      %get3A_763 = arith.constant 1 : index
      %get3A_764 = arith.constant 11 : index
      %get3A_765 = arith.constant 0 : index
      %get3A_766 = arith.constant 0 : index
      %get3A_767 = vector.load %arg3[%get3A_762, %get3A_763, %get3A_764, %get3A_765, %get3A_766] : memref<8x7x16x8x128xf32, #tpu.memory_space<vmem>>, vector<1x1x1x8x128xf32>
      %get3A_768 = vector.shape_cast %get3A_767 : vector<1x1x1x8x128xf32> to vector<8x128xf32>
      %slice3A_769 = vector.extract_strided_slice %dot_general3A_574 {offsets = [0, 1408], sizes = [8, 128], strides = [1, 1]} : vector<8x2048xf32> to vector<8x128xf32>
      %add3A_770 = arith.addf %get3A_768, %slice3A_769 : vector<8x128xf32>
      %swap3A_771 = arith.index_cast %rem3A_269 : i32 to index
      %swap3A_772 = arith.constant 1 : index
      %swap3A_773 = arith.constant 11 : index
      %swap3A_774 = arith.constant 0 : index
      %swap3A_775 = arith.constant 0 : index
      %swap3A_776 = vector.load %arg4[%swap3A_771, %swap3A_772, %swap3A_773, %swap3A_774, %swap3A_775] : memref<8x7x16x8x128xf32, #tpu.memory_space<vmem>>, vector<1x1x1x8x128xf32>
      %swap3A_777 = vector.shape_cast %swap3A_776 : vector<1x1x1x8x128xf32> to vector<8x128xf32>
      %swap3A_778 = vector.shape_cast %add3A_770 : vector<8x128xf32> to vector<1x1x1x8x128xf32>
      tpu.vector_store %arg4[%swap3A_771, %swap3A_772, %swap3A_773, %swap3A_774, %swap3A_775], %swap3A_778 {strides = array<i32>} : memref<8x7x16x8x128xf32, #tpu.memory_space<vmem>>, vector<1x1x1x8x128xf32>,
      %get3A_779 = arith.index_cast %rem3A_269 : i32 to index
      %get3A_780 = arith.constant 1 : index
      %get3A_781 = arith.constant 12 : index
      %get3A_782 = arith.constant 0 : index
      %get3A_783 = arith.constant 0 : index
      %get3A_784 = vector.load %arg3[%get3A_779, %get3A_780, %get3A_781, %get3A_782, %get3A_783] : memref<8x7x16x8x128xf32, #tpu.memory_space<vmem>>, vector<1x1x1x8x128xf32>
      %get3A_785 = vector.shape_cast %get3A_784 : vector<1x1x1x8x128xf32> to vector<8x128xf32>
      %slice3A_786 = vector.extract_strided_slice %dot_general3A_574 {offsets = [0, 1536], sizes = [8, 128], strides = [1, 1]} : vector<8x2048xf32> to vector<8x128xf32>
      %add3A_787 = arith.addf %get3A_785, %slice3A_786 : vector<8x128xf32>
      %swap3A_788 = arith.index_cast %rem3A_269 : i32 to index
      %swap3A_789 = arith.constant 1 : index
      %swap3A_790 = arith.constant 12 : index
      %swap3A_791 = arith.constant 0 : index
      %swap3A_792 = arith.constant 0 : index
      %swap3A_793 = vector.load %arg4[%swap3A_788, %swap3A_789, %swap3A_790, %swap3A_791, %swap3A_792] : memref<8x7x16x8x128xf32, #tpu.memory_space<vmem>>, vector<1x1x1x8x128xf32>
      %swap3A_794 = vector.shape_cast %swap3A_793 : vector<1x1x1x8x128xf32> to vector<8x128xf32>
      %swap3A_795 = vector.shape_cast %add3A_787 : vector<8x128xf32> to vector<1x1x1x8x128xf32>
      tpu.vector_store %arg4[%swap3A_788, %swap3A_789, %swap3A_790, %swap3A_791, %swap3A_792], %swap3A_795 {strides = array<i32>} : memref<8x7x16x8x128xf32, #tpu.memory_space<vmem>>, vector<1x1x1x8x128xf32>,
      %get3A_796 = arith.index_cast %rem3A_269 : i32 to index
      %get3A_797 = arith.constant 1 : index
      %get3A_798 = arith.constant 13 : index
      %get3A_799 = arith.constant 0 : index
      %get3A_800 = arith.constant 0 : index
      %get3A_801 = vector.load %arg3[%get3A_796, %get3A_797, %get3A_798, %get3A_799, %get3A_800] : memref<8x7x16x8x128xf32, #tpu.memory_space<vmem>>, vector<1x1x1x8x128xf32>
      %get3A_802 = vector.shape_cast %get3A_801 : vector<1x1x1x8x128xf32> to vector<8x128xf32>
      %slice3A_803 = vector.extract_strided_slice %dot_general3A_574 {offsets = [0, 1664], sizes = [8, 128], strides = [1, 1]} : vector<8x2048xf32> to vector<8x128xf32>
      %add3A_804 = arith.addf %get3A_802, %slice3A_803 : vector<8x128xf32>
      %swap3A_805 = arith.index_cast %rem3A_269 : i32 to index
      %swap3A_806 = arith.constant 1 : index
      %swap3A_807 = arith.constant 13 : index
      %swap3A_808 = arith.constant 0 : index
      %swap3A_809 = arith.constant 0 : index
      %swap3A_810 = vector.load %arg4[%swap3A_805, %swap3A_806, %swap3A_807, %swap3A_808, %swap3A_809] : memref<8x7x16x8x128xf32, #tpu.memory_space<vmem>>, vector<1x1x1x8x128xf32>
      %swap3A_811 = vector.shape_cast %swap3A_810 : vector<1x1x1x8x128xf32> to vector<8x128xf32>
      %swap3A_812 = vector.shape_cast %add3A_804 : vector<8x128xf32> to vector<1x1x1x8x128xf32>
      tpu.vector_store %arg4[%swap3A_805, %swap3A_806, %swap3A_807, %swap3A_808, %swap3A_809], %swap3A_812 {strides = array<i32>} : memref<8x7x16x8x128xf32, #tpu.memory_space<vmem>>, vector<1x1x1x8x128xf32>,
      %get3A_813 = arith.index_cast %rem3A_269 : i32 to index
      %get3A_814 = arith.constant 1 : index
      %get3A_815 = arith.constant 14 : index
      %get3A_816 = arith.constant 0 : index
      %get3A_817 = arith.constant 0 : index
      %get3A_818 = vector.load %arg3[%get3A_813, %get3A_814, %get3A_815, %get3A_816, %get3A_817] : memref<8x7x16x8x128xf32, #tpu.memory_space<vmem>>, vector<1x1x1x8x128xf32>
      %get3A_819 = vector.shape_cast %get3A_818 : vector<1x1x1x8x128xf32> to vector<8x128xf32>
      %slice3A_820 = vector.extract_strided_slice %dot_general3A_574 {offsets = [0, 1792], sizes = [8, 128], strides = [1, 1]} : vector<8x2048xf32> to vector<8x128xf32>
      %add3A_821 = arith.addf %get3A_819, %slice3A_820 : vector<8x128xf32>
      %swap3A_822 = arith.index_cast %rem3A_269 : i32 to index
      %swap3A_823 = arith.constant 1 : index
      %swap3A_824 = arith.constant 14 : index
      %swap3A_825 = arith.constant 0 : index
      %swap3A_826 = arith.constant 0 : index
      %swap3A_827 = vector.load %arg4[%swap3A_822, %swap3A_823, %swap3A_824, %swap3A_825, %swap3A_826] : memref<8x7x16x8x128xf32, #tpu.memory_space<vmem>>, vector<1x1x1x8x128xf32>
      %swap3A_828 = vector.shape_cast %swap3A_827 : vector<1x1x1x8x128xf32> to vector<8x128xf32>
      %swap3A_829 = vector.shape_cast %add3A_821 : vector<8x128xf32> to vector<1x1x1x8x128xf32>
      tpu.vector_store %arg4[%swap3A_822, %swap3A_823, %swap3A_824, %swap3A_825, %swap3A_826], %swap3A_829 {strides = array<i32>} : memref<8x7x16x8x128xf32, #tpu.memory_space<vmem>>, vector<1x1x1x8x128xf32>,
      %get3A_830 = arith.index_cast %rem3A_269 : i32 to index
      %get3A_831 = arith.constant 1 : index
      %get3A_832 = arith.constant 15 : index
      %get3A_833 = arith.constant 0 : index
      %get3A_834 = arith.constant 0 : index
      %get3A_835 = vector.load %arg3[%get3A_830, %get3A_831, %get3A_832, %get3A_833, %get3A_834] : memref<8x7x16x8x128xf32, #tpu.memory_space<vmem>>, vector<1x1x1x8x128xf32>
      %get3A_836 = vector.shape_cast %get3A_835 : vector<1x1x1x8x128xf32> to vector<8x128xf32>
      %slice3A_837 = vector.extract_strided_slice %dot_general3A_574 {offsets = [0, 1920], sizes = [8, 128], strides = [1, 1]} : vector<8x2048xf32> to vector<8x128xf32>
      %add3A_838 = arith.addf %get3A_836, %slice3A_837 : vector<8x128xf32>
      %swap3A_839 = arith.index_cast %rem3A_269 : i32 to index
      %swap3A_840 = arith.constant 1 : index
      %swap3A_841 = arith.constant 15 : index
      %swap3A_842 = arith.constant 0 : index
      %swap3A_843 = arith.constant 0 : index
      %swap3A_844 = vector.load %arg4[%swap3A_839, %swap3A_840, %swap3A_841, %swap3A_842, %swap3A_843] : memref<8x7x16x8x128xf32, #tpu.memory_space<vmem>>, vector<1x1x1x8x128xf32>
      %swap3A_845 = vector.shape_cast %swap3A_844 : vector<1x1x1x8x128xf32> to vector<8x128xf32>
      %swap3A_846 = vector.shape_cast %add3A_838 : vector<8x128xf32> to vector<1x1x1x8x128xf32>
      tpu.vector_store %arg4[%swap3A_839, %swap3A_840, %swap3A_841, %swap3A_842, %swap3A_843], %swap3A_846 {strides = array<i32>} : memref<8x7x16x8x128xf32, #tpu.memory_space<vmem>>, vector<1x1x1x8x128xf32>,
      %mul3A_847 = arith.constant 7 : i32
      %mul3A_848 = arith.muli %scan3A_267, %mul3A_847 : i32
      %add3A_849 = arith.constant 2 : i32
      %add3A_850 = arith.addi %mul3A_848, %add3A_849 : i32
      %get3A_851 = arith.index_cast %add3A_850 : i32 to index
      %get3A_852 = arith.constant 0 : index
      %get3A_853 = arith.constant 0 : index
      %get3A_854 = vector.load %arg5[%get3A_851, %get3A_852, %get3A_853] : memref<2401x8x16xf32, #tpu.memory_space<vmem>>, vector<1x8x16xf32>
      %get3A_855 = vector.shape_cast %get3A_854 : vector<1x8x16xf32> to vector<8x16xf32>
      %dot_general3A_856 = arith.constant dense<0.000000e+00> : vector<8x2048xf32>
      %dot_general3A_857 = tpu.matmul %get3A_855, %convert_element_type3A_143, %dot_general3A_856 {dimension_numbers = #tpu.dot_dimension_numbers<[1], [0], [0], [1], [0, 0, 1, 1], [], []>, transpose_lhs_hint = false} : vector<8x16xf32>, vector<16x2048xf32>, vector<8x2048xf32> -> vector<8x2048xf32>
      %get3A_858 = arith.index_cast %rem3A_269 : i32 to index
      %get3A_859 = arith.constant 2 : index
      %get3A_860 = arith.constant 0 : index
      %get3A_861 = arith.constant 0 : index
      %get3A_862 = arith.constant 0 : index
      %get3A_863 = vector.load %arg3[%get3A_858, %get3A_859, %get3A_860, %get3A_861, %get3A_862] : memref<8x7x16x8x128xf32, #tpu.memory_space<vmem>>, vector<1x1x1x8x128xf32>
      %get3A_864 = vector.shape_cast %get3A_863 : vector<1x1x1x8x128xf32> to vector<8x128xf32>
      %slice3A_865 = vector.extract_strided_slice %dot_general3A_857 {offsets = [0, 0], sizes = [8, 128], strides = [1, 1]} : vector<8x2048xf32> to vector<8x128xf32>
      %add3A_866 = arith.addf %get3A_864, %slice3A_865 : vector<8x128xf32>
      %swap3A_867 = arith.index_cast %rem3A_269 : i32 to index
      %swap3A_868 = arith.constant 2 : index
      %swap3A_869 = arith.constant 0 : index
      %swap3A_870 = arith.constant 0 : index
      %swap3A_871 = arith.constant 0 : index
      %swap3A_872 = vector.load %arg4[%swap3A_867, %swap3A_868, %swap3A_869, %swap3A_870, %swap3A_871] : memref<8x7x16x8x128xf32, #tpu.memory_space<vmem>>, vector<1x1x1x8x128xf32>
      %swap3A_873 = vector.shape_cast %swap3A_872 : vector<1x1x1x8x128xf32> to vector<8x128xf32>
      %swap3A_874 = vector.shape_cast %add3A_866 : vector<8x128xf32> to vector<1x1x1x8x128xf32>
      tpu.vector_store %arg4[%swap3A_867, %swap3A_868, %swap3A_869, %swap3A_870, %swap3A_871], %swap3A_874 {strides = array<i32>} : memref<8x7x16x8x128xf32, #tpu.memory_space<vmem>>, vector<1x1x1x8x128xf32>,
      %get3A_875 = arith.index_cast %rem3A_269 : i32 to index
      %get3A_876 = arith.constant 2 : index
      %get3A_877 = arith.constant 1 : index
      %get3A_878 = arith.constant 0 : index
      %get3A_879 = arith.constant 0 : index
      %get3A_880 = vector.load %arg3[%get3A_875, %get3A_876, %get3A_877, %get3A_878, %get3A_879] : memref<8x7x16x8x128xf32, #tpu.memory_space<vmem>>, vector<1x1x1x8x128xf32>
      %get3A_881 = vector.shape_cast %get3A_880 : vector<1x1x1x8x128xf32> to vector<8x128xf32>
      %slice3A_882 = vector.extract_strided_slice %dot_general3A_857 {offsets = [0, 128], sizes = [8, 128], strides = [1, 1]} : vector<8x2048xf32> to vector<8x128xf32>
      %add3A_883 = arith.addf %get3A_881, %slice3A_882 : vector<8x128xf32>
      %swap3A_884 = arith.index_cast %rem3A_269 : i32 to index
      %swap3A_885 = arith.constant 2 : index
      %swap3A_886 = arith.constant 1 : index
      %swap3A_887 = arith.constant 0 : index
      %swap3A_888 = arith.constant 0 : index
      %swap3A_889 = vector.load %arg4[%swap3A_884, %swap3A_885, %swap3A_886, %swap3A_887, %swap3A_888] : memref<8x7x16x8x128xf32, #tpu.memory_space<vmem>>, vector<1x1x1x8x128xf32>
      %swap3A_890 = vector.shape_cast %swap3A_889 : vector<1x1x1x8x128xf32> to vector<8x128xf32>
      %swap3A_891 = vector.shape_cast %add3A_883 : vector<8x128xf32> to vector<1x1x1x8x128xf32>
      tpu.vector_store %arg4[%swap3A_884, %swap3A_885, %swap3A_886, %swap3A_887, %swap3A_888], %swap3A_891 {strides = array<i32>} : memref<8x7x16x8x128xf32, #tpu.memory_space<vmem>>, vector<1x1x1x8x128xf32>,
      %get3A_892 = arith.index_cast %rem3A_269 : i32 to index
      %get3A_893 = arith.constant 2 : index
      %get3A_894 = arith.constant 2 : index
      %get3A_895 = arith.constant 0 : index
      %get3A_896 = arith.constant 0 : index
      %get3A_897 = vector.load %arg3[%get3A_892, %get3A_893, %get3A_894, %get3A_895, %get3A_896] : memref<8x7x16x8x128xf32, #tpu.memory_space<vmem>>, vector<1x1x1x8x128xf32>
      %get3A_898 = vector.shape_cast %get3A_897 : vector<1x1x1x8x128xf32> to vector<8x128xf32>
      %slice3A_899 = vector.extract_strided_slice %dot_general3A_857 {offsets = [0, 256], sizes = [8, 128], strides = [1, 1]} : vector<8x2048xf32> to vector<8x128xf32>
      %add3A_900 = arith.addf %get3A_898, %slice3A_899 : vector<8x128xf32>
      %swap3A_901 = arith.index_cast %rem3A_269 : i32 to index
      %swap3A_902 = arith.constant 2 : index
      %swap3A_903 = arith.constant 2 : index
      %swap3A_904 = arith.constant 0 : index
      %swap3A_905 = arith.constant 0 : index
      %swap3A_906 = vector.load %arg4[%swap3A_901, %swap3A_902, %swap3A_903, %swap3A_904, %swap3A_905] : memref<8x7x16x8x128xf32, #tpu.memory_space<vmem>>, vector<1x1x1x8x128xf32>
      %swap3A_907 = vector.shape_cast %swap3A_906 : vector<1x1x1x8x128xf32> to vector<8x128xf32>
      %swap3A_908 = vector.shape_cast %add3A_900 : vector<8x128xf32> to vector<1x1x1x8x128xf32>
      tpu.vector_store %arg4[%swap3A_901, %swap3A_902, %swap3A_903, %swap3A_904, %swap3A_905], %swap3A_908 {strides = array<i32>} : memref<8x7x16x8x128xf32, #tpu.memory_space<vmem>>, vector<1x1x1x8x128xf32>,
      %get3A_909 = arith.index_cast %rem3A_269 : i32 to index
      %get3A_910 = arith.constant 2 : index
      %get3A_911 = arith.constant 3 : index
      %get3A_912 = arith.constant 0 : index
      %get3A_913 = arith.constant 0 : index
      %get3A_914 = vector.load %arg3[%get3A_909, %get3A_910, %get3A_911, %get3A_912, %get3A_913] : memref<8x7x16x8x128xf32, #tpu.memory_space<vmem>>, vector<1x1x1x8x128xf32>
      %get3A_915 = vector.shape_cast %get3A_914 : vector<1x1x1x8x128xf32> to vector<8x128xf32>
      %slice3A_916 = vector.extract_strided_slice %dot_general3A_857 {offsets = [0, 384], sizes = [8, 128], strides = [1, 1]} : vector<8x2048xf32> to vector<8x128xf32>
      %add3A_917 = arith.addf %get3A_915, %slice3A_916 : vector<8x128xf32>
      %swap3A_918 = arith.index_cast %rem3A_269 : i32 to index
      %swap3A_919 = arith.constant 2 : index
      %swap3A_920 = arith.constant 3 : index
      %swap3A_921 = arith.constant 0 : index
      %swap3A_922 = arith.constant 0 : index
      %swap3A_923 = vector.load %arg4[%swap3A_918, %swap3A_919, %swap3A_920, %swap3A_921, %swap3A_922] : memref<8x7x16x8x128xf32, #tpu.memory_space<vmem>>, vector<1x1x1x8x128xf32>
      %swap3A_924 = vector.shape_cast %swap3A_923 : vector<1x1x1x8x128xf32> to vector<8x128xf32>
      %swap3A_925 = vector.shape_cast %add3A_917 : vector<8x128xf32> to vector<1x1x1x8x128xf32>
      tpu.vector_store %arg4[%swap3A_918, %swap3A_919, %swap3A_920, %swap3A_921, %swap3A_922], %swap3A_925 {strides = array<i32>} : memref<8x7x16x8x128xf32, #tpu.memory_space<vmem>>, vector<1x1x1x8x128xf32>,
      %get3A_926 = arith.index_cast %rem3A_269 : i32 to index
      %get3A_927 = arith.constant 2 : index
      %get3A_928 = arith.constant 4 : index
      %get3A_929 = arith.constant 0 : index
      %get3A_930 = arith.constant 0 : index
      %get3A_931 = vector.load %arg3[%get3A_926, %get3A_927, %get3A_928, %get3A_929, %get3A_930] : memref<8x7x16x8x128xf32, #tpu.memory_space<vmem>>, vector<1x1x1x8x128xf32>
      %get3A_932 = vector.shape_cast %get3A_931 : vector<1x1x1x8x128xf32> to vector<8x128xf32>
      %slice3A_933 = vector.extract_strided_slice %dot_general3A_857 {offsets = [0, 512], sizes = [8, 128], strides = [1, 1]} : vector<8x2048xf32> to vector<8x128xf32>
      %add3A_934 = arith.addf %get3A_932, %slice3A_933 : vector<8x128xf32>
      %swap3A_935 = arith.index_cast %rem3A_269 : i32 to index
      %swap3A_936 = arith.constant 2 : index
      %swap3A_937 = arith.constant 4 : index
      %swap3A_938 = arith.constant 0 : index
      %swap3A_939 = arith.constant 0 : index
      %swap3A_940 = vector.load %arg4[%swap3A_935, %swap3A_936, %swap3A_937, %swap3A_938, %swap3A_939] : memref<8x7x16x8x128xf32, #tpu.memory_space<vmem>>, vector<1x1x1x8x128xf32>
      %swap3A_941 = vector.shape_cast %swap3A_940 : vector<1x1x1x8x128xf32> to vector<8x128xf32>
      %swap3A_942 = vector.shape_cast %add3A_934 : vector<8x128xf32> to vector<1x1x1x8x128xf32>
      tpu.vector_store %arg4[%swap3A_935, %swap3A_936, %swap3A_937, %swap3A_938, %swap3A_939], %swap3A_942 {strides = array<i32>} : memref<8x7x16x8x128xf32, #tpu.memory_space<vmem>>, vector<1x1x1x8x128xf32>,
      %get3A_943 = arith.index_cast %rem3A_269 : i32 to index
      %get3A_944 = arith.constant 2 : index
      %get3A_945 = arith.constant 5 : index
      %get3A_946 = arith.constant 0 : index
      %get3A_947 = arith.constant 0 : index
      %get3A_948 = vector.load %arg3[%get3A_943, %get3A_944, %get3A_945, %get3A_946, %get3A_947] : memref<8x7x16x8x128xf32, #tpu.memory_space<vmem>>, vector<1x1x1x8x128xf32>
      %get3A_949 = vector.shape_cast %get3A_948 : vector<1x1x1x8x128xf32> to vector<8x128xf32>
      %slice3A_950 = vector.extract_strided_slice %dot_general3A_857 {offsets = [0, 640], sizes = [8, 128], strides = [1, 1]} : vector<8x2048xf32> to vector<8x128xf32>
      %add3A_951 = arith.addf %get3A_949, %slice3A_950 : vector<8x128xf32>
      %swap3A_952 = arith.index_cast %rem3A_269 : i32 to index
      %swap3A_953 = arith.constant 2 : index
      %swap3A_954 = arith.constant 5 : index
      %swap3A_955 = arith.constant 0 : index
      %swap3A_956 = arith.constant 0 : index
      %swap3A_957 = vector.load %arg4[%swap3A_952, %swap3A_953, %swap3A_954, %swap3A_955, %swap3A_956] : memref<8x7x16x8x128xf32, #tpu.memory_space<vmem>>, vector<1x1x1x8x128xf32>
      %swap3A_958 = vector.shape_cast %swap3A_957 : vector<1x1x1x8x128xf32> to vector<8x128xf32>
      %swap3A_959 = vector.shape_cast %add3A_951 : vector<8x128xf32> to vector<1x1x1x8x128xf32>
      tpu.vector_store %arg4[%swap3A_952, %swap3A_953, %swap3A_954, %swap3A_955, %swap3A_956], %swap3A_959 {strides = array<i32>} : memref<8x7x16x8x128xf32, #tpu.memory_space<vmem>>, vector<1x1x1x8x128xf32>,
      %get3A_960 = arith.index_cast %rem3A_269 : i32 to index
      %get3A_961 = arith.constant 2 : index
      %get3A_962 = arith.constant 6 : index
      %get3A_963 = arith.constant 0 : index
      %get3A_964 = arith.constant 0 : index
      %get3A_965 = vector.load %arg3[%get3A_960, %get3A_961, %get3A_962, %get3A_963, %get3A_964] : memref<8x7x16x8x128xf32, #tpu.memory_space<vmem>>, vector<1x1x1x8x128xf32>
      %get3A_966 = vector.shape_cast %get3A_965 : vector<1x1x1x8x128xf32> to vector<8x128xf32>
      %slice3A_967 = vector.extract_strided_slice %dot_general3A_857 {offsets = [0, 768], sizes = [8, 128], strides = [1, 1]} : vector<8x2048xf32> to vector<8x128xf32>
      %add3A_968 = arith.addf %get3A_966, %slice3A_967 : vector<8x128xf32>
      %swap3A_969 = arith.index_cast %rem3A_269 : i32 to index
      %swap3A_970 = arith.constant 2 : index
      %swap3A_971 = arith.constant 6 : index
      %swap3A_972 = arith.constant 0 : index
      %swap3A_973 = arith.constant 0 : index
      %swap3A_974 = vector.load %arg4[%swap3A_969, %swap3A_970, %swap3A_971, %swap3A_972, %swap3A_973] : memref<8x7x16x8x128xf32, #tpu.memory_space<vmem>>, vector<1x1x1x8x128xf32>
      %swap3A_975 = vector.shape_cast %swap3A_974 : vector<1x1x1x8x128xf32> to vector<8x128xf32>
      %swap3A_976 = vector.shape_cast %add3A_968 : vector<8x128xf32> to vector<1x1x1x8x128xf32>
      tpu.vector_store %arg4[%swap3A_969, %swap3A_970, %swap3A_971, %swap3A_972, %swap3A_973], %swap3A_976 {strides = array<i32>} : memref<8x7x16x8x128xf32, #tpu.memory_space<vmem>>, vector<1x1x1x8x128xf32>,
      %get3A_977 = arith.index_cast %rem3A_269 : i32 to index
      %get3A_978 = arith.constant 2 : index
      %get3A_979 = arith.constant 7 : index
      %get3A_980 = arith.constant 0 : index
      %get3A_981 = arith.constant 0 : index
      %get3A_982 = vector.load %arg3[%get3A_977, %get3A_978, %get3A_979, %get3A_980, %get3A_981] : memref<8x7x16x8x128xf32, #tpu.memory_space<vmem>>, vector<1x1x1x8x128xf32>
      %get3A_983 = vector.shape_cast %get3A_982 : vector<1x1x1x8x128xf32> to vector<8x128xf32>
      %slice3A_984 = vector.extract_strided_slice %dot_general3A_857 {offsets = [0, 896], sizes = [8, 128], strides = [1, 1]} : vector<8x2048xf32> to vector<8x128xf32>
      %add3A_985 = arith.addf %get3A_983, %slice3A_984 : vector<8x128xf32>
      %swap3A_986 = arith.index_cast %rem3A_269 : i32 to index
      %swap3A_987 = arith.constant 2 : index
      %swap3A_988 = arith.constant 7 : index
      %swap3A_989 = arith.constant 0 : index
      %swap3A_990 = arith.constant 0 : index
      %swap3A_991 = vector.load %arg4[%swap3A_986, %swap3A_987, %swap3A_988, %swap3A_989, %swap3A_990] : memref<8x7x16x8x128xf32, #tpu.memory_space<vmem>>, vector<1x1x1x8x128xf32>
      %swap3A_992 = vector.shape_cast %swap3A_991 : vector<1x1x1x8x128xf32> to vector<8x128xf32>
      %swap3A_993 = vector.shape_cast %add3A_985 : vector<8x128xf32> to vector<1x1x1x8x128xf32>
      tpu.vector_store %arg4[%swap3A_986, %swap3A_987, %swap3A_988, %swap3A_989, %swap3A_990], %swap3A_993 {strides = array<i32>} : memref<8x7x16x8x128xf32, #tpu.memory_space<vmem>>, vector<1x1x1x8x128xf32>,
      %get3A_994 = arith.index_cast %rem3A_269 : i32 to index
      %get3A_995 = arith.constant 2 : index
      %get3A_996 = arith.constant 8 : index
      %get3A_997 = arith.constant 0 : index
      %get3A_998 = arith.constant 0 : index
      %get3A_999 = vector.load %arg3[%get3A_994, %get3A_995, %get3A_996, %get3A_997, %get3A_998] : memref<8x7x16x8x128xf32, #tpu.memory_space<vmem>>, vector<1x1x1x8x128xf32>
      %get3A_1000 = vector.shape_cast %get3A_999 : vector<1x1x1x8x128xf32> to vector<8x128xf32>
      %slice3A_1001 = vector.extract_strided_slice %dot_general3A_857 {offsets = [0, 1024], sizes = [8, 128], strides = [1, 1]} : vector<8x2048xf32> to vector<8x128xf32>
      %add3A_1002 = arith.addf %get3A_1000, %slice3A_1001 : vector<8x128xf32>
      %swap3A_1003 = arith.index_cast %rem3A_269 : i32 to index
      %swap3A_1004 = arith.constant 2 : index
      %swap3A_1005 = arith.constant 8 : index
      %swap3A_1006 = arith.constant 0 : index
      %swap3A_1007 = arith.constant 0 : index
      %swap3A_1008 = vector.load %arg4[%swap3A_1003, %swap3A_1004, %swap3A_1005, %swap3A_1006, %swap3A_1007] : memref<8x7x16x8x128xf32, #tpu.memory_space<vmem>>, vector<1x1x1x8x128xf32>
      %swap3A_1009 = vector.shape_cast %swap3A_1008 : vector<1x1x1x8x128xf32> to vector<8x128xf32>
      %swap3A_1010 = vector.shape_cast %add3A_1002 : vector<8x128xf32> to vector<1x1x1x8x128xf32>
      tpu.vector_store %arg4[%swap3A_1003, %swap3A_1004, %swap3A_1005, %swap3A_1006, %swap3A_1007], %swap3A_1010 {strides = array<i32>} : memref<8x7x16x8x128xf32, #tpu.memory_space<vmem>>, vector<1x1x1x8x128xf32>,
      %get3A_1011 = arith.index_cast %rem3A_269 : i32 to index
      %get3A_1012 = arith.constant 2 : index
      %get3A_1013 = arith.constant 9 : index
      %get3A_1014 = arith.constant 0 : index
      %get3A_1015 = arith.constant 0 : index
      %get3A_1016 = vector.load %arg3[%get3A_1011, %get3A_1012, %get3A_1013, %get3A_1014, %get3A_1015] : memref<8x7x16x8x128xf32, #tpu.memory_space<vmem>>, vector<1x1x1x8x128xf32>
      %get3A_1017 = vector.shape_cast %get3A_1016 : vector<1x1x1x8x128xf32> to vector<8x128xf32>
      %slice3A_1018 = vector.extract_strided_slice %dot_general3A_857 {offsets = [0, 1152], sizes = [8, 128], strides = [1, 1]} : vector<8x2048xf32> to vector<8x128xf32>
      %add3A_1019 = arith.addf %get3A_1017, %slice3A_1018 : vector<8x128xf32>
      %swap3A_1020 = arith.index_cast %rem3A_269 : i32 to index
      %swap3A_1021 = arith.constant 2 : index
      %swap3A_1022 = arith.constant 9 : index
      %swap3A_1023 = arith.constant 0 : index
      %swap3A_1024 = arith.constant 0 : index
      %swap3A_1025 = vector.load %arg4[%swap3A_1020, %swap3A_1021, %swap3A_1022, %swap3A_1023, %swap3A_1024] : memref<8x7x16x8x128xf32, #tpu.memory_space<vmem>>, vector<1x1x1x8x128xf32>
      %swap3A_1026 = vector.shape_cast %swap3A_1025 : vector<1x1x1x8x128xf32> to vector<8x128xf32>
      %swap3A_1027 = vector.shape_cast %add3A_1019 : vector<8x128xf32> to vector<1x1x1x8x128xf32>
      tpu.vector_store %arg4[%swap3A_1020, %swap3A_1021, %swap3A_1022, %swap3A_1023, %swap3A_1024], %swap3A_1027 {strides = array<i32>} : memref<8x7x16x8x128xf32, #tpu.memory_space<vmem>>, vector<1x1x1x8x128xf32>,
      %get3A_1028 = arith.index_cast %rem3A_269 : i32 to index
      %get3A_1029 = arith.constant 2 : index
      %get3A_1030 = arith.constant 10 : index
      %get3A_1031 = arith.constant 0 : index
      %get3A_1032 = arith.constant 0 : index
      %get3A_1033 = vector.load %arg3[%get3A_1028, %get3A_1029, %get3A_1030, %get3A_1031, %get3A_1032] : memref<8x7x16x8x128xf32, #tpu.memory_space<vmem>>, vector<1x1x1x8x128xf32>
      %get3A_1034 = vector.shape_cast %get3A_1033 : vector<1x1x1x8x128xf32> to vector<8x128xf32>
      %slice3A_1035 = vector.extract_strided_slice %dot_general3A_857 {offsets = [0, 1280], sizes = [8, 128], strides = [1, 1]} : vector<8x2048xf32> to vector<8x128xf32>
      %add3A_1036 = arith.addf %get3A_1034, %slice3A_1035 : vector<8x128xf32>
      %swap3A_1037 = arith.index_cast %rem3A_269 : i32 to index
      %swap3A_1038 = arith.constant 2 : index
      %swap3A_1039 = arith.constant 10 : index
      %swap3A_1040 = arith.constant 0 : index
      %swap3A_1041 = arith.constant 0 : index
      %swap3A_1042 = vector.load %arg4[%swap3A_1037, %swap3A_1038, %swap3A_1039, %swap3A_1040, %swap3A_1041] : memref<8x7x16x8x128xf32, #tpu.memory_space<vmem>>, vector<1x1x1x8x128xf32>
      %swap3A_1043 = vector.shape_cast %swap3A_1042 : vector<1x1x1x8x128xf32> to vector<8x128xf32>
      %swap3A_1044 = vector.shape_cast %add3A_1036 : vector<8x128xf32> to vector<1x1x1x8x128xf32>
      tpu.vector_store %arg4[%swap3A_1037, %swap3A_1038, %swap3A_1039, %swap3A_1040, %swap3A_1041], %swap3A_1044 {strides = array<i32>} : memref<8x7x16x8x128xf32, #tpu.memory_space<vmem>>, vector<1x1x1x8x128xf32>,
      %get3A_1045 = arith.index_cast %rem3A_269 : i32 to index
      %get3A_1046 = arith.constant 2 : index
      %get3A_1047 = arith.constant 11 : index
      %get3A_1048 = arith.constant 0 : index
      %get3A_1049 = arith.constant 0 : index
      %get3A_1050 = vector.load %arg3[%get3A_1045, %get3A_1046, %get3A_1047, %get3A_1048, %get3A_1049] : memref<8x7x16x8x128xf32, #tpu.memory_space<vmem>>, vector<1x1x1x8x128xf32>
      %get3A_1051 = vector.shape_cast %get3A_1050 : vector<1x1x1x8x128xf32> to vector<8x128xf32>
      %slice3A_1052 = vector.extract_strided_slice %dot_general3A_857 {offsets = [0, 1408], sizes = [8, 128], strides = [1, 1]} : vector<8x2048xf32> to vector<8x128xf32>
      %add3A_1053 = arith.addf %get3A_1051, %slice3A_1052 : vector<8x128xf32>
      %swap3A_1054 = arith.index_cast %rem3A_269 : i32 to index
      %swap3A_1055 = arith.constant 2 : index
      %swap3A_1056 = arith.constant 11 : index
      %swap3A_1057 = arith.constant 0 : index
      %swap3A_1058 = arith.constant 0 : index
      %swap3A_1059 = vector.load %arg4[%swap3A_1054, %swap3A_1055, %swap3A_1056, %swap3A_1057, %swap3A_1058] : memref<8x7x16x8x128xf32, #tpu.memory_space<vmem>>, vector<1x1x1x8x128xf32>
      %swap3A_1060 = vector.shape_cast %swap3A_1059 : vector<1x1x1x8x128xf32> to vector<8x128xf32>
      %swap3A_1061 = vector.shape_cast %add3A_1053 : vector<8x128xf32> to vector<1x1x1x8x128xf32>
      tpu.vector_store %arg4[%swap3A_1054, %swap3A_1055, %swap3A_1056, %swap3A_1057, %swap3A_1058], %swap3A_1061 {strides = array<i32>} : memref<8x7x16x8x128xf32, #tpu.memory_space<vmem>>, vector<1x1x1x8x128xf32>,
      %get3A_1062 = arith.index_cast %rem3A_269 : i32 to index
      %get3A_1063 = arith.constant 2 : index
      %get3A_1064 = arith.constant 12 : index
      %get3A_1065 = arith.constant 0 : index
      %get3A_1066 = arith.constant 0 : index
      %get3A_1067 = vector.load %arg3[%get3A_1062, %get3A_1063, %get3A_1064, %get3A_1065, %get3A_1066] : memref<8x7x16x8x128xf32, #tpu.memory_space<vmem>>, vector<1x1x1x8x128xf32>
      %get3A_1068 = vector.shape_cast %get3A_1067 : vector<1x1x1x8x128xf32> to vector<8x128xf32>
      %slice3A_1069 = vector.extract_strided_slice %dot_general3A_857 {offsets = [0, 1536], sizes = [8, 128], strides = [1, 1]} : vector<8x2048xf32> to vector<8x128xf32>
      %add3A_1070 = arith.addf %get3A_1068, %slice3A_1069 : vector<8x128xf32>
      %swap3A_1071 = arith.index_cast %rem3A_269 : i32 to index
      %swap3A_1072 = arith.constant 2 : index
      %swap3A_1073 = arith.constant 12 : index
      %swap3A_1074 = arith.constant 0 : index
      %swap3A_1075 = arith.constant 0 : index
      %swap3A_1076 = vector.load %arg4[%swap3A_1071, %swap3A_1072, %swap3A_1073, %swap3A_1074, %swap3A_1075] : memref<8x7x16x8x128xf32, #tpu.memory_space<vmem>>, vector<1x1x1x8x128xf32>
      %swap3A_1077 = vector.shape_cast %swap3A_1076 : vector<1x1x1x8x128xf32> to vector<8x128xf32>
      %swap3A_1078 = vector.shape_cast %add3A_1070 : vector<8x128xf32> to vector<1x1x1x8x128xf32>
      tpu.vector_store %arg4[%swap3A_1071, %swap3A_1072, %swap3A_1073, %swap3A_1074, %swap3A_1075], %swap3A_1078 {strides = array<i32>} : memref<8x7x16x8x128xf32, #tpu.memory_space<vmem>>, vector<1x1x1x8x128xf32>,
      %get3A_1079 = arith.index_cast %rem3A_269 : i32 to index
      %get3A_1080 = arith.constant 2 : index
      %get3A_1081 = arith.constant 13 : index
      %get3A_1082 = arith.constant 0 : index
      %get3A_1083 = arith.constant 0 : index
      %get3A_1084 = vector.load %arg3[%get3A_1079, %get3A_1080, %get3A_1081, %get3A_1082, %get3A_1083] : memref<8x7x16x8x128xf32, #tpu.memory_space<vmem>>, vector<1x1x1x8x128xf32>
      %get3A_1085 = vector.shape_cast %get3A_1084 : vector<1x1x1x8x128xf32> to vector<8x128xf32>
      %slice3A_1086 = vector.extract_strided_slice %dot_general3A_857 {offsets = [0, 1664], sizes = [8, 128], strides = [1, 1]} : vector<8x2048xf32> to vector<8x128xf32>
      %add3A_1087 = arith.addf %get3A_1085, %slice3A_1086 : vector<8x128xf32>
      %swap3A_1088 = arith.index_cast %rem3A_269 : i32 to index
      %swap3A_1089 = arith.constant 2 : index
      %swap3A_1090 = arith.constant 13 : index
      %swap3A_1091 = arith.constant 0 : index
      %swap3A_1092 = arith.constant 0 : index
      %swap3A_1093 = vector.load %arg4[%swap3A_1088, %swap3A_1089, %swap3A_1090, %swap3A_1091, %swap3A_1092] : memref<8x7x16x8x128xf32, #tpu.memory_space<vmem>>, vector<1x1x1x8x128xf32>
      %swap3A_1094 = vector.shape_cast %swap3A_1093 : vector<1x1x1x8x128xf32> to vector<8x128xf32>
      %swap3A_1095 = vector.shape_cast %add3A_1087 : vector<8x128xf32> to vector<1x1x1x8x128xf32>
      tpu.vector_store %arg4[%swap3A_1088, %swap3A_1089, %swap3A_1090, %swap3A_1091, %swap3A_1092], %swap3A_1095 {strides = array<i32>} : memref<8x7x16x8x128xf32, #tpu.memory_space<vmem>>, vector<1x1x1x8x128xf32>,
      %get3A_1096 = arith.index_cast %rem3A_269 : i32 to index
      %get3A_1097 = arith.constant 2 : index
      %get3A_1098 = arith.constant 14 : index
      %get3A_1099 = arith.constant 0 : index
      %get3A_1100 = arith.constant 0 : index
      %get3A_1101 = vector.load %arg3[%get3A_1096, %get3A_1097, %get3A_1098, %get3A_1099, %get3A_1100] : memref<8x7x16x8x128xf32, #tpu.memory_space<vmem>>, vector<1x1x1x8x128xf32>
      %get3A_1102 = vector.shape_cast %get3A_1101 : vector<1x1x1x8x128xf32> to vector<8x128xf32>
      %slice3A_1103 = vector.extract_strided_slice %dot_general3A_857 {offsets = [0, 1792], sizes = [8, 128], strides = [1, 1]} : vector<8x2048xf32> to vector<8x128xf32>
      %add3A_1104 = arith.addf %get3A_1102, %slice3A_1103 : vector<8x128xf32>
      %swap3A_1105 = arith.index_cast %rem3A_269 : i32 to index
      %swap3A_1106 = arith.constant 2 : index
      %swap3A_1107 = arith.constant 14 : index
      %swap3A_1108 = arith.constant 0 : index
      %swap3A_1109 = arith.constant 0 : index
      %swap3A_1110 = vector.load %arg4[%swap3A_1105, %swap3A_1106, %swap3A_1107, %swap3A_1108, %swap3A_1109] : memref<8x7x16x8x128xf32, #tpu.memory_space<vmem>>, vector<1x1x1x8x128xf32>
      %swap3A_1111 = vector.shape_cast %swap3A_1110 : vector<1x1x1x8x128xf32> to vector<8x128xf32>
      %swap3A_1112 = vector.shape_cast %add3A_1104 : vector<8x128xf32> to vector<1x1x1x8x128xf32>
      tpu.vector_store %arg4[%swap3A_1105, %swap3A_1106, %swap3A_1107, %swap3A_1108, %swap3A_1109], %swap3A_1112 {strides = array<i32>} : memref<8x7x16x8x128xf32, #tpu.memory_space<vmem>>, vector<1x1x1x8x128xf32>,
      %get3A_1113 = arith.index_cast %rem3A_269 : i32 to index
      %get3A_1114 = arith.constant 2 : index
      %get3A_1115 = arith.constant 15 : index
      %get3A_1116 = arith.constant 0 : index
      %get3A_1117 = arith.constant 0 : index
      %get3A_1118 = vector.load %arg3[%get3A_1113, %get3A_1114, %get3A_1115, %get3A_1116, %get3A_1117] : memref<8x7x16x8x128xf32, #tpu.memory_space<vmem>>, vector<1x1x1x8x128xf32>
      %get3A_1119 = vector.shape_cast %get3A_1118 : vector<1x1x1x8x128xf32> to vector<8x128xf32>
      %slice3A_1120 = vector.extract_strided_slice %dot_general3A_857 {offsets = [0, 1920], sizes = [8, 128], strides = [1, 1]} : vector<8x2048xf32> to vector<8x128xf32>
      %add3A_1121 = arith.addf %get3A_1119, %slice3A_1120 : vector<8x128xf32>
      %swap3A_1122 = arith.index_cast %rem3A_269 : i32 to index
      %swap3A_1123 = arith.constant 2 : index
      %swap3A_1124 = arith.constant 15 : index
      %swap3A_1125 = arith.constant 0 : index
      %swap3A_1126 = arith.constant 0 : index
      %swap3A_1127 = vector.load %arg4[%swap3A_1122, %swap3A_1123, %swap3A_1124, %swap3A_1125, %swap3A_1126] : memref<8x7x16x8x128xf32, #tpu.memory_space<vmem>>, vector<1x1x1x8x128xf32>
      %swap3A_1128 = vector.shape_cast %swap3A_1127 : vector<1x1x1x8x128xf32> to vector<8x128xf32>
      %swap3A_1129 = vector.shape_cast %add3A_1121 : vector<8x128xf32> to vector<1x1x1x8x128xf32>
      tpu.vector_store %arg4[%swap3A_1122, %swap3A_1123, %swap3A_1124, %swap3A_1125, %swap3A_1126], %swap3A_1129 {strides = array<i32>} : memref<8x7x16x8x128xf32, #tpu.memory_space<vmem>>, vector<1x1x1x8x128xf32>,
      %mul3A_1130 = arith.constant 7 : i32
      %mul3A_1131 = arith.muli %scan3A_267, %mul3A_1130 : i32
      %add3A_1132 = arith.constant 3 : i32
      %add3A_1133 = arith.addi %mul3A_1131, %add3A_1132 : i32
      %get3A_1134 = arith.index_cast %add3A_1133 : i32 to index
      %get3A_1135 = arith.constant 0 : index
      %get3A_1136 = arith.constant 0 : index
      %get3A_1137 = vector.load %arg5[%get3A_1134, %get3A_1135, %get3A_1136] : memref<2401x8x16xf32, #tpu.memory_space<vmem>>, vector<1x8x16xf32>
      %get3A_1138 = vector.shape_cast %get3A_1137 : vector<1x8x16xf32> to vector<8x16xf32>
      %dot_general3A_1139 = arith.constant dense<0.000000e+00> : vector<8x2048xf32>
      %dot_general3A_1140 = tpu.matmul %get3A_1138, %convert_element_type3A_143, %dot_general3A_1139 {dimension_numbers = #tpu.dot_dimension_numbers<[1], [0], [0], [1], [0, 0, 1, 1], [], []>, transpose_lhs_hint = false} : vector<8x16xf32>, vector<16x2048xf32>, vector<8x2048xf32> -> vector<8x2048xf32>
      %get3A_1141 = arith.index_cast %rem3A_269 : i32 to index
      %get3A_1142 = arith.constant 3 : index
      %get3A_1143 = arith.constant 0 : index
      %get3A_1144 = arith.constant 0 : index
      %get3A_1145 = arith.constant 0 : index
      %get3A_1146 = vector.load %arg3[%get3A_1141, %get3A_1142, %get3A_1143, %get3A_1144, %get3A_1145] : memref<8x7x16x8x128xf32, #tpu.memory_space<vmem>>, vector<1x1x1x8x128xf32>
      %get3A_1147 = vector.shape_cast %get3A_1146 : vector<1x1x1x8x128xf32> to vector<8x128xf32>
      %slice3A_1148 = vector.extract_strided_slice %dot_general3A_1140 {offsets = [0, 0], sizes = [8, 128], strides = [1, 1]} : vector<8x2048xf32> to vector<8x128xf32>
      %add3A_1149 = arith.addf %get3A_1147, %slice3A_1148 : vector<8x128xf32>
      %swap3A_1150 = arith.index_cast %rem3A_269 : i32 to index
      %swap3A_1151 = arith.constant 3 : index
      %swap3A_1152 = arith.constant 0 : index
      %swap3A_1153 = arith.constant 0 : index
      %swap3A_1154 = arith.constant 0 : index
      %swap3A_1155 = vector.load %arg4[%swap3A_1150, %swap3A_1151, %swap3A_1152, %swap3A_1153, %swap3A_1154] : memref<8x7x16x8x128xf32, #tpu.memory_space<vmem>>, vector<1x1x1x8x128xf32>
      %swap3A_1156 = vector.shape_cast %swap3A_1155 : vector<1x1x1x8x128xf32> to vector<8x128xf32>
      %swap3A_1157 = vector.shape_cast %add3A_1149 : vector<8x128xf32> to vector<1x1x1x8x128xf32>
      tpu.vector_store %arg4[%swap3A_1150, %swap3A_1151, %swap3A_1152, %swap3A_1153, %swap3A_1154], %swap3A_1157 {strides = array<i32>} : memref<8x7x16x8x128xf32, #tpu.memory_space<vmem>>, vector<1x1x1x8x128xf32>,
      %get3A_1158 = arith.index_cast %rem3A_269 : i32 to index
      %get3A_1159 = arith.constant 3 : index
      %get3A_1160 = arith.constant 1 : index
      %get3A_1161 = arith.constant 0 : index
      %get3A_1162 = arith.constant 0 : index
      %get3A_1163 = vector.load %arg3[%get3A_1158, %get3A_1159, %get3A_1160, %get3A_1161, %get3A_1162] : memref<8x7x16x8x128xf32, #tpu.memory_space<vmem>>, vector<1x1x1x8x128xf32>
      %get3A_1164 = vector.shape_cast %get3A_1163 : vector<1x1x1x8x128xf32> to vector<8x128xf32>
      %slice3A_1165 = vector.extract_strided_slice %dot_general3A_1140 {offsets = [0, 128], sizes = [8, 128], strides = [1, 1]} : vector<8x2048xf32> to vector<8x128xf32>
      %add3A_1166 = arith.addf %get3A_1164, %slice3A_1165 : vector<8x128xf32>
      %swap3A_1167 = arith.index_cast %rem3A_269 : i32 to index
      %swap3A_1168 = arith.constant 3 : index
      %swap3A_1169 = arith.constant 1 : index
      %swap3A_1170 = arith.constant 0 : index
      %swap3A_1171 = arith.constant 0 : index
      %swap3A_1172 = vector.load %arg4[%swap3A_1167, %swap3A_1168, %swap3A_1169, %swap3A_1170, %swap3A_1171] : memref<8x7x16x8x128xf32, #tpu.memory_space<vmem>>, vector<1x1x1x8x128xf32>
      %swap3A_1173 = vector.shape_cast %swap3A_1172 : vector<1x1x1x8x128xf32> to vector<8x128xf32>
      %swap3A_1174 = vector.shape_cast %add3A_1166 : vector<8x128xf32> to vector<1x1x1x8x128xf32>
      tpu.vector_store %arg4[%swap3A_1167, %swap3A_1168, %swap3A_1169, %swap3A_1170, %swap3A_1171], %swap3A_1174 {strides = array<i32>} : memref<8x7x16x8x128xf32, #tpu.memory_space<vmem>>, vector<1x1x1x8x128xf32>,
      %get3A_1175 = arith.index_cast %rem3A_269 : i32 to index
      %get3A_1176 = arith.constant 3 : index
      %get3A_1177 = arith.constant 2 : index
      %get3A_1178 = arith.constant 0 : index
      %get3A_1179 = arith.constant 0 : index
      %get3A_1180 = vector.load %arg3[%get3A_1175, %get3A_1176, %get3A_1177, %get3A_1178, %get3A_1179] : memref<8x7x16x8x128xf32, #tpu.memory_space<vmem>>, vector<1x1x1x8x128xf32>
      %get3A_1181 = vector.shape_cast %get3A_1180 : vector<1x1x1x8x128xf32> to vector<8x128xf32>
      %slice3A_1182 = vector.extract_strided_slice %dot_general3A_1140 {offsets = [0, 256], sizes = [8, 128], strides = [1, 1]} : vector<8x2048xf32> to vector<8x128xf32>
      %add3A_1183 = arith.addf %get3A_1181, %slice3A_1182 : vector<8x128xf32>
      %swap3A_1184 = arith.index_cast %rem3A_269 : i32 to index
      %swap3A_1185 = arith.constant 3 : index
      %swap3A_1186 = arith.constant 2 : index
      %swap3A_1187 = arith.constant 0 : index
      %swap3A_1188 = arith.constant 0 : index
      %swap3A_1189 = vector.load %arg4[%swap3A_1184, %swap3A_1185, %swap3A_1186, %swap3A_1187, %swap3A_1188] : memref<8x7x16x8x128xf32, #tpu.memory_space<vmem>>, vector<1x1x1x8x128xf32>
      %swap3A_1190 = vector.shape_cast %swap3A_1189 : vector<1x1x1x8x128xf32> to vector<8x128xf32>
      %swap3A_1191 = vector.shape_cast %add3A_1183 : vector<8x128xf32> to vector<1x1x1x8x128xf32>
      tpu.vector_store %arg4[%swap3A_1184, %swap3A_1185, %swap3A_1186, %swap3A_1187, %swap3A_1188], %swap3A_1191 {strides = array<i32>} : memref<8x7x16x8x128xf32, #tpu.memory_space<vmem>>, vector<1x1x1x8x128xf32>,
      %get3A_1192 = arith.index_cast %rem3A_269 : i32 to index
      %get3A_1193 = arith.constant 3 : index
      %get3A_1194 = arith.constant 3 : index
      %get3A_1195 = arith.constant 0 : index
      %get3A_1196 = arith.constant 0 : index
      %get3A_1197 = vector.load %arg3[%get3A_1192, %get3A_1193, %get3A_1194, %get3A_1195, %get3A_1196] : memref<8x7x16x8x128xf32, #tpu.memory_space<vmem>>, vector<1x1x1x8x128xf32>
      %get3A_1198 = vector.shape_cast %get3A_1197 : vector<1x1x1x8x128xf32> to vector<8x128xf32>
      %slice3A_1199 = vector.extract_strided_slice %dot_general3A_1140 {offsets = [0, 384], sizes = [8, 128], strides = [1, 1]} : vector<8x2048xf32> to vector<8x128xf32>
      %add3A_1200 = arith.addf %get3A_1198, %slice3A_1199 : vector<8x128xf32>
      %swap3A_1201 = arith.index_cast %rem3A_269 : i32 to index
      %swap3A_1202 = arith.constant 3 : index
      %swap3A_1203 = arith.constant 3 : index
      %swap3A_1204 = arith.constant 0 : index
      %swap3A_1205 = arith.constant 0 : index
      %swap3A_1206 = vector.load %arg4[%swap3A_1201, %swap3A_1202, %swap3A_1203, %swap3A_1204, %swap3A_1205] : memref<8x7x16x8x128xf32, #tpu.memory_space<vmem>>, vector<1x1x1x8x128xf32>
      %swap3A_1207 = vector.shape_cast %swap3A_1206 : vector<1x1x1x8x128xf32> to vector<8x128xf32>
      %swap3A_1208 = vector.shape_cast %add3A_1200 : vector<8x128xf32> to vector<1x1x1x8x128xf32>
      tpu.vector_store %arg4[%swap3A_1201, %swap3A_1202, %swap3A_1203, %swap3A_1204, %swap3A_1205], %swap3A_1208 {strides = array<i32>} : memref<8x7x16x8x128xf32, #tpu.memory_space<vmem>>, vector<1x1x1x8x128xf32>,
      %get3A_1209 = arith.index_cast %rem3A_269 : i32 to index
      %get3A_1210 = arith.constant 3 : index
      %get3A_1211 = arith.constant 4 : index
      %get3A_1212 = arith.constant 0 : index
      %get3A_1213 = arith.constant 0 : index
      %get3A_1214 = vector.load %arg3[%get3A_1209, %get3A_1210, %get3A_1211, %get3A_1212, %get3A_1213] : memref<8x7x16x8x128xf32, #tpu.memory_space<vmem>>, vector<1x1x1x8x128xf32>
      %get3A_1215 = vector.shape_cast %get3A_1214 : vector<1x1x1x8x128xf32> to vector<8x128xf32>
      %slice3A_1216 = vector.extract_strided_slice %dot_general3A_1140 {offsets = [0, 512], sizes = [8, 128], strides = [1, 1]} : vector<8x2048xf32> to vector<8x128xf32>
      %add3A_1217 = arith.addf %get3A_1215, %slice3A_1216 : vector<8x128xf32>
      %swap3A_1218 = arith.index_cast %rem3A_269 : i32 to index
      %swap3A_1219 = arith.constant 3 : index
      %swap3A_1220 = arith.constant 4 : index
      %swap3A_1221 = arith.constant 0 : index
      %swap3A_1222 = arith.constant 0 : index
      %swap3A_1223 = vector.load %arg4[%swap3A_1218, %swap3A_1219, %swap3A_1220, %swap3A_1221, %swap3A_1222] : memref<8x7x16x8x128xf32, #tpu.memory_space<vmem>>, vector<1x1x1x8x128xf32>
      %swap3A_1224 = vector.shape_cast %swap3A_1223 : vector<1x1x1x8x128xf32> to vector<8x128xf32>
      %swap3A_1225 = vector.shape_cast %add3A_1217 : vector<8x128xf32> to vector<1x1x1x8x128xf32>
      tpu.vector_store %arg4[%swap3A_1218, %swap3A_1219, %swap3A_1220, %swap3A_1221, %swap3A_1222], %swap3A_1225 {strides = array<i32>} : memref<8x7x16x8x128xf32, #tpu.memory_space<vmem>>, vector<1x1x1x8x128xf32>,
      %get3A_1226 = arith.index_cast %rem3A_269 : i32 to index
      %get3A_1227 = arith.constant 3 : index
      %get3A_1228 = arith.constant 5 : index
      %get3A_1229 = arith.constant 0 : index
      %get3A_1230 = arith.constant 0 : index
      %get3A_1231 = vector.load %arg3[%get3A_1226, %get3A_1227, %get3A_1228, %get3A_1229, %get3A_1230] : memref<8x7x16x8x128xf32, #tpu.memory_space<vmem>>, vector<1x1x1x8x128xf32>
      %get3A_1232 = vector.shape_cast %get3A_1231 : vector<1x1x1x8x128xf32> to vector<8x128xf32>
      %slice3A_1233 = vector.extract_strided_slice %dot_general3A_1140 {offsets = [0, 640], sizes = [8, 128], strides = [1, 1]} : vector<8x2048xf32> to vector<8x128xf32>
      %add3A_1234 = arith.addf %get3A_1232, %slice3A_1233 : vector<8x128xf32>
      %swap3A_1235 = arith.index_cast %rem3A_269 : i32 to index
      %swap3A_1236 = arith.constant 3 : index
      %swap3A_1237 = arith.constant 5 : index
      %swap3A_1238 = arith.constant 0 : index
      %swap3A_1239 = arith.constant 0 : index
      %swap3A_1240 = vector.load %arg4[%swap3A_1235, %swap3A_1236, %swap3A_1237, %swap3A_1238, %swap3A_1239] : memref<8x7x16x8x128xf32, #tpu.memory_space<vmem>>, vector<1x1x1x8x128xf32>
      %swap3A_1241 = vector.shape_cast %swap3A_1240 : vector<1x1x1x8x128xf32> to vector<8x128xf32>
      %swap3A_1242 = vector.shape_cast %add3A_1234 : vector<8x128xf32> to vector<1x1x1x8x128xf32>
      tpu.vector_store %arg4[%swap3A_1235, %swap3A_1236, %swap3A_1237, %swap3A_1238, %swap3A_1239], %swap3A_1242 {strides = array<i32>} : memref<8x7x16x8x128xf32, #tpu.memory_space<vmem>>, vector<1x1x1x8x128xf32>,
      %get3A_1243 = arith.index_cast %rem3A_269 : i32 to index
      %get3A_1244 = arith.constant 3 : index
      %get3A_1245 = arith.constant 6 : index
      %get3A_1246 = arith.constant 0 : index
      %get3A_1247 = arith.constant 0 : index
      %get3A_1248 = vector.load %arg3[%get3A_1243, %get3A_1244, %get3A_1245, %get3A_1246, %get3A_1247] : memref<8x7x16x8x128xf32, #tpu.memory_space<vmem>>, vector<1x1x1x8x128xf32>
      %get3A_1249 = vector.shape_cast %get3A_1248 : vector<1x1x1x8x128xf32> to vector<8x128xf32>
      %slice3A_1250 = vector.extract_strided_slice %dot_general3A_1140 {offsets = [0, 768], sizes = [8, 128], strides = [1, 1]} : vector<8x2048xf32> to vector<8x128xf32>
      %add3A_1251 = arith.addf %get3A_1249, %slice3A_1250 : vector<8x128xf32>
      %swap3A_1252 = arith.index_cast %rem3A_269 : i32 to index
      %swap3A_1253 = arith.constant 3 : index
      %swap3A_1254 = arith.constant 6 : index
      %swap3A_1255 = arith.constant 0 : index
      %swap3A_1256 = arith.constant 0 : index
      %swap3A_1257 = vector.load %arg4[%swap3A_1252, %swap3A_1253, %swap3A_1254, %swap3A_1255, %swap3A_1256] : memref<8x7x16x8x128xf32, #tpu.memory_space<vmem>>, vector<1x1x1x8x128xf32>
      %swap3A_1258 = vector.shape_cast %swap3A_1257 : vector<1x1x1x8x128xf32> to vector<8x128xf32>
      %swap3A_1259 = vector.shape_cast %add3A_1251 : vector<8x128xf32> to vector<1x1x1x8x128xf32>
      tpu.vector_store %arg4[%swap3A_1252, %swap3A_1253, %swap3A_1254, %swap3A_1255, %swap3A_1256], %swap3A_1259 {strides = array<i32>} : memref<8x7x16x8x128xf32, #tpu.memory_space<vmem>>, vector<1x1x1x8x128xf32>,
      %get3A_1260 = arith.index_cast %rem3A_269 : i32 to index
      %get3A_1261 = arith.constant 3 : index
      %get3A_1262 = arith.constant 7 : index
      %get3A_1263 = arith.constant 0 : index
      %get3A_1264 = arith.constant 0 : index
      %get3A_1265 = vector.load %arg3[%get3A_1260, %get3A_1261, %get3A_1262, %get3A_1263, %get3A_1264] : memref<8x7x16x8x128xf32, #tpu.memory_space<vmem>>, vector<1x1x1x8x128xf32>
      %get3A_1266 = vector.shape_cast %get3A_1265 : vector<1x1x1x8x128xf32> to vector<8x128xf32>
      %slice3A_1267 = vector.extract_strided_slice %dot_general3A_1140 {offsets = [0, 896], sizes = [8, 128], strides = [1, 1]} : vector<8x2048xf32> to vector<8x128xf32>
      %add3A_1268 = arith.addf %get3A_1266, %slice3A_1267 : vector<8x128xf32>
      %swap3A_1269 = arith.index_cast %rem3A_269 : i32 to index
      %swap3A_1270 = arith.constant 3 : index
      %swap3A_1271 = arith.constant 7 : index
      %swap3A_1272 = arith.constant 0 : index
      %swap3A_1273 = arith.constant 0 : index
      %swap3A_1274 = vector.load %arg4[%swap3A_1269, %swap3A_1270, %swap3A_1271, %swap3A_1272, %swap3A_1273] : memref<8x7x16x8x128xf32, #tpu.memory_space<vmem>>, vector<1x1x1x8x128xf32>
      %swap3A_1275 = vector.shape_cast %swap3A_1274 : vector<1x1x1x8x128xf32> to vector<8x128xf32>
      %swap3A_1276 = vector.shape_cast %add3A_1268 : vector<8x128xf32> to vector<1x1x1x8x128xf32>
      tpu.vector_store %arg4[%swap3A_1269, %swap3A_1270, %swap3A_1271, %swap3A_1272, %swap3A_1273], %swap3A_1276 {strides = array<i32>} : memref<8x7x16x8x128xf32, #tpu.memory_space<vmem>>, vector<1x1x1x8x128xf32>,
      %get3A_1277 = arith.index_cast %rem3A_269 : i32 to index
      %get3A_1278 = arith.constant 3 : index
      %get3A_1279 = arith.constant 8 : index
      %get3A_1280 = arith.constant 0 : index
      %get3A_1281 = arith.constant 0 : index
      %get3A_1282 = vector.load %arg3[%get3A_1277, %get3A_1278, %get3A_1279, %get3A_1280, %get3A_1281] : memref<8x7x16x8x128xf32, #tpu.memory_space<vmem>>, vector<1x1x1x8x128xf32>
      %get3A_1283 = vector.shape_cast %get3A_1282 : vector<1x1x1x8x128xf32> to vector<8x128xf32>
      %slice3A_1284 = vector.extract_strided_slice %dot_general3A_1140 {offsets = [0, 1024], sizes = [8, 128], strides = [1, 1]} : vector<8x2048xf32> to vector<8x128xf32>
      %add3A_1285 = arith.addf %get3A_1283, %slice3A_1284 : vector<8x128xf32>
      %swap3A_1286 = arith.index_cast %rem3A_269 : i32 to index
      %swap3A_1287 = arith.constant 3 : index
      %swap3A_1288 = arith.constant 8 : index
      %swap3A_1289 = arith.constant 0 : index
      %swap3A_1290 = arith.constant 0 : index
      %swap3A_1291 = vector.load %arg4[%swap3A_1286, %swap3A_1287, %swap3A_1288, %swap3A_1289, %swap3A_1290] : memref<8x7x16x8x128xf32, #tpu.memory_space<vmem>>, vector<1x1x1x8x128xf32>
      %swap3A_1292 = vector.shape_cast %swap3A_1291 : vector<1x1x1x8x128xf32> to vector<8x128xf32>
      %swap3A_1293 = vector.shape_cast %add3A_1285 : vector<8x128xf32> to vector<1x1x1x8x128xf32>
      tpu.vector_store %arg4[%swap3A_1286, %swap3A_1287, %swap3A_1288, %swap3A_1289, %swap3A_1290], %swap3A_1293 {strides = array<i32>} : memref<8x7x16x8x128xf32, #tpu.memory_space<vmem>>, vector<1x1x1x8x128xf32>,
      %get3A_1294 = arith.index_cast %rem3A_269 : i32 to index
      %get3A_1295 = arith.constant 3 : index
      %get3A_1296 = arith.constant 9 : index
      %get3A_1297 = arith.constant 0 : index
      %get3A_1298 = arith.constant 0 : index
      %get3A_1299 = vector.load %arg3[%get3A_1294, %get3A_1295, %get3A_1296, %get3A_1297, %get3A_1298] : memref<8x7x16x8x128xf32, #tpu.memory_space<vmem>>, vector<1x1x1x8x128xf32>
      %get3A_1300 = vector.shape_cast %get3A_1299 : vector<1x1x1x8x128xf32> to vector<8x128xf32>
      %slice3A_1301 = vector.extract_strided_slice %dot_general3A_1140 {offsets = [0, 1152], sizes = [8, 128], strides = [1, 1]} : vector<8x2048xf32> to vector<8x128xf32>
      %add3A_1302 = arith.addf %get3A_1300, %slice3A_1301 : vector<8x128xf32>
      %swap3A_1303 = arith.index_cast %rem3A_269 : i32 to index
      %swap3A_1304 = arith.constant 3 : index
      %swap3A_1305 = arith.constant 9 : index
      %swap3A_1306 = arith.constant 0 : index
      %swap3A_1307 = arith.constant 0 : index
      %swap3A_1308 = vector.load %arg4[%swap3A_1303, %swap3A_1304, %swap3A_1305, %swap3A_1306, %swap3A_1307] : memref<8x7x16x8x128xf32, #tpu.memory_space<vmem>>, vector<1x1x1x8x128xf32>
      %swap3A_1309 = vector.shape_cast %swap3A_1308 : vector<1x1x1x8x128xf32> to vector<8x128xf32>
      %swap3A_1310 = vector.shape_cast %add3A_1302 : vector<8x128xf32> to vector<1x1x1x8x128xf32>
      tpu.vector_store %arg4[%swap3A_1303, %swap3A_1304, %swap3A_1305, %swap3A_1306, %swap3A_1307], %swap3A_1310 {strides = array<i32>} : memref<8x7x16x8x128xf32, #tpu.memory_space<vmem>>, vector<1x1x1x8x128xf32>,
      %get3A_1311 = arith.index_cast %rem3A_269 : i32 to index
      %get3A_1312 = arith.constant 3 : index
      %get3A_1313 = arith.constant 10 : index
      %get3A_1314 = arith.constant 0 : index
      %get3A_1315 = arith.constant 0 : index
      %get3A_1316 = vector.load %arg3[%get3A_1311, %get3A_1312, %get3A_1313, %get3A_1314, %get3A_1315] : memref<8x7x16x8x128xf32, #tpu.memory_space<vmem>>, vector<1x1x1x8x128xf32>
      %get3A_1317 = vector.shape_cast %get3A_1316 : vector<1x1x1x8x128xf32> to vector<8x128xf32>
      %slice3A_1318 = vector.extract_strided_slice %dot_general3A_1140 {offsets = [0, 1280], sizes = [8, 128], strides = [1, 1]} : vector<8x2048xf32> to vector<8x128xf32>
      %add3A_1319 = arith.addf %get3A_1317, %slice3A_1318 : vector<8x128xf32>
      %swap3A_1320 = arith.index_cast %rem3A_269 : i32 to index
      %swap3A_1321 = arith.constant 3 : index
      %swap3A_1322 = arith.constant 10 : index
      %swap3A_1323 = arith.constant 0 : index
      %swap3A_1324 = arith.constant 0 : index
      %swap3A_1325 = vector.load %arg4[%swap3A_1320, %swap3A_1321, %swap3A_1322, %swap3A_1323, %swap3A_1324] : memref<8x7x16x8x128xf32, #tpu.memory_space<vmem>>, vector<1x1x1x8x128xf32>
      %swap3A_1326 = vector.shape_cast %swap3A_1325 : vector<1x1x1x8x128xf32> to vector<8x128xf32>
      %swap3A_1327 = vector.shape_cast %add3A_1319 : vector<8x128xf32> to vector<1x1x1x8x128xf32>
      tpu.vector_store %arg4[%swap3A_1320, %swap3A_1321, %swap3A_1322, %swap3A_1323, %swap3A_1324], %swap3A_1327 {strides = array<i32>} : memref<8x7x16x8x128xf32, #tpu.memory_space<vmem>>, vector<1x1x1x8x128xf32>,
      %get3A_1328 = arith.index_cast %rem3A_269 : i32 to index
      %get3A_1329 = arith.constant 3 : index
      %get3A_1330 = arith.constant 11 : index
      %get3A_1331 = arith.constant 0 : index
      %get3A_1332 = arith.constant 0 : index
      %get3A_1333 = vector.load %arg3[%get3A_1328, %get3A_1329, %get3A_1330, %get3A_1331, %get3A_1332] : memref<8x7x16x8x128xf32, #tpu.memory_space<vmem>>, vector<1x1x1x8x128xf32>
      %get3A_1334 = vector.shape_cast %get3A_1333 : vector<1x1x1x8x128xf32> to vector<8x128xf32>
      %slice3A_1335 = vector.extract_strided_slice %dot_general3A_1140 {offsets = [0, 1408], sizes = [8, 128], strides = [1, 1]} : vector<8x2048xf32> to vector<8x128xf32>
      %add3A_1336 = arith.addf %get3A_1334, %slice3A_1335 : vector<8x128xf32>
      %swap3A_1337 = arith.index_cast %rem3A_269 : i32 to index
      %swap3A_1338 = arith.constant 3 : index
      %swap3A_1339 = arith.constant 11 : index
      %swap3A_1340 = arith.constant 0 : index
      %swap3A_1341 = arith.constant 0 : index
      %swap3A_1342 = vector.load %arg4[%swap3A_1337, %swap3A_1338, %swap3A_1339, %swap3A_1340, %swap3A_1341] : memref<8x7x16x8x128xf32, #tpu.memory_space<vmem>>, vector<1x1x1x8x128xf32>
      %swap3A_1343 = vector.shape_cast %swap3A_1342 : vector<1x1x1x8x128xf32> to vector<8x128xf32>
      %swap3A_1344 = vector.shape_cast %add3A_1336 : vector<8x128xf32> to vector<1x1x1x8x128xf32>
      tpu.vector_store %arg4[%swap3A_1337, %swap3A_1338, %swap3A_1339, %swap3A_1340, %swap3A_1341], %swap3A_1344 {strides = array<i32>} : memref<8x7x16x8x128xf32, #tpu.memory_space<vmem>>, vector<1x1x1x8x128xf32>,
      %get3A_1345 = arith.index_cast %rem3A_269 : i32 to index
      %get3A_1346 = arith.constant 3 : index
      %get3A_1347 = arith.constant 12 : index
      %get3A_1348 = arith.constant 0 : index
      %get3A_1349 = arith.constant 0 : index
      %get3A_1350 = vector.load %arg3[%get3A_1345, %get3A_1346, %get3A_1347, %get3A_1348, %get3A_1349] : memref<8x7x16x8x128xf32, #tpu.memory_space<vmem>>, vector<1x1x1x8x128xf32>
      %get3A_1351 = vector.shape_cast %get3A_1350 : vector<1x1x1x8x128xf32> to vector<8x128xf32>
      %slice3A_1352 = vector.extract_strided_slice %dot_general3A_1140 {offsets = [0, 1536], sizes = [8, 128], strides = [1, 1]} : vector<8x2048xf32> to vector<8x128xf32>
      %add3A_1353 = arith.addf %get3A_1351, %slice3A_1352 : vector<8x128xf32>
      %swap3A_1354 = arith.index_cast %rem3A_269 : i32 to index
      %swap3A_1355 = arith.constant 3 : index
      %swap3A_1356 = arith.constant 12 : index
      %swap3A_1357 = arith.constant 0 : index
      %swap3A_1358 = arith.constant 0 : index
      %swap3A_1359 = vector.load %arg4[%swap3A_1354, %swap3A_1355, %swap3A_1356, %swap3A_1357, %swap3A_1358] : memref<8x7x16x8x128xf32, #tpu.memory_space<vmem>>, vector<1x1x1x8x128xf32>
      %swap3A_1360 = vector.shape_cast %swap3A_1359 : vector<1x1x1x8x128xf32> to vector<8x128xf32>
      %swap3A_1361 = vector.shape_cast %add3A_1353 : vector<8x128xf32> to vector<1x1x1x8x128xf32>
      tpu.vector_store %arg4[%swap3A_1354, %swap3A_1355, %swap3A_1356, %swap3A_1357, %swap3A_1358], %swap3A_1361 {strides = array<i32>} : memref<8x7x16x8x128xf32, #tpu.memory_space<vmem>>, vector<1x1x1x8x128xf32>,
      %get3A_1362 = arith.index_cast %rem3A_269 : i32 to index
      %get3A_1363 = arith.constant 3 : index
      %get3A_1364 = arith.constant 13 : index
      %get3A_1365 = arith.constant 0 : index
      %get3A_1366 = arith.constant 0 : index
      %get3A_1367 = vector.load %arg3[%get3A_1362, %get3A_1363, %get3A_1364, %get3A_1365, %get3A_1366] : memref<8x7x16x8x128xf32, #tpu.memory_space<vmem>>, vector<1x1x1x8x128xf32>
      %get3A_1368 = vector.shape_cast %get3A_1367 : vector<1x1x1x8x128xf32> to vector<8x128xf32>
      %slice3A_1369 = vector.extract_strided_slice %dot_general3A_1140 {offsets = [0, 1664], sizes = [8, 128], strides = [1, 1]} : vector<8x2048xf32> to vector<8x128xf32>
      %add3A_1370 = arith.addf %get3A_1368, %slice3A_1369 : vector<8x128xf32>
      %swap3A_1371 = arith.index_cast %rem3A_269 : i32 to index
      %swap3A_1372 = arith.constant 3 : index
      %swap3A_1373 = arith.constant 13 : index
      %swap3A_1374 = arith.constant 0 : index
      %swap3A_1375 = arith.constant 0 : index
      %swap3A_1376 = vector.load %arg4[%swap3A_1371, %swap3A_1372, %swap3A_1373, %swap3A_1374, %swap3A_1375] : memref<8x7x16x8x128xf32, #tpu.memory_space<vmem>>, vector<1x1x1x8x128xf32>
      %swap3A_1377 = vector.shape_cast %swap3A_1376 : vector<1x1x1x8x128xf32> to vector<8x128xf32>
      %swap3A_1378 = vector.shape_cast %add3A_1370 : vector<8x128xf32> to vector<1x1x1x8x128xf32>
      tpu.vector_store %arg4[%swap3A_1371, %swap3A_1372, %swap3A_1373, %swap3A_1374, %swap3A_1375], %swap3A_1378 {strides = array<i32>} : memref<8x7x16x8x128xf32, #tpu.memory_space<vmem>>, vector<1x1x1x8x128xf32>,
      %get3A_1379 = arith.index_cast %rem3A_269 : i32 to index
      %get3A_1380 = arith.constant 3 : index
      %get3A_1381 = arith.constant 14 : index
      %get3A_1382 = arith.constant 0 : index
      %get3A_1383 = arith.constant 0 : index
      %get3A_1384 = vector.load %arg3[%get3A_1379, %get3A_1380, %get3A_1381, %get3A_1382, %get3A_1383] : memref<8x7x16x8x128xf32, #tpu.memory_space<vmem>>, vector<1x1x1x8x128xf32>
      %get3A_1385 = vector.shape_cast %get3A_1384 : vector<1x1x1x8x128xf32> to vector<8x128xf32>
      %slice3A_1386 = vector.extract_strided_slice %dot_general3A_1140 {offsets = [0, 1792], sizes = [8, 128], strides = [1, 1]} : vector<8x2048xf32> to vector<8x128xf32>
      %add3A_1387 = arith.addf %get3A_1385, %slice3A_1386 : vector<8x128xf32>
      %swap3A_1388 = arith.index_cast %rem3A_269 : i32 to index
      %swap3A_1389 = arith.constant 3 : index
      %swap3A_1390 = arith.constant 14 : index
      %swap3A_1391 = arith.constant 0 : index
      %swap3A_1392 = arith.constant 0 : index
      %swap3A_1393 = vector.load %arg4[%swap3A_1388, %swap3A_1389, %swap3A_1390, %swap3A_1391, %swap3A_1392] : memref<8x7x16x8x128xf32, #tpu.memory_space<vmem>>, vector<1x1x1x8x128xf32>
      %swap3A_1394 = vector.shape_cast %swap3A_1393 : vector<1x1x1x8x128xf32> to vector<8x128xf32>
      %swap3A_1395 = vector.shape_cast %add3A_1387 : vector<8x128xf32> to vector<1x1x1x8x128xf32>
      tpu.vector_store %arg4[%swap3A_1388, %swap3A_1389, %swap3A_1390, %swap3A_1391, %swap3A_1392], %swap3A_1395 {strides = array<i32>} : memref<8x7x16x8x128xf32, #tpu.memory_space<vmem>>, vector<1x1x1x8x128xf32>,
      %get3A_1396 = arith.index_cast %rem3A_269 : i32 to index
      %get3A_1397 = arith.constant 3 : index
      %get3A_1398 = arith.constant 15 : index
      %get3A_1399 = arith.constant 0 : index
      %get3A_1400 = arith.constant 0 : index
      %get3A_1401 = vector.load %arg3[%get3A_1396, %get3A_1397, %get3A_1398, %get3A_1399, %get3A_1400] : memref<8x7x16x8x128xf32, #tpu.memory_space<vmem>>, vector<1x1x1x8x128xf32>
      %get3A_1402 = vector.shape_cast %get3A_1401 : vector<1x1x1x8x128xf32> to vector<8x128xf32>
      %slice3A_1403 = vector.extract_strided_slice %dot_general3A_1140 {offsets = [0, 1920], sizes = [8, 128], strides = [1, 1]} : vector<8x2048xf32> to vector<8x128xf32>
      %add3A_1404 = arith.addf %get3A_1402, %slice3A_1403 : vector<8x128xf32>
      %swap3A_1405 = arith.index_cast %rem3A_269 : i32 to index
      %swap3A_1406 = arith.constant 3 : index
      %swap3A_1407 = arith.constant 15 : index
      %swap3A_1408 = arith.constant 0 : index
      %swap3A_1409 = arith.constant 0 : index
      %swap3A_1410 = vector.load %arg4[%swap3A_1405, %swap3A_1406, %swap3A_1407, %swap3A_1408, %swap3A_1409] : memref<8x7x16x8x128xf32, #tpu.memory_space<vmem>>, vector<1x1x1x8x128xf32>
      %swap3A_1411 = vector.shape_cast %swap3A_1410 : vector<1x1x1x8x128xf32> to vector<8x128xf32>
      %swap3A_1412 = vector.shape_cast %add3A_1404 : vector<8x128xf32> to vector<1x1x1x8x128xf32>
      tpu.vector_store %arg4[%swap3A_1405, %swap3A_1406, %swap3A_1407, %swap3A_1408, %swap3A_1409], %swap3A_1412 {strides = array<i32>} : memref<8x7x16x8x128xf32, #tpu.memory_space<vmem>>, vector<1x1x1x8x128xf32>,
      %mul3A_1413 = arith.constant 7 : i32
      %mul3A_1414 = arith.muli %scan3A_267, %mul3A_1413 : i32
      %add3A_1415 = arith.constant 4 : i32
      %add3A_1416 = arith.addi %mul3A_1414, %add3A_1415 : i32
      %get3A_1417 = arith.index_cast %add3A_1416 : i32 to index
      %get3A_1418 = arith.constant 0 : index
      %get3A_1419 = arith.constant 0 : index
      %get3A_1420 = vector.load %arg5[%get3A_1417, %get3A_1418, %get3A_1419] : memref<2401x8x16xf32, #tpu.memory_space<vmem>>, vector<1x8x16xf32>
      %get3A_1421 = vector.shape_cast %get3A_1420 : vector<1x8x16xf32> to vector<8x16xf32>
      %dot_general3A_1422 = arith.constant dense<0.000000e+00> : vector<8x2048xf32>
      %dot_general3A_1423 = tpu.matmul %get3A_1421, %convert_element_type3A_143, %dot_general3A_1422 {dimension_numbers = #tpu.dot_dimension_numbers<[1], [0], [0], [1], [0, 0, 1, 1], [], []>, transpose_lhs_hint = false} : vector<8x16xf32>, vector<16x2048xf32>, vector<8x2048xf32> -> vector<8x2048xf32>
      %get3A_1424 = arith.index_cast %rem3A_269 : i32 to index
      %get3A_1425 = arith.constant 4 : index
      %get3A_1426 = arith.constant 0 : index
      %get3A_1427 = arith.constant 0 : index
      %get3A_1428 = arith.constant 0 : index
      %get3A_1429 = vector.load %arg3[%get3A_1424, %get3A_1425, %get3A_1426, %get3A_1427, %get3A_1428] : memref<8x7x16x8x128xf32, #tpu.memory_space<vmem>>, vector<1x1x1x8x128xf32>
      %get3A_1430 = vector.shape_cast %get3A_1429 : vector<1x1x1x8x128xf32> to vector<8x128xf32>
      %slice3A_1431 = vector.extract_strided_slice %dot_general3A_1423 {offsets = [0, 0], sizes = [8, 128], strides = [1, 1]} : vector<8x2048xf32> to vector<8x128xf32>
      %add3A_1432 = arith.addf %get3A_1430, %slice3A_1431 : vector<8x128xf32>
      %swap3A_1433 = arith.index_cast %rem3A_269 : i32 to index
      %swap3A_1434 = arith.constant 4 : index
      %swap3A_1435 = arith.constant 0 : index
      %swap3A_1436 = arith.constant 0 : index
      %swap3A_1437 = arith.constant 0 : index
      %swap3A_1438 = vector.load %arg4[%swap3A_1433, %swap3A_1434, %swap3A_1435, %swap3A_1436, %swap3A_1437] : memref<8x7x16x8x128xf32, #tpu.memory_space<vmem>>, vector<1x1x1x8x128xf32>
      %swap3A_1439 = vector.shape_cast %swap3A_1438 : vector<1x1x1x8x128xf32> to vector<8x128xf32>
      %swap3A_1440 = vector.shape_cast %add3A_1432 : vector<8x128xf32> to vector<1x1x1x8x128xf32>
      tpu.vector_store %arg4[%swap3A_1433, %swap3A_1434, %swap3A_1435, %swap3A_1436, %swap3A_1437], %swap3A_1440 {strides = array<i32>} : memref<8x7x16x8x128xf32, #tpu.memory_space<vmem>>, vector<1x1x1x8x128xf32>,
      %get3A_1441 = arith.index_cast %rem3A_269 : i32 to index
      %get3A_1442 = arith.constant 4 : index
      %get3A_1443 = arith.constant 1 : index
      %get3A_1444 = arith.constant 0 : index
      %get3A_1445 = arith.constant 0 : index
      %get3A_1446 = vector.load %arg3[%get3A_1441, %get3A_1442, %get3A_1443, %get3A_1444, %get3A_1445] : memref<8x7x16x8x128xf32, #tpu.memory_space<vmem>>, vector<1x1x1x8x128xf32>
      %get3A_1447 = vector.shape_cast %get3A_1446 : vector<1x1x1x8x128xf32> to vector<8x128xf32>
      %slice3A_1448 = vector.extract_strided_slice %dot_general3A_1423 {offsets = [0, 128], sizes = [8, 128], strides = [1, 1]} : vector<8x2048xf32> to vector<8x128xf32>
      %add3A_1449 = arith.addf %get3A_1447, %slice3A_1448 : vector<8x128xf32>
      %swap3A_1450 = arith.index_cast %rem3A_269 : i32 to index
      %swap3A_1451 = arith.constant 4 : index
      %swap3A_1452 = arith.constant 1 : index
      %swap3A_1453 = arith.constant 0 : index
      %swap3A_1454 = arith.constant 0 : index
      %swap3A_1455 = vector.load %arg4[%swap3A_1450, %swap3A_1451, %swap3A_1452, %swap3A_1453, %swap3A_1454] : memref<8x7x16x8x128xf32, #tpu.memory_space<vmem>>, vector<1x1x1x8x128xf32>
      %swap3A_1456 = vector.shape_cast %swap3A_1455 : vector<1x1x1x8x128xf32> to vector<8x128xf32>
      %swap3A_1457 = vector.shape_cast %add3A_1449 : vector<8x128xf32> to vector<1x1x1x8x128xf32>
      tpu.vector_store %arg4[%swap3A_1450, %swap3A_1451, %swap3A_1452, %swap3A_1453, %swap3A_1454], %swap3A_1457 {strides = array<i32>} : memref<8x7x16x8x128xf32, #tpu.memory_space<vmem>>, vector<1x1x1x8x128xf32>,
      %get3A_1458 = arith.index_cast %rem3A_269 : i32 to index
      %get3A_1459 = arith.constant 4 : index
      %get3A_1460 = arith.constant 2 : index
      %get3A_1461 = arith.constant 0 : index
      %get3A_1462 = arith.constant 0 : index
      %get3A_1463 = vector.load %arg3[%get3A_1458, %get3A_1459, %get3A_1460, %get3A_1461, %get3A_1462] : memref<8x7x16x8x128xf32, #tpu.memory_space<vmem>>, vector<1x1x1x8x128xf32>
      %get3A_1464 = vector.shape_cast %get3A_1463 : vector<1x1x1x8x128xf32> to vector<8x128xf32>
      %slice3A_1465 = vector.extract_strided_slice %dot_general3A_1423 {offsets = [0, 256], sizes = [8, 128], strides = [1, 1]} : vector<8x2048xf32> to vector<8x128xf32>
      %add3A_1466 = arith.addf %get3A_1464, %slice3A_1465 : vector<8x128xf32>
      %swap3A_1467 = arith.index_cast %rem3A_269 : i32 to index
      %swap3A_1468 = arith.constant 4 : index
      %swap3A_1469 = arith.constant 2 : index
      %swap3A_1470 = arith.constant 0 : index
      %swap3A_1471 = arith.constant 0 : index
      %swap3A_1472 = vector.load %arg4[%swap3A_1467, %swap3A_1468, %swap3A_1469, %swap3A_1470, %swap3A_1471] : memref<8x7x16x8x128xf32, #tpu.memory_space<vmem>>, vector<1x1x1x8x128xf32>
      %swap3A_1473 = vector.shape_cast %swap3A_1472 : vector<1x1x1x8x128xf32> to vector<8x128xf32>
      %swap3A_1474 = vector.shape_cast %add3A_1466 : vector<8x128xf32> to vector<1x1x1x8x128xf32>
      tpu.vector_store %arg4[%swap3A_1467, %swap3A_1468, %swap3A_1469, %swap3A_1470, %swap3A_1471], %swap3A_1474 {strides = array<i32>} : memref<8x7x16x8x128xf32, #tpu.memory_space<vmem>>, vector<1x1x1x8x128xf32>,
      %get3A_1475 = arith.index_cast %rem3A_269 : i32 to index
      %get3A_1476 = arith.constant 4 : index
      %get3A_1477 = arith.constant 3 : index
      %get3A_1478 = arith.constant 0 : index
      %get3A_1479 = arith.constant 0 : index
      %get3A_1480 = vector.load %arg3[%get3A_1475, %get3A_1476, %get3A_1477, %get3A_1478, %get3A_1479] : memref<8x7x16x8x128xf32, #tpu.memory_space<vmem>>, vector<1x1x1x8x128xf32>
      %get3A_1481 = vector.shape_cast %get3A_1480 : vector<1x1x1x8x128xf32> to vector<8x128xf32>
      %slice3A_1482 = vector.extract_strided_slice %dot_general3A_1423 {offsets = [0, 384], sizes = [8, 128], strides = [1, 1]} : vector<8x2048xf32> to vector<8x128xf32>
      %add3A_1483 = arith.addf %get3A_1481, %slice3A_1482 : vector<8x128xf32>
      %swap3A_1484 = arith.index_cast %rem3A_269 : i32 to index
      %swap3A_1485 = arith.constant 4 : index
      %swap3A_1486 = arith.constant 3 : index
      %swap3A_1487 = arith.constant 0 : index
      %swap3A_1488 = arith.constant 0 : index
      %swap3A_1489 = vector.load %arg4[%swap3A_1484, %swap3A_1485, %swap3A_1486, %swap3A_1487, %swap3A_1488] : memref<8x7x16x8x128xf32, #tpu.memory_space<vmem>>, vector<1x1x1x8x128xf32>
      %swap3A_1490 = vector.shape_cast %swap3A_1489 : vector<1x1x1x8x128xf32> to vector<8x128xf32>
      %swap3A_1491 = vector.shape_cast %add3A_1483 : vector<8x128xf32> to vector<1x1x1x8x128xf32>
      tpu.vector_store %arg4[%swap3A_1484, %swap3A_1485, %swap3A_1486, %swap3A_1487, %swap3A_1488], %swap3A_1491 {strides = array<i32>} : memref<8x7x16x8x128xf32, #tpu.memory_space<vmem>>, vector<1x1x1x8x128xf32>,
      %get3A_1492 = arith.index_cast %rem3A_269 : i32 to index
      %get3A_1493 = arith.constant 4 : index
      %get3A_1494 = arith.constant 4 : index
      %get3A_1495 = arith.constant 0 : index
      %get3A_1496 = arith.constant 0 : index
      %get3A_1497 = vector.load %arg3[%get3A_1492, %get3A_1493, %get3A_1494, %get3A_1495, %get3A_1496] : memref<8x7x16x8x128xf32, #tpu.memory_space<vmem>>, vector<1x1x1x8x128xf32>
      %get3A_1498 = vector.shape_cast %get3A_1497 : vector<1x1x1x8x128xf32> to vector<8x128xf32>
      %slice3A_1499 = vector.extract_strided_slice %dot_general3A_1423 {offsets = [0, 512], sizes = [8, 128], strides = [1, 1]} : vector<8x2048xf32> to vector<8x128xf32>
      %add3A_1500 = arith.addf %get3A_1498, %slice3A_1499 : vector<8x128xf32>
      %swap3A_1501 = arith.index_cast %rem3A_269 : i32 to index
      %swap3A_1502 = arith.constant 4 : index
      %swap3A_1503 = arith.constant 4 : index
      %swap3A_1504 = arith.constant 0 : index
      %swap3A_1505 = arith.constant 0 : index
      %swap3A_1506 = vector.load %arg4[%swap3A_1501, %swap3A_1502, %swap3A_1503, %swap3A_1504, %swap3A_1505] : memref<8x7x16x8x128xf32, #tpu.memory_space<vmem>>, vector<1x1x1x8x128xf32>
      %swap3A_1507 = vector.shape_cast %swap3A_1506 : vector<1x1x1x8x128xf32> to vector<8x128xf32>
      %swap3A_1508 = vector.shape_cast %add3A_1500 : vector<8x128xf32> to vector<1x1x1x8x128xf32>
      tpu.vector_store %arg4[%swap3A_1501, %swap3A_1502, %swap3A_1503, %swap3A_1504, %swap3A_1505], %swap3A_1508 {strides = array<i32>} : memref<8x7x16x8x128xf32, #tpu.memory_space<vmem>>, vector<1x1x1x8x128xf32>,
      %get3A_1509 = arith.index_cast %rem3A_269 : i32 to index
      %get3A_1510 = arith.constant 4 : index
      %get3A_1511 = arith.constant 5 : index
      %get3A_1512 = arith.constant 0 : index
      %get3A_1513 = arith.constant 0 : index
      %get3A_1514 = vector.load %arg3[%get3A_1509, %get3A_1510, %get3A_1511, %get3A_1512, %get3A_1513] : memref<8x7x16x8x128xf32, #tpu.memory_space<vmem>>, vector<1x1x1x8x128xf32>
      %get3A_1515 = vector.shape_cast %get3A_1514 : vector<1x1x1x8x128xf32> to vector<8x128xf32>
      %slice3A_1516 = vector.extract_strided_slice %dot_general3A_1423 {offsets = [0, 640], sizes = [8, 128], strides = [1, 1]} : vector<8x2048xf32> to vector<8x128xf32>
      %add3A_1517 = arith.addf %get3A_1515, %slice3A_1516 : vector<8x128xf32>
      %swap3A_1518 = arith.index_cast %rem3A_269 : i32 to index
      %swap3A_1519 = arith.constant 4 : index
      %swap3A_1520 = arith.constant 5 : index
      %swap3A_1521 = arith.constant 0 : index
      %swap3A_1522 = arith.constant 0 : index
      %swap3A_1523 = vector.load %arg4[%swap3A_1518, %swap3A_1519, %swap3A_1520, %swap3A_1521, %swap3A_1522] : memref<8x7x16x8x128xf32, #tpu.memory_space<vmem>>, vector<1x1x1x8x128xf32>
      %swap3A_1524 = vector.shape_cast %swap3A_1523 : vector<1x1x1x8x128xf32> to vector<8x128xf32>
      %swap3A_1525 = vector.shape_cast %add3A_1517 : vector<8x128xf32> to vector<1x1x1x8x128xf32>
      tpu.vector_store %arg4[%swap3A_1518, %swap3A_1519, %swap3A_1520, %swap3A_1521, %swap3A_1522], %swap3A_1525 {strides = array<i32>} : memref<8x7x16x8x128xf32, #tpu.memory_space<vmem>>, vector<1x1x1x8x128xf32>,
      %get3A_1526 = arith.index_cast %rem3A_269 : i32 to index
      %get3A_1527 = arith.constant 4 : index
      %get3A_1528 = arith.constant 6 : index
      %get3A_1529 = arith.constant 0 : index
      %get3A_1530 = arith.constant 0 : index
      %get3A_1531 = vector.load %arg3[%get3A_1526, %get3A_1527, %get3A_1528, %get3A_1529, %get3A_1530] : memref<8x7x16x8x128xf32, #tpu.memory_space<vmem>>, vector<1x1x1x8x128xf32>
      %get3A_1532 = vector.shape_cast %get3A_1531 : vector<1x1x1x8x128xf32> to vector<8x128xf32>
      %slice3A_1533 = vector.extract_strided_slice %dot_general3A_1423 {offsets = [0, 768], sizes = [8, 128], strides = [1, 1]} : vector<8x2048xf32> to vector<8x128xf32>
      %add3A_1534 = arith.addf %get3A_1532, %slice3A_1533 : vector<8x128xf32>
      %swap3A_1535 = arith.index_cast %rem3A_269 : i32 to index
      %swap3A_1536 = arith.constant 4 : index
      %swap3A_1537 = arith.constant 6 : index
      %swap3A_1538 = arith.constant 0 : index
      %swap3A_1539 = arith.constant 0 : index
      %swap3A_1540 = vector.load %arg4[%swap3A_1535, %swap3A_1536, %swap3A_1537, %swap3A_1538, %swap3A_1539] : memref<8x7x16x8x128xf32, #tpu.memory_space<vmem>>, vector<1x1x1x8x128xf32>
      %swap3A_1541 = vector.shape_cast %swap3A_1540 : vector<1x1x1x8x128xf32> to vector<8x128xf32>
      %swap3A_1542 = vector.shape_cast %add3A_1534 : vector<8x128xf32> to vector<1x1x1x8x128xf32>
      tpu.vector_store %arg4[%swap3A_1535, %swap3A_1536, %swap3A_1537, %swap3A_1538, %swap3A_1539], %swap3A_1542 {strides = array<i32>} : memref<8x7x16x8x128xf32, #tpu.memory_space<vmem>>, vector<1x1x1x8x128xf32>,
      %get3A_1543 = arith.index_cast %rem3A_269 : i32 to index
      %get3A_1544 = arith.constant 4 : index
      %get3A_1545 = arith.constant 7 : index
      %get3A_1546 = arith.constant 0 : index
      %get3A_1547 = arith.constant 0 : index
      %get3A_1548 = vector.load %arg3[%get3A_1543, %get3A_1544, %get3A_1545, %get3A_1546, %get3A_1547] : memref<8x7x16x8x128xf32, #tpu.memory_space<vmem>>, vector<1x1x1x8x128xf32>
      %get3A_1549 = vector.shape_cast %get3A_1548 : vector<1x1x1x8x128xf32> to vector<8x128xf32>
      %slice3A_1550 = vector.extract_strided_slice %dot_general3A_1423 {offsets = [0, 896], sizes = [8, 128], strides = [1, 1]} : vector<8x2048xf32> to vector<8x128xf32>
      %add3A_1551 = arith.addf %get3A_1549, %slice3A_1550 : vector<8x128xf32>
      %swap3A_1552 = arith.index_cast %rem3A_269 : i32 to index
      %swap3A_1553 = arith.constant 4 : index
      %swap3A_1554 = arith.constant 7 : index
      %swap3A_1555 = arith.constant 0 : index
      %swap3A_1556 = arith.constant 0 : index
      %swap3A_1557 = vector.load %arg4[%swap3A_1552, %swap3A_1553, %swap3A_1554, %swap3A_1555, %swap3A_1556] : memref<8x7x16x8x128xf32, #tpu.memory_space<vmem>>, vector<1x1x1x8x128xf32>
      %swap3A_1558 = vector.shape_cast %swap3A_1557 : vector<1x1x1x8x128xf32> to vector<8x128xf32>
      %swap3A_1559 = vector.shape_cast %add3A_1551 : vector<8x128xf32> to vector<1x1x1x8x128xf32>
      tpu.vector_store %arg4[%swap3A_1552, %swap3A_1553, %swap3A_1554, %swap3A_1555, %swap3A_1556], %swap3A_1559 {strides = array<i32>} : memref<8x7x16x8x128xf32, #tpu.memory_space<vmem>>, vector<1x1x1x8x128xf32>,
      %get3A_1560 = arith.index_cast %rem3A_269 : i32 to index
      %get3A_1561 = arith.constant 4 : index
      %get3A_1562 = arith.constant 8 : index
      %get3A_1563 = arith.constant 0 : index
      %get3A_1564 = arith.constant 0 : index
      %get3A_1565 = vector.load %arg3[%get3A_1560, %get3A_1561, %get3A_1562, %get3A_1563, %get3A_1564] : memref<8x7x16x8x128xf32, #tpu.memory_space<vmem>>, vector<1x1x1x8x128xf32>
      %get3A_1566 = vector.shape_cast %get3A_1565 : vector<1x1x1x8x128xf32> to vector<8x128xf32>
      %slice3A_1567 = vector.extract_strided_slice %dot_general3A_1423 {offsets = [0, 1024], sizes = [8, 128], strides = [1, 1]} : vector<8x2048xf32> to vector<8x128xf32>
      %add3A_1568 = arith.addf %get3A_1566, %slice3A_1567 : vector<8x128xf32>
      %swap3A_1569 = arith.index_cast %rem3A_269 : i32 to index
      %swap3A_1570 = arith.constant 4 : index
      %swap3A_1571 = arith.constant 8 : index
      %swap3A_1572 = arith.constant 0 : index
      %swap3A_1573 = arith.constant 0 : index
      %swap3A_1574 = vector.load %arg4[%swap3A_1569, %swap3A_1570, %swap3A_1571, %swap3A_1572, %swap3A_1573] : memref<8x7x16x8x128xf32, #tpu.memory_space<vmem>>, vector<1x1x1x8x128xf32>
      %swap3A_1575 = vector.shape_cast %swap3A_1574 : vector<1x1x1x8x128xf32> to vector<8x128xf32>
      %swap3A_1576 = vector.shape_cast %add3A_1568 : vector<8x128xf32> to vector<1x1x1x8x128xf32>
      tpu.vector_store %arg4[%swap3A_1569, %swap3A_1570, %swap3A_1571, %swap3A_1572, %swap3A_1573], %swap3A_1576 {strides = array<i32>} : memref<8x7x16x8x128xf32, #tpu.memory_space<vmem>>, vector<1x1x1x8x128xf32>,
      %get3A_1577 = arith.index_cast %rem3A_269 : i32 to index
      %get3A_1578 = arith.constant 4 : index
      %get3A_1579 = arith.constant 9 : index
      %get3A_1580 = arith.constant 0 : index
      %get3A_1581 = arith.constant 0 : index
      %get3A_1582 = vector.load %arg3[%get3A_1577, %get3A_1578, %get3A_1579, %get3A_1580, %get3A_1581] : memref<8x7x16x8x128xf32, #tpu.memory_space<vmem>>, vector<1x1x1x8x128xf32>
      %get3A_1583 = vector.shape_cast %get3A_1582 : vector<1x1x1x8x128xf32> to vector<8x128xf32>
      %slice3A_1584 = vector.extract_strided_slice %dot_general3A_1423 {offsets = [0, 1152], sizes = [8, 128], strides = [1, 1]} : vector<8x2048xf32> to vector<8x128xf32>
      %add3A_1585 = arith.addf %get3A_1583, %slice3A_1584 : vector<8x128xf32>
      %swap3A_1586 = arith.index_cast %rem3A_269 : i32 to index
      %swap3A_1587 = arith.constant 4 : index
      %swap3A_1588 = arith.constant 9 : index
      %swap3A_1589 = arith.constant 0 : index
      %swap3A_1590 = arith.constant 0 : index
      %swap3A_1591 = vector.load %arg4[%swap3A_1586, %swap3A_1587, %swap3A_1588, %swap3A_1589, %swap3A_1590] : memref<8x7x16x8x128xf32, #tpu.memory_space<vmem>>, vector<1x1x1x8x128xf32>
      %swap3A_1592 = vector.shape_cast %swap3A_1591 : vector<1x1x1x8x128xf32> to vector<8x128xf32>
      %swap3A_1593 = vector.shape_cast %add3A_1585 : vector<8x128xf32> to vector<1x1x1x8x128xf32>
      tpu.vector_store %arg4[%swap3A_1586, %swap3A_1587, %swap3A_1588, %swap3A_1589, %swap3A_1590], %swap3A_1593 {strides = array<i32>} : memref<8x7x16x8x128xf32, #tpu.memory_space<vmem>>, vector<1x1x1x8x128xf32>,
      %get3A_1594 = arith.index_cast %rem3A_269 : i32 to index
      %get3A_1595 = arith.constant 4 : index
      %get3A_1596 = arith.constant 10 : index
      %get3A_1597 = arith.constant 0 : index
      %get3A_1598 = arith.constant 0 : index
      %get3A_1599 = vector.load %arg3[%get3A_1594, %get3A_1595, %get3A_1596, %get3A_1597, %get3A_1598] : memref<8x7x16x8x128xf32, #tpu.memory_space<vmem>>, vector<1x1x1x8x128xf32>
      %get3A_1600 = vector.shape_cast %get3A_1599 : vector<1x1x1x8x128xf32> to vector<8x128xf32>
      %slice3A_1601 = vector.extract_strided_slice %dot_general3A_1423 {offsets = [0, 1280], sizes = [8, 128], strides = [1, 1]} : vector<8x2048xf32> to vector<8x128xf32>
      %add3A_1602 = arith.addf %get3A_1600, %slice3A_1601 : vector<8x128xf32>
      %swap3A_1603 = arith.index_cast %rem3A_269 : i32 to index
      %swap3A_1604 = arith.constant 4 : index
      %swap3A_1605 = arith.constant 10 : index
      %swap3A_1606 = arith.constant 0 : index
      %swap3A_1607 = arith.constant 0 : index
      %swap3A_1608 = vector.load %arg4[%swap3A_1603, %swap3A_1604, %swap3A_1605, %swap3A_1606, %swap3A_1607] : memref<8x7x16x8x128xf32, #tpu.memory_space<vmem>>, vector<1x1x1x8x128xf32>
      %swap3A_1609 = vector.shape_cast %swap3A_1608 : vector<1x1x1x8x128xf32> to vector<8x128xf32>
      %swap3A_1610 = vector.shape_cast %add3A_1602 : vector<8x128xf32> to vector<1x1x1x8x128xf32>
      tpu.vector_store %arg4[%swap3A_1603, %swap3A_1604, %swap3A_1605, %swap3A_1606, %swap3A_1607], %swap3A_1610 {strides = array<i32>} : memref<8x7x16x8x128xf32, #tpu.memory_space<vmem>>, vector<1x1x1x8x128xf32>,
      %get3A_1611 = arith.index_cast %rem3A_269 : i32 to index
      %get3A_1612 = arith.constant 4 : index
      %get3A_1613 = arith.constant 11 : index
      %get3A_1614 = arith.constant 0 : index
      %get3A_1615 = arith.constant 0 : index
      %get3A_1616 = vector.load %arg3[%get3A_1611, %get3A_1612, %get3A_1613, %get3A_1614, %get3A_1615] : memref<8x7x16x8x128xf32, #tpu.memory_space<vmem>>, vector<1x1x1x8x128xf32>
      %get3A_1617 = vector.shape_cast %get3A_1616 : vector<1x1x1x8x128xf32> to vector<8x128xf32>
      %slice3A_1618 = vector.extract_strided_slice %dot_general3A_1423 {offsets = [0, 1408], sizes = [8, 128], strides = [1, 1]} : vector<8x2048xf32> to vector<8x128xf32>
      %add3A_1619 = arith.addf %get3A_1617, %slice3A_1618 : vector<8x128xf32>
      %swap3A_1620 = arith.index_cast %rem3A_269 : i32 to index
      %swap3A_1621 = arith.constant 4 : index
      %swap3A_1622 = arith.constant 11 : index
      %swap3A_1623 = arith.constant 0 : index
      %swap3A_1624 = arith.constant 0 : index
      %swap3A_1625 = vector.load %arg4[%swap3A_1620, %swap3A_1621, %swap3A_1622, %swap3A_1623, %swap3A_1624] : memref<8x7x16x8x128xf32, #tpu.memory_space<vmem>>, vector<1x1x1x8x128xf32>
      %swap3A_1626 = vector.shape_cast %swap3A_1625 : vector<1x1x1x8x128xf32> to vector<8x128xf32>
      %swap3A_1627 = vector.shape_cast %add3A_1619 : vector<8x128xf32> to vector<1x1x1x8x128xf32>
      tpu.vector_store %arg4[%swap3A_1620, %swap3A_1621, %swap3A_1622, %swap3A_1623, %swap3A_1624], %swap3A_1627 {strides = array<i32>} : memref<8x7x16x8x128xf32, #tpu.memory_space<vmem>>, vector<1x1x1x8x128xf32>,
      %get3A_1628 = arith.index_cast %rem3A_269 : i32 to index
      %get3A_1629 = arith.constant 4 : index
      %get3A_1630 = arith.constant 12 : index
      %get3A_1631 = arith.constant 0 : index
      %get3A_1632 = arith.constant 0 : index
      %get3A_1633 = vector.load %arg3[%get3A_1628, %get3A_1629, %get3A_1630, %get3A_1631, %get3A_1632] : memref<8x7x16x8x128xf32, #tpu.memory_space<vmem>>, vector<1x1x1x8x128xf32>
      %get3A_1634 = vector.shape_cast %get3A_1633 : vector<1x1x1x8x128xf32> to vector<8x128xf32>
      %slice3A_1635 = vector.extract_strided_slice %dot_general3A_1423 {offsets = [0, 1536], sizes = [8, 128], strides = [1, 1]} : vector<8x2048xf32> to vector<8x128xf32>
      %add3A_1636 = arith.addf %get3A_1634, %slice3A_1635 : vector<8x128xf32>
      %swap3A_1637 = arith.index_cast %rem3A_269 : i32 to index
      %swap3A_1638 = arith.constant 4 : index
      %swap3A_1639 = arith.constant 12 : index
      %swap3A_1640 = arith.constant 0 : index
      %swap3A_1641 = arith.constant 0 : index
      %swap3A_1642 = vector.load %arg4[%swap3A_1637, %swap3A_1638, %swap3A_1639, %swap3A_1640, %swap3A_1641] : memref<8x7x16x8x128xf32, #tpu.memory_space<vmem>>, vector<1x1x1x8x128xf32>
      %swap3A_1643 = vector.shape_cast %swap3A_1642 : vector<1x1x1x8x128xf32> to vector<8x128xf32>
      %swap3A_1644 = vector.shape_cast %add3A_1636 : vector<8x128xf32> to vector<1x1x1x8x128xf32>
      tpu.vector_store %arg4[%swap3A_1637, %swap3A_1638, %swap3A_1639, %swap3A_1640, %swap3A_1641], %swap3A_1644 {strides = array<i32>} : memref<8x7x16x8x128xf32, #tpu.memory_space<vmem>>, vector<1x1x1x8x128xf32>,
      %get3A_1645 = arith.index_cast %rem3A_269 : i32 to index
      %get3A_1646 = arith.constant 4 : index
      %get3A_1647 = arith.constant 13 : index
      %get3A_1648 = arith.constant 0 : index
      %get3A_1649 = arith.constant 0 : index
      %get3A_1650 = vector.load %arg3[%get3A_1645, %get3A_1646, %get3A_1647, %get3A_1648, %get3A_1649] : memref<8x7x16x8x128xf32, #tpu.memory_space<vmem>>, vector<1x1x1x8x128xf32>
      %get3A_1651 = vector.shape_cast %get3A_1650 : vector<1x1x1x8x128xf32> to vector<8x128xf32>
      %slice3A_1652 = vector.extract_strided_slice %dot_general3A_1423 {offsets = [0, 1664], sizes = [8, 128], strides = [1, 1]} : vector<8x2048xf32> to vector<8x128xf32>
      %add3A_1653 = arith.addf %get3A_1651, %slice3A_1652 : vector<8x128xf32>
      %swap3A_1654 = arith.index_cast %rem3A_269 : i32 to index
      %swap3A_1655 = arith.constant 4 : index
      %swap3A_1656 = arith.constant 13 : index
      %swap3A_1657 = arith.constant 0 : index
      %swap3A_1658 = arith.constant 0 : index
      %swap3A_1659 = vector.load %arg4[%swap3A_1654, %swap3A_1655, %swap3A_1656, %swap3A_1657, %swap3A_1658] : memref<8x7x16x8x128xf32, #tpu.memory_space<vmem>>, vector<1x1x1x8x128xf32>
      %swap3A_1660 = vector.shape_cast %swap3A_1659 : vector<1x1x1x8x128xf32> to vector<8x128xf32>
      %swap3A_1661 = vector.shape_cast %add3A_1653 : vector<8x128xf32> to vector<1x1x1x8x128xf32>
      tpu.vector_store %arg4[%swap3A_1654, %swap3A_1655, %swap3A_1656, %swap3A_1657, %swap3A_1658], %swap3A_1661 {strides = array<i32>} : memref<8x7x16x8x128xf32, #tpu.memory_space<vmem>>, vector<1x1x1x8x128xf32>,
      %get3A_1662 = arith.index_cast %rem3A_269 : i32 to index
      %get3A_1663 = arith.constant 4 : index
      %get3A_1664 = arith.constant 14 : index
      %get3A_1665 = arith.constant 0 : index
      %get3A_1666 = arith.constant 0 : index
      %get3A_1667 = vector.load %arg3[%get3A_1662, %get3A_1663, %get3A_1664, %get3A_1665, %get3A_1666] : memref<8x7x16x8x128xf32, #tpu.memory_space<vmem>>, vector<1x1x1x8x128xf32>
      %get3A_1668 = vector.shape_cast %get3A_1667 : vector<1x1x1x8x128xf32> to vector<8x128xf32>
      %slice3A_1669 = vector.extract_strided_slice %dot_general3A_1423 {offsets = [0, 1792], sizes = [8, 128], strides = [1, 1]} : vector<8x2048xf32> to vector<8x128xf32>
      %add3A_1670 = arith.addf %get3A_1668, %slice3A_1669 : vector<8x128xf32>
      %swap3A_1671 = arith.index_cast %rem3A_269 : i32 to index
      %swap3A_1672 = arith.constant 4 : index
      %swap3A_1673 = arith.constant 14 : index
      %swap3A_1674 = arith.constant 0 : index
      %swap3A_1675 = arith.constant 0 : index
      %swap3A_1676 = vector.load %arg4[%swap3A_1671, %swap3A_1672, %swap3A_1673, %swap3A_1674, %swap3A_1675] : memref<8x7x16x8x128xf32, #tpu.memory_space<vmem>>, vector<1x1x1x8x128xf32>
      %swap3A_1677 = vector.shape_cast %swap3A_1676 : vector<1x1x1x8x128xf32> to vector<8x128xf32>
      %swap3A_1678 = vector.shape_cast %add3A_1670 : vector<8x128xf32> to vector<1x1x1x8x128xf32>
      tpu.vector_store %arg4[%swap3A_1671, %swap3A_1672, %swap3A_1673, %swap3A_1674, %swap3A_1675], %swap3A_1678 {strides = array<i32>} : memref<8x7x16x8x128xf32, #tpu.memory_space<vmem>>, vector<1x1x1x8x128xf32>,
      %get3A_1679 = arith.index_cast %rem3A_269 : i32 to index
      %get3A_1680 = arith.constant 4 : index
      %get3A_1681 = arith.constant 15 : index
      %get3A_1682 = arith.constant 0 : index
      %get3A_1683 = arith.constant 0 : index
      %get3A_1684 = vector.load %arg3[%get3A_1679, %get3A_1680, %get3A_1681, %get3A_1682, %get3A_1683] : memref<8x7x16x8x128xf32, #tpu.memory_space<vmem>>, vector<1x1x1x8x128xf32>
      %get3A_1685 = vector.shape_cast %get3A_1684 : vector<1x1x1x8x128xf32> to vector<8x128xf32>
      %slice3A_1686 = vector.extract_strided_slice %dot_general3A_1423 {offsets = [0, 1920], sizes = [8, 128], strides = [1, 1]} : vector<8x2048xf32> to vector<8x128xf32>
      %add3A_1687 = arith.addf %get3A_1685, %slice3A_1686 : vector<8x128xf32>
      %swap3A_1688 = arith.index_cast %rem3A_269 : i32 to index
      %swap3A_1689 = arith.constant 4 : index
      %swap3A_1690 = arith.constant 15 : index
      %swap3A_1691 = arith.constant 0 : index
      %swap3A_1692 = arith.constant 0 : index
      %swap3A_1693 = vector.load %arg4[%swap3A_1688, %swap3A_1689, %swap3A_1690, %swap3A_1691, %swap3A_1692] : memref<8x7x16x8x128xf32, #tpu.memory_space<vmem>>, vector<1x1x1x8x128xf32>
      %swap3A_1694 = vector.shape_cast %swap3A_1693 : vector<1x1x1x8x128xf32> to vector<8x128xf32>
      %swap3A_1695 = vector.shape_cast %add3A_1687 : vector<8x128xf32> to vector<1x1x1x8x128xf32>
      tpu.vector_store %arg4[%swap3A_1688, %swap3A_1689, %swap3A_1690, %swap3A_1691, %swap3A_1692], %swap3A_1695 {strides = array<i32>} : memref<8x7x16x8x128xf32, #tpu.memory_space<vmem>>, vector<1x1x1x8x128xf32>,
      %mul3A_1696 = arith.constant 7 : i32
      %mul3A_1697 = arith.muli %scan3A_267, %mul3A_1696 : i32
      %add3A_1698 = arith.constant 5 : i32
      %add3A_1699 = arith.addi %mul3A_1697, %add3A_1698 : i32
      %get3A_1700 = arith.index_cast %add3A_1699 : i32 to index
      %get3A_1701 = arith.constant 0 : index
      %get3A_1702 = arith.constant 0 : index
      %get3A_1703 = vector.load %arg5[%get3A_1700, %get3A_1701, %get3A_1702] : memref<2401x8x16xf32, #tpu.memory_space<vmem>>, vector<1x8x16xf32>
      %get3A_1704 = vector.shape_cast %get3A_1703 : vector<1x8x16xf32> to vector<8x16xf32>
      %dot_general3A_1705 = arith.constant dense<0.000000e+00> : vector<8x2048xf32>
      %dot_general3A_1706 = tpu.matmul %get3A_1704, %convert_element_type3A_143, %dot_general3A_1705 {dimension_numbers = #tpu.dot_dimension_numbers<[1], [0], [0], [1], [0, 0, 1, 1], [], []>, transpose_lhs_hint = false} : vector<8x16xf32>, vector<16x2048xf32>, vector<8x2048xf32> -> vector<8x2048xf32>
      %get3A_1707 = arith.index_cast %rem3A_269 : i32 to index
      %get3A_1708 = arith.constant 5 : index
      %get3A_1709 = arith.constant 0 : index
      %get3A_1710 = arith.constant 0 : index
      %get3A_1711 = arith.constant 0 : index
      %get3A_1712 = vector.load %arg3[%get3A_1707, %get3A_1708, %get3A_1709, %get3A_1710, %get3A_1711] : memref<8x7x16x8x128xf32, #tpu.memory_space<vmem>>, vector<1x1x1x8x128xf32>
      %get3A_1713 = vector.shape_cast %get3A_1712 : vector<1x1x1x8x128xf32> to vector<8x128xf32>
      %slice3A_1714 = vector.extract_strided_slice %dot_general3A_1706 {offsets = [0, 0], sizes = [8, 128], strides = [1, 1]} : vector<8x2048xf32> to vector<8x128xf32>
      %add3A_1715 = arith.addf %get3A_1713, %slice3A_1714 : vector<8x128xf32>
      %swap3A_1716 = arith.index_cast %rem3A_269 : i32 to index
      %swap3A_1717 = arith.constant 5 : index
      %swap3A_1718 = arith.constant 0 : index
      %swap3A_1719 = arith.constant 0 : index
      %swap3A_1720 = arith.constant 0 : index
      %swap3A_1721 = vector.load %arg4[%swap3A_1716, %swap3A_1717, %swap3A_1718, %swap3A_1719, %swap3A_1720] : memref<8x7x16x8x128xf32, #tpu.memory_space<vmem>>, vector<1x1x1x8x128xf32>
      %swap3A_1722 = vector.shape_cast %swap3A_1721 : vector<1x1x1x8x128xf32> to vector<8x128xf32>
      %swap3A_1723 = vector.shape_cast %add3A_1715 : vector<8x128xf32> to vector<1x1x1x8x128xf32>
      tpu.vector_store %arg4[%swap3A_1716, %swap3A_1717, %swap3A_1718, %swap3A_1719, %swap3A_1720], %swap3A_1723 {strides = array<i32>} : memref<8x7x16x8x128xf32, #tpu.memory_space<vmem>>, vector<1x1x1x8x128xf32>,
      %get3A_1724 = arith.index_cast %rem3A_269 : i32 to index
      %get3A_1725 = arith.constant 5 : index
      %get3A_1726 = arith.constant 1 : index
      %get3A_1727 = arith.constant 0 : index
      %get3A_1728 = arith.constant 0 : index
      %get3A_1729 = vector.load %arg3[%get3A_1724, %get3A_1725, %get3A_1726, %get3A_1727, %get3A_1728] : memref<8x7x16x8x128xf32, #tpu.memory_space<vmem>>, vector<1x1x1x8x128xf32>
      %get3A_1730 = vector.shape_cast %get3A_1729 : vector<1x1x1x8x128xf32> to vector<8x128xf32>
      %slice3A_1731 = vector.extract_strided_slice %dot_general3A_1706 {offsets = [0, 128], sizes = [8, 128], strides = [1, 1]} : vector<8x2048xf32> to vector<8x128xf32>
      %add3A_1732 = arith.addf %get3A_1730, %slice3A_1731 : vector<8x128xf32>
      %swap3A_1733 = arith.index_cast %rem3A_269 : i32 to index
      %swap3A_1734 = arith.constant 5 : index
      %swap3A_1735 = arith.constant 1 : index
      %swap3A_1736 = arith.constant 0 : index
      %swap3A_1737 = arith.constant 0 : index
      %swap3A_1738 = vector.load %arg4[%swap3A_1733, %swap3A_1734, %swap3A_1735, %swap3A_1736, %swap3A_1737] : memref<8x7x16x8x128xf32, #tpu.memory_space<vmem>>, vector<1x1x1x8x128xf32>
      %swap3A_1739 = vector.shape_cast %swap3A_1738 : vector<1x1x1x8x128xf32> to vector<8x128xf32>
      %swap3A_1740 = vector.shape_cast %add3A_1732 : vector<8x128xf32> to vector<1x1x1x8x128xf32>
      tpu.vector_store %arg4[%swap3A_1733, %swap3A_1734, %swap3A_1735, %swap3A_1736, %swap3A_1737], %swap3A_1740 {strides = array<i32>} : memref<8x7x16x8x128xf32, #tpu.memory_space<vmem>>, vector<1x1x1x8x128xf32>,
      %get3A_1741 = arith.index_cast %rem3A_269 : i32 to index
      %get3A_1742 = arith.constant 5 : index
      %get3A_1743 = arith.constant 2 : index
      %get3A_1744 = arith.constant 0 : index
      %get3A_1745 = arith.constant 0 : index
      %get3A_1746 = vector.load %arg3[%get3A_1741, %get3A_1742, %get3A_1743, %get3A_1744, %get3A_1745] : memref<8x7x16x8x128xf32, #tpu.memory_space<vmem>>, vector<1x1x1x8x128xf32>
      %get3A_1747 = vector.shape_cast %get3A_1746 : vector<1x1x1x8x128xf32> to vector<8x128xf32>
      %slice3A_1748 = vector.extract_strided_slice %dot_general3A_1706 {offsets = [0, 256], sizes = [8, 128], strides = [1, 1]} : vector<8x2048xf32> to vector<8x128xf32>
      %add3A_1749 = arith.addf %get3A_1747, %slice3A_1748 : vector<8x128xf32>
      %swap3A_1750 = arith.index_cast %rem3A_269 : i32 to index
      %swap3A_1751 = arith.constant 5 : index
      %swap3A_1752 = arith.constant 2 : index
      %swap3A_1753 = arith.constant 0 : index
      %swap3A_1754 = arith.constant 0 : index
      %swap3A_1755 = vector.load %arg4[%swap3A_1750, %swap3A_1751, %swap3A_1752, %swap3A_1753, %swap3A_1754] : memref<8x7x16x8x128xf32, #tpu.memory_space<vmem>>, vector<1x1x1x8x128xf32>
      %swap3A_1756 = vector.shape_cast %swap3A_1755 : vector<1x1x1x8x128xf32> to vector<8x128xf32>
      %swap3A_1757 = vector.shape_cast %add3A_1749 : vector<8x128xf32> to vector<1x1x1x8x128xf32>
      tpu.vector_store %arg4[%swap3A_1750, %swap3A_1751, %swap3A_1752, %swap3A_1753, %swap3A_1754], %swap3A_1757 {strides = array<i32>} : memref<8x7x16x8x128xf32, #tpu.memory_space<vmem>>, vector<1x1x1x8x128xf32>,
      %get3A_1758 = arith.index_cast %rem3A_269 : i32 to index
      %get3A_1759 = arith.constant 5 : index
      %get3A_1760 = arith.constant 3 : index
      %get3A_1761 = arith.constant 0 : index
      %get3A_1762 = arith.constant 0 : index
      %get3A_1763 = vector.load %arg3[%get3A_1758, %get3A_1759, %get3A_1760, %get3A_1761, %get3A_1762] : memref<8x7x16x8x128xf32, #tpu.memory_space<vmem>>, vector<1x1x1x8x128xf32>
      %get3A_1764 = vector.shape_cast %get3A_1763 : vector<1x1x1x8x128xf32> to vector<8x128xf32>
      %slice3A_1765 = vector.extract_strided_slice %dot_general3A_1706 {offsets = [0, 384], sizes = [8, 128], strides = [1, 1]} : vector<8x2048xf32> to vector<8x128xf32>
      %add3A_1766 = arith.addf %get3A_1764, %slice3A_1765 : vector<8x128xf32>
      %swap3A_1767 = arith.index_cast %rem3A_269 : i32 to index
      %swap3A_1768 = arith.constant 5 : index
      %swap3A_1769 = arith.constant 3 : index
      %swap3A_1770 = arith.constant 0 : index
      %swap3A_1771 = arith.constant 0 : index
      %swap3A_1772 = vector.load %arg4[%swap3A_1767, %swap3A_1768, %swap3A_1769, %swap3A_1770, %swap3A_1771] : memref<8x7x16x8x128xf32, #tpu.memory_space<vmem>>, vector<1x1x1x8x128xf32>
      %swap3A_1773 = vector.shape_cast %swap3A_1772 : vector<1x1x1x8x128xf32> to vector<8x128xf32>
      %swap3A_1774 = vector.shape_cast %add3A_1766 : vector<8x128xf32> to vector<1x1x1x8x128xf32>
      tpu.vector_store %arg4[%swap3A_1767, %swap3A_1768, %swap3A_1769, %swap3A_1770, %swap3A_1771], %swap3A_1774 {strides = array<i32>} : memref<8x7x16x8x128xf32, #tpu.memory_space<vmem>>, vector<1x1x1x8x128xf32>,
      %get3A_1775 = arith.index_cast %rem3A_269 : i32 to index
      %get3A_1776 = arith.constant 5 : index
      %get3A_1777 = arith.constant 4 : index
      %get3A_1778 = arith.constant 0 : index
      %get3A_1779 = arith.constant 0 : index
      %get3A_1780 = vector.load %arg3[%get3A_1775, %get3A_1776, %get3A_1777, %get3A_1778, %get3A_1779] : memref<8x7x16x8x128xf32, #tpu.memory_space<vmem>>, vector<1x1x1x8x128xf32>
      %get3A_1781 = vector.shape_cast %get3A_1780 : vector<1x1x1x8x128xf32> to vector<8x128xf32>
      %slice3A_1782 = vector.extract_strided_slice %dot_general3A_1706 {offsets = [0, 512], sizes = [8, 128], strides = [1, 1]} : vector<8x2048xf32> to vector<8x128xf32>
      %add3A_1783 = arith.addf %get3A_1781, %slice3A_1782 : vector<8x128xf32>
      %swap3A_1784 = arith.index_cast %rem3A_269 : i32 to index
      %swap3A_1785 = arith.constant 5 : index
      %swap3A_1786 = arith.constant 4 : index
      %swap3A_1787 = arith.constant 0 : index
      %swap3A_1788 = arith.constant 0 : index
      %swap3A_1789 = vector.load %arg4[%swap3A_1784, %swap3A_1785, %swap3A_1786, %swap3A_1787, %swap3A_1788] : memref<8x7x16x8x128xf32, #tpu.memory_space<vmem>>, vector<1x1x1x8x128xf32>
      %swap3A_1790 = vector.shape_cast %swap3A_1789 : vector<1x1x1x8x128xf32> to vector<8x128xf32>
      %swap3A_1791 = vector.shape_cast %add3A_1783 : vector<8x128xf32> to vector<1x1x1x8x128xf32>
      tpu.vector_store %arg4[%swap3A_1784, %swap3A_1785, %swap3A_1786, %swap3A_1787, %swap3A_1788], %swap3A_1791 {strides = array<i32>} : memref<8x7x16x8x128xf32, #tpu.memory_space<vmem>>, vector<1x1x1x8x128xf32>,
      %get3A_1792 = arith.index_cast %rem3A_269 : i32 to index
      %get3A_1793 = arith.constant 5 : index
      %get3A_1794 = arith.constant 5 : index
      %get3A_1795 = arith.constant 0 : index
      %get3A_1796 = arith.constant 0 : index
      %get3A_1797 = vector.load %arg3[%get3A_1792, %get3A_1793, %get3A_1794, %get3A_1795, %get3A_1796] : memref<8x7x16x8x128xf32, #tpu.memory_space<vmem>>, vector<1x1x1x8x128xf32>
      %get3A_1798 = vector.shape_cast %get3A_1797 : vector<1x1x1x8x128xf32> to vector<8x128xf32>
      %slice3A_1799 = vector.extract_strided_slice %dot_general3A_1706 {offsets = [0, 640], sizes = [8, 128], strides = [1, 1]} : vector<8x2048xf32> to vector<8x128xf32>
      %add3A_1800 = arith.addf %get3A_1798, %slice3A_1799 : vector<8x128xf32>
      %swap3A_1801 = arith.index_cast %rem3A_269 : i32 to index
      %swap3A_1802 = arith.constant 5 : index
      %swap3A_1803 = arith.constant 5 : index
      %swap3A_1804 = arith.constant 0 : index
      %swap3A_1805 = arith.constant 0 : index
      %swap3A_1806 = vector.load %arg4[%swap3A_1801, %swap3A_1802, %swap3A_1803, %swap3A_1804, %swap3A_1805] : memref<8x7x16x8x128xf32, #tpu.memory_space<vmem>>, vector<1x1x1x8x128xf32>
      %swap3A_1807 = vector.shape_cast %swap3A_1806 : vector<1x1x1x8x128xf32> to vector<8x128xf32>
      %swap3A_1808 = vector.shape_cast %add3A_1800 : vector<8x128xf32> to vector<1x1x1x8x128xf32>
      tpu.vector_store %arg4[%swap3A_1801, %swap3A_1802, %swap3A_1803, %swap3A_1804, %swap3A_1805], %swap3A_1808 {strides = array<i32>} : memref<8x7x16x8x128xf32, #tpu.memory_space<vmem>>, vector<1x1x1x8x128xf32>,
      %get3A_1809 = arith.index_cast %rem3A_269 : i32 to index
      %get3A_1810 = arith.constant 5 : index
      %get3A_1811 = arith.constant 6 : index
      %get3A_1812 = arith.constant 0 : index
      %get3A_1813 = arith.constant 0 : index
      %get3A_1814 = vector.load %arg3[%get3A_1809, %get3A_1810, %get3A_1811, %get3A_1812, %get3A_1813] : memref<8x7x16x8x128xf32, #tpu.memory_space<vmem>>, vector<1x1x1x8x128xf32>
      %get3A_1815 = vector.shape_cast %get3A_1814 : vector<1x1x1x8x128xf32> to vector<8x128xf32>
      %slice3A_1816 = vector.extract_strided_slice %dot_general3A_1706 {offsets = [0, 768], sizes = [8, 128], strides = [1, 1]} : vector<8x2048xf32> to vector<8x128xf32>
      %add3A_1817 = arith.addf %get3A_1815, %slice3A_1816 : vector<8x128xf32>
      %swap3A_1818 = arith.index_cast %rem3A_269 : i32 to index
      %swap3A_1819 = arith.constant 5 : index
      %swap3A_1820 = arith.constant 6 : index
      %swap3A_1821 = arith.constant 0 : index
      %swap3A_1822 = arith.constant 0 : index
      %swap3A_1823 = vector.load %arg4[%swap3A_1818, %swap3A_1819, %swap3A_1820, %swap3A_1821, %swap3A_1822] : memref<8x7x16x8x128xf32, #tpu.memory_space<vmem>>, vector<1x1x1x8x128xf32>
      %swap3A_1824 = vector.shape_cast %swap3A_1823 : vector<1x1x1x8x128xf32> to vector<8x128xf32>
      %swap3A_1825 = vector.shape_cast %add3A_1817 : vector<8x128xf32> to vector<1x1x1x8x128xf32>
      tpu.vector_store %arg4[%swap3A_1818, %swap3A_1819, %swap3A_1820, %swap3A_1821, %swap3A_1822], %swap3A_1825 {strides = array<i32>} : memref<8x7x16x8x128xf32, #tpu.memory_space<vmem>>, vector<1x1x1x8x128xf32>,
      %get3A_1826 = arith.index_cast %rem3A_269 : i32 to index
      %get3A_1827 = arith.constant 5 : index
      %get3A_1828 = arith.constant 7 : index
      %get3A_1829 = arith.constant 0 : index
      %get3A_1830 = arith.constant 0 : index
      %get3A_1831 = vector.load %arg3[%get3A_1826, %get3A_1827, %get3A_1828, %get3A_1829, %get3A_1830] : memref<8x7x16x8x128xf32, #tpu.memory_space<vmem>>, vector<1x1x1x8x128xf32>
      %get3A_1832 = vector.shape_cast %get3A_1831 : vector<1x1x1x8x128xf32> to vector<8x128xf32>
      %slice3A_1833 = vector.extract_strided_slice %dot_general3A_1706 {offsets = [0, 896], sizes = [8, 128], strides = [1, 1]} : vector<8x2048xf32> to vector<8x128xf32>
      %add3A_1834 = arith.addf %get3A_1832, %slice3A_1833 : vector<8x128xf32>
      %swap3A_1835 = arith.index_cast %rem3A_269 : i32 to index
      %swap3A_1836 = arith.constant 5 : index
      %swap3A_1837 = arith.constant 7 : index
      %swap3A_1838 = arith.constant 0 : index
      %swap3A_1839 = arith.constant 0 : index
      %swap3A_1840 = vector.load %arg4[%swap3A_1835, %swap3A_1836, %swap3A_1837, %swap3A_1838, %swap3A_1839] : memref<8x7x16x8x128xf32, #tpu.memory_space<vmem>>, vector<1x1x1x8x128xf32>
      %swap3A_1841 = vector.shape_cast %swap3A_1840 : vector<1x1x1x8x128xf32> to vector<8x128xf32>
      %swap3A_1842 = vector.shape_cast %add3A_1834 : vector<8x128xf32> to vector<1x1x1x8x128xf32>
      tpu.vector_store %arg4[%swap3A_1835, %swap3A_1836, %swap3A_1837, %swap3A_1838, %swap3A_1839], %swap3A_1842 {strides = array<i32>} : memref<8x7x16x8x128xf32, #tpu.memory_space<vmem>>, vector<1x1x1x8x128xf32>,
      %get3A_1843 = arith.index_cast %rem3A_269 : i32 to index
      %get3A_1844 = arith.constant 5 : index
      %get3A_1845 = arith.constant 8 : index
      %get3A_1846 = arith.constant 0 : index
      %get3A_1847 = arith.constant 0 : index
      %get3A_1848 = vector.load %arg3[%get3A_1843, %get3A_1844, %get3A_1845, %get3A_1846, %get3A_1847] : memref<8x7x16x8x128xf32, #tpu.memory_space<vmem>>, vector<1x1x1x8x128xf32>
      %get3A_1849 = vector.shape_cast %get3A_1848 : vector<1x1x1x8x128xf32> to vector<8x128xf32>
      %slice3A_1850 = vector.extract_strided_slice %dot_general3A_1706 {offsets = [0, 1024], sizes = [8, 128], strides = [1, 1]} : vector<8x2048xf32> to vector<8x128xf32>
      %add3A_1851 = arith.addf %get3A_1849, %slice3A_1850 : vector<8x128xf32>
      %swap3A_1852 = arith.index_cast %rem3A_269 : i32 to index
      %swap3A_1853 = arith.constant 5 : index
      %swap3A_1854 = arith.constant 8 : index
      %swap3A_1855 = arith.constant 0 : index
      %swap3A_1856 = arith.constant 0 : index
      %swap3A_1857 = vector.load %arg4[%swap3A_1852, %swap3A_1853, %swap3A_1854, %swap3A_1855, %swap3A_1856] : memref<8x7x16x8x128xf32, #tpu.memory_space<vmem>>, vector<1x1x1x8x128xf32>
      %swap3A_1858 = vector.shape_cast %swap3A_1857 : vector<1x1x1x8x128xf32> to vector<8x128xf32>
      %swap3A_1859 = vector.shape_cast %add3A_1851 : vector<8x128xf32> to vector<1x1x1x8x128xf32>
      tpu.vector_store %arg4[%swap3A_1852, %swap3A_1853, %swap3A_1854, %swap3A_1855, %swap3A_1856], %swap3A_1859 {strides = array<i32>} : memref<8x7x16x8x128xf32, #tpu.memory_space<vmem>>, vector<1x1x1x8x128xf32>,
      %get3A_1860 = arith.index_cast %rem3A_269 : i32 to index
      %get3A_1861 = arith.constant 5 : index
      %get3A_1862 = arith.constant 9 : index
      %get3A_1863 = arith.constant 0 : index
      %get3A_1864 = arith.constant 0 : index
      %get3A_1865 = vector.load %arg3[%get3A_1860, %get3A_1861, %get3A_1862, %get3A_1863, %get3A_1864] : memref<8x7x16x8x128xf32, #tpu.memory_space<vmem>>, vector<1x1x1x8x128xf32>
      %get3A_1866 = vector.shape_cast %get3A_1865 : vector<1x1x1x8x128xf32> to vector<8x128xf32>
      %slice3A_1867 = vector.extract_strided_slice %dot_general3A_1706 {offsets = [0, 1152], sizes = [8, 128], strides = [1, 1]} : vector<8x2048xf32> to vector<8x128xf32>
      %add3A_1868 = arith.addf %get3A_1866, %slice3A_1867 : vector<8x128xf32>
      %swap3A_1869 = arith.index_cast %rem3A_269 : i32 to index
      %swap3A_1870 = arith.constant 5 : index
      %swap3A_1871 = arith.constant 9 : index
      %swap3A_1872 = arith.constant 0 : index
      %swap3A_1873 = arith.constant 0 : index
      %swap3A_1874 = vector.load %arg4[%swap3A_1869, %swap3A_1870, %swap3A_1871, %swap3A_1872, %swap3A_1873] : memref<8x7x16x8x128xf32, #tpu.memory_space<vmem>>, vector<1x1x1x8x128xf32>
      %swap3A_1875 = vector.shape_cast %swap3A_1874 : vector<1x1x1x8x128xf32> to vector<8x128xf32>
      %swap3A_1876 = vector.shape_cast %add3A_1868 : vector<8x128xf32> to vector<1x1x1x8x128xf32>
      tpu.vector_store %arg4[%swap3A_1869, %swap3A_1870, %swap3A_1871, %swap3A_1872, %swap3A_1873], %swap3A_1876 {strides = array<i32>} : memref<8x7x16x8x128xf32, #tpu.memory_space<vmem>>, vector<1x1x1x8x128xf32>,
      %get3A_1877 = arith.index_cast %rem3A_269 : i32 to index
      %get3A_1878 = arith.constant 5 : index
      %get3A_1879 = arith.constant 10 : index
      %get3A_1880 = arith.constant 0 : index
      %get3A_1881 = arith.constant 0 : index
      %get3A_1882 = vector.load %arg3[%get3A_1877, %get3A_1878, %get3A_1879, %get3A_1880, %get3A_1881] : memref<8x7x16x8x128xf32, #tpu.memory_space<vmem>>, vector<1x1x1x8x128xf32>
      %get3A_1883 = vector.shape_cast %get3A_1882 : vector<1x1x1x8x128xf32> to vector<8x128xf32>
      %slice3A_1884 = vector.extract_strided_slice %dot_general3A_1706 {offsets = [0, 1280], sizes = [8, 128], strides = [1, 1]} : vector<8x2048xf32> to vector<8x128xf32>
      %add3A_1885 = arith.addf %get3A_1883, %slice3A_1884 : vector<8x128xf32>
      %swap3A_1886 = arith.index_cast %rem3A_269 : i32 to index
      %swap3A_1887 = arith.constant 5 : index
      %swap3A_1888 = arith.constant 10 : index
      %swap3A_1889 = arith.constant 0 : index
      %swap3A_1890 = arith.constant 0 : index
      %swap3A_1891 = vector.load %arg4[%swap3A_1886, %swap3A_1887, %swap3A_1888, %swap3A_1889, %swap3A_1890] : memref<8x7x16x8x128xf32, #tpu.memory_space<vmem>>, vector<1x1x1x8x128xf32>
      %swap3A_1892 = vector.shape_cast %swap3A_1891 : vector<1x1x1x8x128xf32> to vector<8x128xf32>
      %swap3A_1893 = vector.shape_cast %add3A_1885 : vector<8x128xf32> to vector<1x1x1x8x128xf32>
      tpu.vector_store %arg4[%swap3A_1886, %swap3A_1887, %swap3A_1888, %swap3A_1889, %swap3A_1890], %swap3A_1893 {strides = array<i32>} : memref<8x7x16x8x128xf32, #tpu.memory_space<vmem>>, vector<1x1x1x8x128xf32>,
      %get3A_1894 = arith.index_cast %rem3A_269 : i32 to index
      %get3A_1895 = arith.constant 5 : index
      %get3A_1896 = arith.constant 11 : index
      %get3A_1897 = arith.constant 0 : index
      %get3A_1898 = arith.constant 0 : index
      %get3A_1899 = vector.load %arg3[%get3A_1894, %get3A_1895, %get3A_1896, %get3A_1897, %get3A_1898] : memref<8x7x16x8x128xf32, #tpu.memory_space<vmem>>, vector<1x1x1x8x128xf32>
      %get3A_1900 = vector.shape_cast %get3A_1899 : vector<1x1x1x8x128xf32> to vector<8x128xf32>
      %slice3A_1901 = vector.extract_strided_slice %dot_general3A_1706 {offsets = [0, 1408], sizes = [8, 128], strides = [1, 1]} : vector<8x2048xf32> to vector<8x128xf32>
      %add3A_1902 = arith.addf %get3A_1900, %slice3A_1901 : vector<8x128xf32>
      %swap3A_1903 = arith.index_cast %rem3A_269 : i32 to index
      %swap3A_1904 = arith.constant 5 : index
      %swap3A_1905 = arith.constant 11 : index
      %swap3A_1906 = arith.constant 0 : index
      %swap3A_1907 = arith.constant 0 : index
      %swap3A_1908 = vector.load %arg4[%swap3A_1903, %swap3A_1904, %swap3A_1905, %swap3A_1906, %swap3A_1907] : memref<8x7x16x8x128xf32, #tpu.memory_space<vmem>>, vector<1x1x1x8x128xf32>
      %swap3A_1909 = vector.shape_cast %swap3A_1908 : vector<1x1x1x8x128xf32> to vector<8x128xf32>
      %swap3A_1910 = vector.shape_cast %add3A_1902 : vector<8x128xf32> to vector<1x1x1x8x128xf32>
      tpu.vector_store %arg4[%swap3A_1903, %swap3A_1904, %swap3A_1905, %swap3A_1906, %swap3A_1907], %swap3A_1910 {strides = array<i32>} : memref<8x7x16x8x128xf32, #tpu.memory_space<vmem>>, vector<1x1x1x8x128xf32>,
      %get3A_1911 = arith.index_cast %rem3A_269 : i32 to index
      %get3A_1912 = arith.constant 5 : index
      %get3A_1913 = arith.constant 12 : index
      %get3A_1914 = arith.constant 0 : index
      %get3A_1915 = arith.constant 0 : index
      %get3A_1916 = vector.load %arg3[%get3A_1911, %get3A_1912, %get3A_1913, %get3A_1914, %get3A_1915] : memref<8x7x16x8x128xf32, #tpu.memory_space<vmem>>, vector<1x1x1x8x128xf32>
      %get3A_1917 = vector.shape_cast %get3A_1916 : vector<1x1x1x8x128xf32> to vector<8x128xf32>
      %slice3A_1918 = vector.extract_strided_slice %dot_general3A_1706 {offsets = [0, 1536], sizes = [8, 128], strides = [1, 1]} : vector<8x2048xf32> to vector<8x128xf32>
      %add3A_1919 = arith.addf %get3A_1917, %slice3A_1918 : vector<8x128xf32>
      %swap3A_1920 = arith.index_cast %rem3A_269 : i32 to index
      %swap3A_1921 = arith.constant 5 : index
      %swap3A_1922 = arith.constant 12 : index
      %swap3A_1923 = arith.constant 0 : index
      %swap3A_1924 = arith.constant 0 : index
      %swap3A_1925 = vector.load %arg4[%swap3A_1920, %swap3A_1921, %swap3A_1922, %swap3A_1923, %swap3A_1924] : memref<8x7x16x8x128xf32, #tpu.memory_space<vmem>>, vector<1x1x1x8x128xf32>
      %swap3A_1926 = vector.shape_cast %swap3A_1925 : vector<1x1x1x8x128xf32> to vector<8x128xf32>
      %swap3A_1927 = vector.shape_cast %add3A_1919 : vector<8x128xf32> to vector<1x1x1x8x128xf32>
      tpu.vector_store %arg4[%swap3A_1920, %swap3A_1921, %swap3A_1922, %swap3A_1923, %swap3A_1924], %swap3A_1927 {strides = array<i32>} : memref<8x7x16x8x128xf32, #tpu.memory_space<vmem>>, vector<1x1x1x8x128xf32>,
      %get3A_1928 = arith.index_cast %rem3A_269 : i32 to index
      %get3A_1929 = arith.constant 5 : index
      %get3A_1930 = arith.constant 13 : index
      %get3A_1931 = arith.constant 0 : index
      %get3A_1932 = arith.constant 0 : index
      %get3A_1933 = vector.load %arg3[%get3A_1928, %get3A_1929, %get3A_1930, %get3A_1931, %get3A_1932] : memref<8x7x16x8x128xf32, #tpu.memory_space<vmem>>, vector<1x1x1x8x128xf32>
      %get3A_1934 = vector.shape_cast %get3A_1933 : vector<1x1x1x8x128xf32> to vector<8x128xf32>
      %slice3A_1935 = vector.extract_strided_slice %dot_general3A_1706 {offsets = [0, 1664], sizes = [8, 128], strides = [1, 1]} : vector<8x2048xf32> to vector<8x128xf32>
      %add3A_1936 = arith.addf %get3A_1934, %slice3A_1935 : vector<8x128xf32>
      %swap3A_1937 = arith.index_cast %rem3A_269 : i32 to index
      %swap3A_1938 = arith.constant 5 : index
      %swap3A_1939 = arith.constant 13 : index
      %swap3A_1940 = arith.constant 0 : index
      %swap3A_1941 = arith.constant 0 : index
      %swap3A_1942 = vector.load %arg4[%swap3A_1937, %swap3A_1938, %swap3A_1939, %swap3A_1940, %swap3A_1941] : memref<8x7x16x8x128xf32, #tpu.memory_space<vmem>>, vector<1x1x1x8x128xf32>
      %swap3A_1943 = vector.shape_cast %swap3A_1942 : vector<1x1x1x8x128xf32> to vector<8x128xf32>
      %swap3A_1944 = vector.shape_cast %add3A_1936 : vector<8x128xf32> to vector<1x1x1x8x128xf32>
      tpu.vector_store %arg4[%swap3A_1937, %swap3A_1938, %swap3A_1939, %swap3A_1940, %swap3A_1941], %swap3A_1944 {strides = array<i32>} : memref<8x7x16x8x128xf32, #tpu.memory_space<vmem>>, vector<1x1x1x8x128xf32>,
      %get3A_1945 = arith.index_cast %rem3A_269 : i32 to index
      %get3A_1946 = arith.constant 5 : index
      %get3A_1947 = arith.constant 14 : index
      %get3A_1948 = arith.constant 0 : index
      %get3A_1949 = arith.constant 0 : index
      %get3A_1950 = vector.load %arg3[%get3A_1945, %get3A_1946, %get3A_1947, %get3A_1948, %get3A_1949] : memref<8x7x16x8x128xf32, #tpu.memory_space<vmem>>, vector<1x1x1x8x128xf32>
      %get3A_1951 = vector.shape_cast %get3A_1950 : vector<1x1x1x8x128xf32> to vector<8x128xf32>
      %slice3A_1952 = vector.extract_strided_slice %dot_general3A_1706 {offsets = [0, 1792], sizes = [8, 128], strides = [1, 1]} : vector<8x2048xf32> to vector<8x128xf32>
      %add3A_1953 = arith.addf %get3A_1951, %slice3A_1952 : vector<8x128xf32>
      %swap3A_1954 = arith.index_cast %rem3A_269 : i32 to index
      %swap3A_1955 = arith.constant 5 : index
      %swap3A_1956 = arith.constant 14 : index
      %swap3A_1957 = arith.constant 0 : index
      %swap3A_1958 = arith.constant 0 : index
      %swap3A_1959 = vector.load %arg4[%swap3A_1954, %swap3A_1955, %swap3A_1956, %swap3A_1957, %swap3A_1958] : memref<8x7x16x8x128xf32, #tpu.memory_space<vmem>>, vector<1x1x1x8x128xf32>
      %swap3A_1960 = vector.shape_cast %swap3A_1959 : vector<1x1x1x8x128xf32> to vector<8x128xf32>
      %swap3A_1961 = vector.shape_cast %add3A_1953 : vector<8x128xf32> to vector<1x1x1x8x128xf32>
      tpu.vector_store %arg4[%swap3A_1954, %swap3A_1955, %swap3A_1956, %swap3A_1957, %swap3A_1958], %swap3A_1961 {strides = array<i32>} : memref<8x7x16x8x128xf32, #tpu.memory_space<vmem>>, vector<1x1x1x8x128xf32>,
      %get3A_1962 = arith.index_cast %rem3A_269 : i32 to index
      %get3A_1963 = arith.constant 5 : index
      %get3A_1964 = arith.constant 15 : index
      %get3A_1965 = arith.constant 0 : index
      %get3A_1966 = arith.constant 0 : index
      %get3A_1967 = vector.load %arg3[%get3A_1962, %get3A_1963, %get3A_1964, %get3A_1965, %get3A_1966] : memref<8x7x16x8x128xf32, #tpu.memory_space<vmem>>, vector<1x1x1x8x128xf32>
      %get3A_1968 = vector.shape_cast %get3A_1967 : vector<1x1x1x8x128xf32> to vector<8x128xf32>
      %slice3A_1969 = vector.extract_strided_slice %dot_general3A_1706 {offsets = [0, 1920], sizes = [8, 128], strides = [1, 1]} : vector<8x2048xf32> to vector<8x128xf32>
      %add3A_1970 = arith.addf %get3A_1968, %slice3A_1969 : vector<8x128xf32>
      %swap3A_1971 = arith.index_cast %rem3A_269 : i32 to index
      %swap3A_1972 = arith.constant 5 : index
      %swap3A_1973 = arith.constant 15 : index
      %swap3A_1974 = arith.constant 0 : index
      %swap3A_1975 = arith.constant 0 : index
      %swap3A_1976 = vector.load %arg4[%swap3A_1971, %swap3A_1972, %swap3A_1973, %swap3A_1974, %swap3A_1975] : memref<8x7x16x8x128xf32, #tpu.memory_space<vmem>>, vector<1x1x1x8x128xf32>
      %swap3A_1977 = vector.shape_cast %swap3A_1976 : vector<1x1x1x8x128xf32> to vector<8x128xf32>
      %swap3A_1978 = vector.shape_cast %add3A_1970 : vector<8x128xf32> to vector<1x1x1x8x128xf32>
      tpu.vector_store %arg4[%swap3A_1971, %swap3A_1972, %swap3A_1973, %swap3A_1974, %swap3A_1975], %swap3A_1978 {strides = array<i32>} : memref<8x7x16x8x128xf32, #tpu.memory_space<vmem>>, vector<1x1x1x8x128xf32>,
      %mul3A_1979 = arith.constant 7 : i32
      %mul3A_1980 = arith.muli %scan3A_267, %mul3A_1979 : i32
      %add3A_1981 = arith.constant 6 : i32
      %add3A_1982 = arith.addi %mul3A_1980, %add3A_1981 : i32
      %get3A_1983 = arith.index_cast %add3A_1982 : i32 to index
      %get3A_1984 = arith.constant 0 : index
      %get3A_1985 = arith.constant 0 : index
      %get3A_1986 = vector.load %arg5[%get3A_1983, %get3A_1984, %get3A_1985] : memref<2401x8x16xf32, #tpu.memory_space<vmem>>, vector<1x8x16xf32>
      %get3A_1987 = vector.shape_cast %get3A_1986 : vector<1x8x16xf32> to vector<8x16xf32>
      %dot_general3A_1988 = arith.constant dense<0.000000e+00> : vector<8x2048xf32>
      %dot_general3A_1989 = tpu.matmul %get3A_1987, %convert_element_type3A_143, %dot_general3A_1988 {dimension_numbers = #tpu.dot_dimension_numbers<[1], [0], [0], [1], [0, 0, 1, 1], [], []>, transpose_lhs_hint = false} : vector<8x16xf32>, vector<16x2048xf32>, vector<8x2048xf32> -> vector<8x2048xf32>
      %get3A_1990 = arith.index_cast %rem3A_269 : i32 to index
      %get3A_1991 = arith.constant 6 : index
      %get3A_1992 = arith.constant 0 : index
      %get3A_1993 = arith.constant 0 : index
      %get3A_1994 = arith.constant 0 : index
      %get3A_1995 = vector.load %arg3[%get3A_1990, %get3A_1991, %get3A_1992, %get3A_1993, %get3A_1994] : memref<8x7x16x8x128xf32, #tpu.memory_space<vmem>>, vector<1x1x1x8x128xf32>
      %get3A_1996 = vector.shape_cast %get3A_1995 : vector<1x1x1x8x128xf32> to vector<8x128xf32>
      %slice3A_1997 = vector.extract_strided_slice %dot_general3A_1989 {offsets = [0, 0], sizes = [8, 128], strides = [1, 1]} : vector<8x2048xf32> to vector<8x128xf32>
      %add3A_1998 = arith.addf %get3A_1996, %slice3A_1997 : vector<8x128xf32>
      %swap3A_1999 = arith.index_cast %rem3A_269 : i32 to index
      %swap3A_2000 = arith.constant 6 : index
      %swap3A_2001 = arith.constant 0 : index
      %swap3A_2002 = arith.constant 0 : index
      %swap3A_2003 = arith.constant 0 : index
      %swap3A_2004 = vector.load %arg4[%swap3A_1999, %swap3A_2000, %swap3A_2001, %swap3A_2002, %swap3A_2003] : memref<8x7x16x8x128xf32, #tpu.memory_space<vmem>>, vector<1x1x1x8x128xf32>
      %swap3A_2005 = vector.shape_cast %swap3A_2004 : vector<1x1x1x8x128xf32> to vector<8x128xf32>
      %swap3A_2006 = vector.shape_cast %add3A_1998 : vector<8x128xf32> to vector<1x1x1x8x128xf32>
      tpu.vector_store %arg4[%swap3A_1999, %swap3A_2000, %swap3A_2001, %swap3A_2002, %swap3A_2003], %swap3A_2006 {strides = array<i32>} : memref<8x7x16x8x128xf32, #tpu.memory_space<vmem>>, vector<1x1x1x8x128xf32>,
      %get3A_2007 = arith.index_cast %rem3A_269 : i32 to index
      %get3A_2008 = arith.constant 6 : index
      %get3A_2009 = arith.constant 1 : index
      %get3A_2010 = arith.constant 0 : index
      %get3A_2011 = arith.constant 0 : index
      %get3A_2012 = vector.load %arg3[%get3A_2007, %get3A_2008, %get3A_2009, %get3A_2010, %get3A_2011] : memref<8x7x16x8x128xf32, #tpu.memory_space<vmem>>, vector<1x1x1x8x128xf32>
      %get3A_2013 = vector.shape_cast %get3A_2012 : vector<1x1x1x8x128xf32> to vector<8x128xf32>
      %slice3A_2014 = vector.extract_strided_slice %dot_general3A_1989 {offsets = [0, 128], sizes = [8, 128], strides = [1, 1]} : vector<8x2048xf32> to vector<8x128xf32>
      %add3A_2015 = arith.addf %get3A_2013, %slice3A_2014 : vector<8x128xf32>
      %swap3A_2016 = arith.index_cast %rem3A_269 : i32 to index
      %swap3A_2017 = arith.constant 6 : index
      %swap3A_2018 = arith.constant 1 : index
      %swap3A_2019 = arith.constant 0 : index
      %swap3A_2020 = arith.constant 0 : index
      %swap3A_2021 = vector.load %arg4[%swap3A_2016, %swap3A_2017, %swap3A_2018, %swap3A_2019, %swap3A_2020] : memref<8x7x16x8x128xf32, #tpu.memory_space<vmem>>, vector<1x1x1x8x128xf32>
      %swap3A_2022 = vector.shape_cast %swap3A_2021 : vector<1x1x1x8x128xf32> to vector<8x128xf32>
      %swap3A_2023 = vector.shape_cast %add3A_2015 : vector<8x128xf32> to vector<1x1x1x8x128xf32>
      tpu.vector_store %arg4[%swap3A_2016, %swap3A_2017, %swap3A_2018, %swap3A_2019, %swap3A_2020], %swap3A_2023 {strides = array<i32>} : memref<8x7x16x8x128xf32, #tpu.memory_space<vmem>>, vector<1x1x1x8x128xf32>,
      %get3A_2024 = arith.index_cast %rem3A_269 : i32 to index
      %get3A_2025 = arith.constant 6 : index
      %get3A_2026 = arith.constant 2 : index
      %get3A_2027 = arith.constant 0 : index
      %get3A_2028 = arith.constant 0 : index
      %get3A_2029 = vector.load %arg3[%get3A_2024, %get3A_2025, %get3A_2026, %get3A_2027, %get3A_2028] : memref<8x7x16x8x128xf32, #tpu.memory_space<vmem>>, vector<1x1x1x8x128xf32>
      %get3A_2030 = vector.shape_cast %get3A_2029 : vector<1x1x1x8x128xf32> to vector<8x128xf32>
      %slice3A_2031 = vector.extract_strided_slice %dot_general3A_1989 {offsets = [0, 256], sizes = [8, 128], strides = [1, 1]} : vector<8x2048xf32> to vector<8x128xf32>
      %add3A_2032 = arith.addf %get3A_2030, %slice3A_2031 : vector<8x128xf32>
      %swap3A_2033 = arith.index_cast %rem3A_269 : i32 to index
      %swap3A_2034 = arith.constant 6 : index
      %swap3A_2035 = arith.constant 2 : index
      %swap3A_2036 = arith.constant 0 : index
      %swap3A_2037 = arith.constant 0 : index
      %swap3A_2038 = vector.load %arg4[%swap3A_2033, %swap3A_2034, %swap3A_2035, %swap3A_2036, %swap3A_2037] : memref<8x7x16x8x128xf32, #tpu.memory_space<vmem>>, vector<1x1x1x8x128xf32>
      %swap3A_2039 = vector.shape_cast %swap3A_2038 : vector<1x1x1x8x128xf32> to vector<8x128xf32>
      %swap3A_2040 = vector.shape_cast %add3A_2032 : vector<8x128xf32> to vector<1x1x1x8x128xf32>
      tpu.vector_store %arg4[%swap3A_2033, %swap3A_2034, %swap3A_2035, %swap3A_2036, %swap3A_2037], %swap3A_2040 {strides = array<i32>} : memref<8x7x16x8x128xf32, #tpu.memory_space<vmem>>, vector<1x1x1x8x128xf32>,
      %get3A_2041 = arith.index_cast %rem3A_269 : i32 to index
      %get3A_2042 = arith.constant 6 : index
      %get3A_2043 = arith.constant 3 : index
      %get3A_2044 = arith.constant 0 : index
      %get3A_2045 = arith.constant 0 : index
      %get3A_2046 = vector.load %arg3[%get3A_2041, %get3A_2042, %get3A_2043, %get3A_2044, %get3A_2045] : memref<8x7x16x8x128xf32, #tpu.memory_space<vmem>>, vector<1x1x1x8x128xf32>
      %get3A_2047 = vector.shape_cast %get3A_2046 : vector<1x1x1x8x128xf32> to vector<8x128xf32>
      %slice3A_2048 = vector.extract_strided_slice %dot_general3A_1989 {offsets = [0, 384], sizes = [8, 128], strides = [1, 1]} : vector<8x2048xf32> to vector<8x128xf32>
      %add3A_2049 = arith.addf %get3A_2047, %slice3A_2048 : vector<8x128xf32>
      %swap3A_2050 = arith.index_cast %rem3A_269 : i32 to index
      %swap3A_2051 = arith.constant 6 : index
      %swap3A_2052 = arith.constant 3 : index
      %swap3A_2053 = arith.constant 0 : index
      %swap3A_2054 = arith.constant 0 : index
      %swap3A_2055 = vector.load %arg4[%swap3A_2050, %swap3A_2051, %swap3A_2052, %swap3A_2053, %swap3A_2054] : memref<8x7x16x8x128xf32, #tpu.memory_space<vmem>>, vector<1x1x1x8x128xf32>
      %swap3A_2056 = vector.shape_cast %swap3A_2055 : vector<1x1x1x8x128xf32> to vector<8x128xf32>
      %swap3A_2057 = vector.shape_cast %add3A_2049 : vector<8x128xf32> to vector<1x1x1x8x128xf32>
      tpu.vector_store %arg4[%swap3A_2050, %swap3A_2051, %swap3A_2052, %swap3A_2053, %swap3A_2054], %swap3A_2057 {strides = array<i32>} : memref<8x7x16x8x128xf32, #tpu.memory_space<vmem>>, vector<1x1x1x8x128xf32>,
      %get3A_2058 = arith.index_cast %rem3A_269 : i32 to index
      %get3A_2059 = arith.constant 6 : index
      %get3A_2060 = arith.constant 4 : index
      %get3A_2061 = arith.constant 0 : index
      %get3A_2062 = arith.constant 0 : index
      %get3A_2063 = vector.load %arg3[%get3A_2058, %get3A_2059, %get3A_2060, %get3A_2061, %get3A_2062] : memref<8x7x16x8x128xf32, #tpu.memory_space<vmem>>, vector<1x1x1x8x128xf32>
      %get3A_2064 = vector.shape_cast %get3A_2063 : vector<1x1x1x8x128xf32> to vector<8x128xf32>
      %slice3A_2065 = vector.extract_strided_slice %dot_general3A_1989 {offsets = [0, 512], sizes = [8, 128], strides = [1, 1]} : vector<8x2048xf32> to vector<8x128xf32>
      %add3A_2066 = arith.addf %get3A_2064, %slice3A_2065 : vector<8x128xf32>
      %swap3A_2067 = arith.index_cast %rem3A_269 : i32 to index
      %swap3A_2068 = arith.constant 6 : index
      %swap3A_2069 = arith.constant 4 : index
      %swap3A_2070 = arith.constant 0 : index
      %swap3A_2071 = arith.constant 0 : index
      %swap3A_2072 = vector.load %arg4[%swap3A_2067, %swap3A_2068, %swap3A_2069, %swap3A_2070, %swap3A_2071] : memref<8x7x16x8x128xf32, #tpu.memory_space<vmem>>, vector<1x1x1x8x128xf32>
      %swap3A_2073 = vector.shape_cast %swap3A_2072 : vector<1x1x1x8x128xf32> to vector<8x128xf32>
      %swap3A_2074 = vector.shape_cast %add3A_2066 : vector<8x128xf32> to vector<1x1x1x8x128xf32>
      tpu.vector_store %arg4[%swap3A_2067, %swap3A_2068, %swap3A_2069, %swap3A_2070, %swap3A_2071], %swap3A_2074 {strides = array<i32>} : memref<8x7x16x8x128xf32, #tpu.memory_space<vmem>>, vector<1x1x1x8x128xf32>,
      %get3A_2075 = arith.index_cast %rem3A_269 : i32 to index
      %get3A_2076 = arith.constant 6 : index
      %get3A_2077 = arith.constant 5 : index
      %get3A_2078 = arith.constant 0 : index
      %get3A_2079 = arith.constant 0 : index
      %get3A_2080 = vector.load %arg3[%get3A_2075, %get3A_2076, %get3A_2077, %get3A_2078, %get3A_2079] : memref<8x7x16x8x128xf32, #tpu.memory_space<vmem>>, vector<1x1x1x8x128xf32>
      %get3A_2081 = vector.shape_cast %get3A_2080 : vector<1x1x1x8x128xf32> to vector<8x128xf32>
      %slice3A_2082 = vector.extract_strided_slice %dot_general3A_1989 {offsets = [0, 640], sizes = [8, 128], strides = [1, 1]} : vector<8x2048xf32> to vector<8x128xf32>
      %add3A_2083 = arith.addf %get3A_2081, %slice3A_2082 : vector<8x128xf32>
      %swap3A_2084 = arith.index_cast %rem3A_269 : i32 to index
      %swap3A_2085 = arith.constant 6 : index
      %swap3A_2086 = arith.constant 5 : index
      %swap3A_2087 = arith.constant 0 : index
      %swap3A_2088 = arith.constant 0 : index
      %swap3A_2089 = vector.load %arg4[%swap3A_2084, %swap3A_2085, %swap3A_2086, %swap3A_2087, %swap3A_2088] : memref<8x7x16x8x128xf32, #tpu.memory_space<vmem>>, vector<1x1x1x8x128xf32>
      %swap3A_2090 = vector.shape_cast %swap3A_2089 : vector<1x1x1x8x128xf32> to vector<8x128xf32>
      %swap3A_2091 = vector.shape_cast %add3A_2083 : vector<8x128xf32> to vector<1x1x1x8x128xf32>
      tpu.vector_store %arg4[%swap3A_2084, %swap3A_2085, %swap3A_2086, %swap3A_2087, %swap3A_2088], %swap3A_2091 {strides = array<i32>} : memref<8x7x16x8x128xf32, #tpu.memory_space<vmem>>, vector<1x1x1x8x128xf32>,
      %get3A_2092 = arith.index_cast %rem3A_269 : i32 to index
      %get3A_2093 = arith.constant 6 : index
      %get3A_2094 = arith.constant 6 : index
      %get3A_2095 = arith.constant 0 : index
      %get3A_2096 = arith.constant 0 : index
      %get3A_2097 = vector.load %arg3[%get3A_2092, %get3A_2093, %get3A_2094, %get3A_2095, %get3A_2096] : memref<8x7x16x8x128xf32, #tpu.memory_space<vmem>>, vector<1x1x1x8x128xf32>
      %get3A_2098 = vector.shape_cast %get3A_2097 : vector<1x1x1x8x128xf32> to vector<8x128xf32>
      %slice3A_2099 = vector.extract_strided_slice %dot_general3A_1989 {offsets = [0, 768], sizes = [8, 128], strides = [1, 1]} : vector<8x2048xf32> to vector<8x128xf32>
      %add3A_2100 = arith.addf %get3A_2098, %slice3A_2099 : vector<8x128xf32>
      %swap3A_2101 = arith.index_cast %rem3A_269 : i32 to index
      %swap3A_2102 = arith.constant 6 : index
      %swap3A_2103 = arith.constant 6 : index
      %swap3A_2104 = arith.constant 0 : index
      %swap3A_2105 = arith.constant 0 : index
      %swap3A_2106 = vector.load %arg4[%swap3A_2101, %swap3A_2102, %swap3A_2103, %swap3A_2104, %swap3A_2105] : memref<8x7x16x8x128xf32, #tpu.memory_space<vmem>>, vector<1x1x1x8x128xf32>
      %swap3A_2107 = vector.shape_cast %swap3A_2106 : vector<1x1x1x8x128xf32> to vector<8x128xf32>
      %swap3A_2108 = vector.shape_cast %add3A_2100 : vector<8x128xf32> to vector<1x1x1x8x128xf32>
      tpu.vector_store %arg4[%swap3A_2101, %swap3A_2102, %swap3A_2103, %swap3A_2104, %swap3A_2105], %swap3A_2108 {strides = array<i32>} : memref<8x7x16x8x128xf32, #tpu.memory_space<vmem>>, vector<1x1x1x8x128xf32>,
      %get3A_2109 = arith.index_cast %rem3A_269 : i32 to index
      %get3A_2110 = arith.constant 6 : index
      %get3A_2111 = arith.constant 7 : index
      %get3A_2112 = arith.constant 0 : index
      %get3A_2113 = arith.constant 0 : index
      %get3A_2114 = vector.load %arg3[%get3A_2109, %get3A_2110, %get3A_2111, %get3A_2112, %get3A_2113] : memref<8x7x16x8x128xf32, #tpu.memory_space<vmem>>, vector<1x1x1x8x128xf32>
      %get3A_2115 = vector.shape_cast %get3A_2114 : vector<1x1x1x8x128xf32> to vector<8x128xf32>
      %slice3A_2116 = vector.extract_strided_slice %dot_general3A_1989 {offsets = [0, 896], sizes = [8, 128], strides = [1, 1]} : vector<8x2048xf32> to vector<8x128xf32>
      %add3A_2117 = arith.addf %get3A_2115, %slice3A_2116 : vector<8x128xf32>
      %swap3A_2118 = arith.index_cast %rem3A_269 : i32 to index
      %swap3A_2119 = arith.constant 6 : index
      %swap3A_2120 = arith.constant 7 : index
      %swap3A_2121 = arith.constant 0 : index
      %swap3A_2122 = arith.constant 0 : index
      %swap3A_2123 = vector.load %arg4[%swap3A_2118, %swap3A_2119, %swap3A_2120, %swap3A_2121, %swap3A_2122] : memref<8x7x16x8x128xf32, #tpu.memory_space<vmem>>, vector<1x1x1x8x128xf32>
      %swap3A_2124 = vector.shape_cast %swap3A_2123 : vector<1x1x1x8x128xf32> to vector<8x128xf32>
      %swap3A_2125 = vector.shape_cast %add3A_2117 : vector<8x128xf32> to vector<1x1x1x8x128xf32>
      tpu.vector_store %arg4[%swap3A_2118, %swap3A_2119, %swap3A_2120, %swap3A_2121, %swap3A_2122], %swap3A_2125 {strides = array<i32>} : memref<8x7x16x8x128xf32, #tpu.memory_space<vmem>>, vector<1x1x1x8x128xf32>,
      %get3A_2126 = arith.index_cast %rem3A_269 : i32 to index
      %get3A_2127 = arith.constant 6 : index
      %get3A_2128 = arith.constant 8 : index
      %get3A_2129 = arith.constant 0 : index
      %get3A_2130 = arith.constant 0 : index
      %get3A_2131 = vector.load %arg3[%get3A_2126, %get3A_2127, %get3A_2128, %get3A_2129, %get3A_2130] : memref<8x7x16x8x128xf32, #tpu.memory_space<vmem>>, vector<1x1x1x8x128xf32>
      %get3A_2132 = vector.shape_cast %get3A_2131 : vector<1x1x1x8x128xf32> to vector<8x128xf32>
      %slice3A_2133 = vector.extract_strided_slice %dot_general3A_1989 {offsets = [0, 1024], sizes = [8, 128], strides = [1, 1]} : vector<8x2048xf32> to vector<8x128xf32>
      %add3A_2134 = arith.addf %get3A_2132, %slice3A_2133 : vector<8x128xf32>
      %swap3A_2135 = arith.index_cast %rem3A_269 : i32 to index
      %swap3A_2136 = arith.constant 6 : index
      %swap3A_2137 = arith.constant 8 : index
      %swap3A_2138 = arith.constant 0 : index
      %swap3A_2139 = arith.constant 0 : index
      %swap3A_2140 = vector.load %arg4[%swap3A_2135, %swap3A_2136, %swap3A_2137, %swap3A_2138, %swap3A_2139] : memref<8x7x16x8x128xf32, #tpu.memory_space<vmem>>, vector<1x1x1x8x128xf32>
      %swap3A_2141 = vector.shape_cast %swap3A_2140 : vector<1x1x1x8x128xf32> to vector<8x128xf32>
      %swap3A_2142 = vector.shape_cast %add3A_2134 : vector<8x128xf32> to vector<1x1x1x8x128xf32>
      tpu.vector_store %arg4[%swap3A_2135, %swap3A_2136, %swap3A_2137, %swap3A_2138, %swap3A_2139], %swap3A_2142 {strides = array<i32>} : memref<8x7x16x8x128xf32, #tpu.memory_space<vmem>>, vector<1x1x1x8x128xf32>,
      %get3A_2143 = arith.index_cast %rem3A_269 : i32 to index
      %get3A_2144 = arith.constant 6 : index
      %get3A_2145 = arith.constant 9 : index
      %get3A_2146 = arith.constant 0 : index
      %get3A_2147 = arith.constant 0 : index
      %get3A_2148 = vector.load %arg3[%get3A_2143, %get3A_2144, %get3A_2145, %get3A_2146, %get3A_2147] : memref<8x7x16x8x128xf32, #tpu.memory_space<vmem>>, vector<1x1x1x8x128xf32>
      %get3A_2149 = vector.shape_cast %get3A_2148 : vector<1x1x1x8x128xf32> to vector<8x128xf32>
      %slice3A_2150 = vector.extract_strided_slice %dot_general3A_1989 {offsets = [0, 1152], sizes = [8, 128], strides = [1, 1]} : vector<8x2048xf32> to vector<8x128xf32>
      %add3A_2151 = arith.addf %get3A_2149, %slice3A_2150 : vector<8x128xf32>
      %swap3A_2152 = arith.index_cast %rem3A_269 : i32 to index
      %swap3A_2153 = arith.constant 6 : index
      %swap3A_2154 = arith.constant 9 : index
      %swap3A_2155 = arith.constant 0 : index
      %swap3A_2156 = arith.constant 0 : index
      %swap3A_2157 = vector.load %arg4[%swap3A_2152, %swap3A_2153, %swap3A_2154, %swap3A_2155, %swap3A_2156] : memref<8x7x16x8x128xf32, #tpu.memory_space<vmem>>, vector<1x1x1x8x128xf32>
      %swap3A_2158 = vector.shape_cast %swap3A_2157 : vector<1x1x1x8x128xf32> to vector<8x128xf32>
      %swap3A_2159 = vector.shape_cast %add3A_2151 : vector<8x128xf32> to vector<1x1x1x8x128xf32>
      tpu.vector_store %arg4[%swap3A_2152, %swap3A_2153, %swap3A_2154, %swap3A_2155, %swap3A_2156], %swap3A_2159 {strides = array<i32>} : memref<8x7x16x8x128xf32, #tpu.memory_space<vmem>>, vector<1x1x1x8x128xf32>,
      %get3A_2160 = arith.index_cast %rem3A_269 : i32 to index
      %get3A_2161 = arith.constant 6 : index
      %get3A_2162 = arith.constant 10 : index
      %get3A_2163 = arith.constant 0 : index
      %get3A_2164 = arith.constant 0 : index
      %get3A_2165 = vector.load %arg3[%get3A_2160, %get3A_2161, %get3A_2162, %get3A_2163, %get3A_2164] : memref<8x7x16x8x128xf32, #tpu.memory_space<vmem>>, vector<1x1x1x8x128xf32>
      %get3A_2166 = vector.shape_cast %get3A_2165 : vector<1x1x1x8x128xf32> to vector<8x128xf32>
      %slice3A_2167 = vector.extract_strided_slice %dot_general3A_1989 {offsets = [0, 1280], sizes = [8, 128], strides = [1, 1]} : vector<8x2048xf32> to vector<8x128xf32>
      %add3A_2168 = arith.addf %get3A_2166, %slice3A_2167 : vector<8x128xf32>
      %swap3A_2169 = arith.index_cast %rem3A_269 : i32 to index
      %swap3A_2170 = arith.constant 6 : index
      %swap3A_2171 = arith.constant 10 : index
      %swap3A_2172 = arith.constant 0 : index
      %swap3A_2173 = arith.constant 0 : index
      %swap3A_2174 = vector.load %arg4[%swap3A_2169, %swap3A_2170, %swap3A_2171, %swap3A_2172, %swap3A_2173] : memref<8x7x16x8x128xf32, #tpu.memory_space<vmem>>, vector<1x1x1x8x128xf32>
      %swap3A_2175 = vector.shape_cast %swap3A_2174 : vector<1x1x1x8x128xf32> to vector<8x128xf32>
      %swap3A_2176 = vector.shape_cast %add3A_2168 : vector<8x128xf32> to vector<1x1x1x8x128xf32>
      tpu.vector_store %arg4[%swap3A_2169, %swap3A_2170, %swap3A_2171, %swap3A_2172, %swap3A_2173], %swap3A_2176 {strides = array<i32>} : memref<8x7x16x8x128xf32, #tpu.memory_space<vmem>>, vector<1x1x1x8x128xf32>,
      %get3A_2177 = arith.index_cast %rem3A_269 : i32 to index
      %get3A_2178 = arith.constant 6 : index
      %get3A_2179 = arith.constant 11 : index
      %get3A_2180 = arith.constant 0 : index
      %get3A_2181 = arith.constant 0 : index
      %get3A_2182 = vector.load %arg3[%get3A_2177, %get3A_2178, %get3A_2179, %get3A_2180, %get3A_2181] : memref<8x7x16x8x128xf32, #tpu.memory_space<vmem>>, vector<1x1x1x8x128xf32>
      %get3A_2183 = vector.shape_cast %get3A_2182 : vector<1x1x1x8x128xf32> to vector<8x128xf32>
      %slice3A_2184 = vector.extract_strided_slice %dot_general3A_1989 {offsets = [0, 1408], sizes = [8, 128], strides = [1, 1]} : vector<8x2048xf32> to vector<8x128xf32>
      %add3A_2185 = arith.addf %get3A_2183, %slice3A_2184 : vector<8x128xf32>
      %swap3A_2186 = arith.index_cast %rem3A_269 : i32 to index
      %swap3A_2187 = arith.constant 6 : index
      %swap3A_2188 = arith.constant 11 : index
      %swap3A_2189 = arith.constant 0 : index
      %swap3A_2190 = arith.constant 0 : index
      %swap3A_2191 = vector.load %arg4[%swap3A_2186, %swap3A_2187, %swap3A_2188, %swap3A_2189, %swap3A_2190] : memref<8x7x16x8x128xf32, #tpu.memory_space<vmem>>, vector<1x1x1x8x128xf32>
      %swap3A_2192 = vector.shape_cast %swap3A_2191 : vector<1x1x1x8x128xf32> to vector<8x128xf32>
      %swap3A_2193 = vector.shape_cast %add3A_2185 : vector<8x128xf32> to vector<1x1x1x8x128xf32>
      tpu.vector_store %arg4[%swap3A_2186, %swap3A_2187, %swap3A_2188, %swap3A_2189, %swap3A_2190], %swap3A_2193 {strides = array<i32>} : memref<8x7x16x8x128xf32, #tpu.memory_space<vmem>>, vector<1x1x1x8x128xf32>,
      %get3A_2194 = arith.index_cast %rem3A_269 : i32 to index
      %get3A_2195 = arith.constant 6 : index
      %get3A_2196 = arith.constant 12 : index
      %get3A_2197 = arith.constant 0 : index
      %get3A_2198 = arith.constant 0 : index
      %get3A_2199 = vector.load %arg3[%get3A_2194, %get3A_2195, %get3A_2196, %get3A_2197, %get3A_2198] : memref<8x7x16x8x128xf32, #tpu.memory_space<vmem>>, vector<1x1x1x8x128xf32>
      %get3A_2200 = vector.shape_cast %get3A_2199 : vector<1x1x1x8x128xf32> to vector<8x128xf32>
      %slice3A_2201 = vector.extract_strided_slice %dot_general3A_1989 {offsets = [0, 1536], sizes = [8, 128], strides = [1, 1]} : vector<8x2048xf32> to vector<8x128xf32>
      %add3A_2202 = arith.addf %get3A_2200, %slice3A_2201 : vector<8x128xf32>
      %swap3A_2203 = arith.index_cast %rem3A_269 : i32 to index
      %swap3A_2204 = arith.constant 6 : index
      %swap3A_2205 = arith.constant 12 : index
      %swap3A_2206 = arith.constant 0 : index
      %swap3A_2207 = arith.constant 0 : index
      %swap3A_2208 = vector.load %arg4[%swap3A_2203, %swap3A_2204, %swap3A_2205, %swap3A_2206, %swap3A_2207] : memref<8x7x16x8x128xf32, #tpu.memory_space<vmem>>, vector<1x1x1x8x128xf32>
      %swap3A_2209 = vector.shape_cast %swap3A_2208 : vector<1x1x1x8x128xf32> to vector<8x128xf32>
      %swap3A_2210 = vector.shape_cast %add3A_2202 : vector<8x128xf32> to vector<1x1x1x8x128xf32>
      tpu.vector_store %arg4[%swap3A_2203, %swap3A_2204, %swap3A_2205, %swap3A_2206, %swap3A_2207], %swap3A_2210 {strides = array<i32>} : memref<8x7x16x8x128xf32, #tpu.memory_space<vmem>>, vector<1x1x1x8x128xf32>,
      %get3A_2211 = arith.index_cast %rem3A_269 : i32 to index
      %get3A_2212 = arith.constant 6 : index
      %get3A_2213 = arith.constant 13 : index
      %get3A_2214 = arith.constant 0 : index
      %get3A_2215 = arith.constant 0 : index
      %get3A_2216 = vector.load %arg3[%get3A_2211, %get3A_2212, %get3A_2213, %get3A_2214, %get3A_2215] : memref<8x7x16x8x128xf32, #tpu.memory_space<vmem>>, vector<1x1x1x8x128xf32>
      %get3A_2217 = vector.shape_cast %get3A_2216 : vector<1x1x1x8x128xf32> to vector<8x128xf32>
      %slice3A_2218 = vector.extract_strided_slice %dot_general3A_1989 {offsets = [0, 1664], sizes = [8, 128], strides = [1, 1]} : vector<8x2048xf32> to vector<8x128xf32>
      %add3A_2219 = arith.addf %get3A_2217, %slice3A_2218 : vector<8x128xf32>
      %swap3A_2220 = arith.index_cast %rem3A_269 : i32 to index
      %swap3A_2221 = arith.constant 6 : index
      %swap3A_2222 = arith.constant 13 : index
      %swap3A_2223 = arith.constant 0 : index
      %swap3A_2224 = arith.constant 0 : index
      %swap3A_2225 = vector.load %arg4[%swap3A_2220, %swap3A_2221, %swap3A_2222, %swap3A_2223, %swap3A_2224] : memref<8x7x16x8x128xf32, #tpu.memory_space<vmem>>, vector<1x1x1x8x128xf32>
      %swap3A_2226 = vector.shape_cast %swap3A_2225 : vector<1x1x1x8x128xf32> to vector<8x128xf32>
      %swap3A_2227 = vector.shape_cast %add3A_2219 : vector<8x128xf32> to vector<1x1x1x8x128xf32>
      tpu.vector_store %arg4[%swap3A_2220, %swap3A_2221, %swap3A_2222, %swap3A_2223, %swap3A_2224], %swap3A_2227 {strides = array<i32>} : memref<8x7x16x8x128xf32, #tpu.memory_space<vmem>>, vector<1x1x1x8x128xf32>,
      %get3A_2228 = arith.index_cast %rem3A_269 : i32 to index
      %get3A_2229 = arith.constant 6 : index
      %get3A_2230 = arith.constant 14 : index
      %get3A_2231 = arith.constant 0 : index
      %get3A_2232 = arith.constant 0 : index
      %get3A_2233 = vector.load %arg3[%get3A_2228, %get3A_2229, %get3A_2230, %get3A_2231, %get3A_2232] : memref<8x7x16x8x128xf32, #tpu.memory_space<vmem>>, vector<1x1x1x8x128xf32>
      %get3A_2234 = vector.shape_cast %get3A_2233 : vector<1x1x1x8x128xf32> to vector<8x128xf32>
      %slice3A_2235 = vector.extract_strided_slice %dot_general3A_1989 {offsets = [0, 1792], sizes = [8, 128], strides = [1, 1]} : vector<8x2048xf32> to vector<8x128xf32>
      %add3A_2236 = arith.addf %get3A_2234, %slice3A_2235 : vector<8x128xf32>
      %swap3A_2237 = arith.index_cast %rem3A_269 : i32 to index
      %swap3A_2238 = arith.constant 6 : index
      %swap3A_2239 = arith.constant 14 : index
      %swap3A_2240 = arith.constant 0 : index
      %swap3A_2241 = arith.constant 0 : index
      %swap3A_2242 = vector.load %arg4[%swap3A_2237, %swap3A_2238, %swap3A_2239, %swap3A_2240, %swap3A_2241] : memref<8x7x16x8x128xf32, #tpu.memory_space<vmem>>, vector<1x1x1x8x128xf32>
      %swap3A_2243 = vector.shape_cast %swap3A_2242 : vector<1x1x1x8x128xf32> to vector<8x128xf32>
      %swap3A_2244 = vector.shape_cast %add3A_2236 : vector<8x128xf32> to vector<1x1x1x8x128xf32>
      tpu.vector_store %arg4[%swap3A_2237, %swap3A_2238, %swap3A_2239, %swap3A_2240, %swap3A_2241], %swap3A_2244 {strides = array<i32>} : memref<8x7x16x8x128xf32, #tpu.memory_space<vmem>>, vector<1x1x1x8x128xf32>,
      %get3A_2245 = arith.index_cast %rem3A_269 : i32 to index
      %get3A_2246 = arith.constant 6 : index
      %get3A_2247 = arith.constant 15 : index
      %get3A_2248 = arith.constant 0 : index
      %get3A_2249 = arith.constant 0 : index
      %get3A_2250 = vector.load %arg3[%get3A_2245, %get3A_2246, %get3A_2247, %get3A_2248, %get3A_2249] : memref<8x7x16x8x128xf32, #tpu.memory_space<vmem>>, vector<1x1x1x8x128xf32>
      %get3A_2251 = vector.shape_cast %get3A_2250 : vector<1x1x1x8x128xf32> to vector<8x128xf32>
      %slice3A_2252 = vector.extract_strided_slice %dot_general3A_1989 {offsets = [0, 1920], sizes = [8, 128], strides = [1, 1]} : vector<8x2048xf32> to vector<8x128xf32>
      %add3A_2253 = arith.addf %get3A_2251, %slice3A_2252 : vector<8x128xf32>
      %swap3A_2254 = arith.index_cast %rem3A_269 : i32 to index
      %swap3A_2255 = arith.constant 6 : index
      %swap3A_2256 = arith.constant 15 : index
      %swap3A_2257 = arith.constant 0 : index
      %swap3A_2258 = arith.constant 0 : index
      %swap3A_2259 = vector.load %arg4[%swap3A_2254, %swap3A_2255, %swap3A_2256, %swap3A_2257, %swap3A_2258] : memref<8x7x16x8x128xf32, #tpu.memory_space<vmem>>, vector<1x1x1x8x128xf32>
      %swap3A_2260 = vector.shape_cast %swap3A_2259 : vector<1x1x1x8x128xf32> to vector<8x128xf32>
      %swap3A_2261 = vector.shape_cast %add3A_2253 : vector<8x128xf32> to vector<1x1x1x8x128xf32>
      tpu.vector_store %arg4[%swap3A_2254, %swap3A_2255, %swap3A_2256, %swap3A_2257, %swap3A_2258], %swap3A_2261 {strides = array<i32>} : memref<8x7x16x8x128xf32, #tpu.memory_space<vmem>>, vector<1x1x1x8x128xf32>,
      %mul3A_2262 = arith.constant 7 : i32
      %mul3A_2263 = arith.muli %scan3A_267, %mul3A_2262 : i32
      %dma_start3A_2264 = tpu.memref_slice %arg7[%rem3A_269] : memref<8x!tpu.dma_semaphore, #tpu.memory_space<semaphore_mem>> -> memref<1x!tpu.dma_semaphore, #tpu.memory_space<semaphore_mem>>
      %dma_start3A_2265 = tpu.memref_squeeze %dma_start3A_2264 : memref<1x!tpu.dma_semaphore, #tpu.memory_space<semaphore_mem>> -> memref<!tpu.dma_semaphore, #tpu.memory_space<semaphore_mem>>
      %dma_start3A_2266 = arith.constant 0 : i32
      %dma_start3A_2267 = arith.constant 0 : i32
      %dma_start3A_2268 = arith.constant 0 : i32
      %dma_start3A_2269 = tpu.memref_slice %arg2[%mul3A_2263, %dma_start3A_2266, %dma_start3A_2267, %dma_start3A_2268] : memref<2401x16x8x128xf32, #tpu.memory_space<any>> -> memref<7x16x8x128xf32, #tpu.memory_space<any>>
      %dma_start3A_2270 = arith.constant 0 : i32
      %dma_start3A_2271 = arith.constant 0 : i32
      %dma_start3A_2272 = arith.constant 0 : i32
      %dma_start3A_2273 = arith.constant 0 : i32
      %dma_start3A_2274 = tpu.memref_slice %arg4[%rem3A_269, %dma_start3A_2270, %dma_start3A_2271, %dma_start3A_2272, %dma_start3A_2273] : memref<8x7x16x8x128xf32, #tpu.memory_space<vmem>> -> memref<1x7x16x8x128xf32, #tpu.memory_space<vmem>>
      %dma_start3A_2275 = tpu.memref_squeeze %dma_start3A_2274 : memref<1x7x16x8x128xf32, #tpu.memory_space<vmem>> -> memref<7x16x8x128xf32, #tpu.memory_space<vmem>>
      tpu.enqueue_dma source(%dma_start3A_2275 : memref<7x16x8x128xf32, #tpu.memory_space<vmem>>) target(%dma_start3A_2269 : memref<7x16x8x128xf32, #tpu.memory_space<any>>) target_semaphore(%dma_start3A_2265 : memref<!tpu.dma_semaphore, #tpu.memory_space<semaphore_mem>>)
      %add3A_2276 = arith.constant 8 : i32
      %add3A_2277 = arith.addi %scan3A_267, %add3A_2276 : i32
      %lt3A = arith.constant 343 : i32
      %lt3A_2278 = arith.cmpi slt, %add3A_2277, %lt3A : i32
      %convert_element_type3A_2279 = arith.extui %lt3A_2278 : i1 to i32
      %cond3A_2280 = arith.constant 0 : i32
      %cond3A_2281 = arith.cmpi ne, %convert_element_type3A_2279, %cond3A_2280 : i32
      scf.if %cond3A_2281 {
        %add3A_2282 = arith.constant 8 : i32
        %add3A_2283 = arith.addi %scan3A_267, %add3A_2282 : i32
        %mul3A_2284 = arith.constant 7 : i32
        %mul3A_2285 = arith.muli %add3A_2283, %mul3A_2284 : i32
        %dma_start3A_2286 = tpu.memref_slice %arg6[%rem3A_269] : memref<8x!tpu.dma_semaphore, #tpu.memory_space<semaphore_mem>> -> memref<1x!tpu.dma_semaphore, #tpu.memory_space<semaphore_mem>>
        %dma_start3A_2287 = tpu.memref_squeeze %dma_start3A_2286 : memref<1x!tpu.dma_semaphore, #tpu.memory_space<semaphore_mem>> -> memref<!tpu.dma_semaphore, #tpu.memory_space<semaphore_mem>>
        %dma_start3A_2288 = arith.constant 0 : i32
        %dma_start3A_2289 = arith.constant 0 : i32
        %dma_start3A_2290 = arith.constant 0 : i32
        %dma_start3A_2291 = arith.constant 0 : i32
        %dma_start3A_2292 = tpu.memref_slice %arg3[%rem3A_269, %dma_start3A_2288, %dma_start3A_2289, %dma_start3A_2290, %dma_start3A_2291] : memref<8x7x16x8x128xf32, #tpu.memory_space<vmem>> -> memref<1x7x16x8x128xf32, #tpu.memory_space<vmem>>
        %dma_start3A_2293 = tpu.memref_squeeze %dma_start3A_2292 : memref<1x7x16x8x128xf32, #tpu.memory_space<vmem>> -> memref<7x16x8x128xf32, #tpu.memory_space<vmem>>
        %dma_start3A_2294 = arith.constant 0 : i32
        %dma_start3A_2295 = arith.constant 0 : i32
        %dma_start3A_2296 = arith.constant 0 : i32
        %dma_start3A_2297 = tpu.memref_slice %arg0[%mul3A_2285, %dma_start3A_2294, %dma_start3A_2295, %dma_start3A_2296] : memref<2401x16x8x128xf32, #tpu.memory_space<any>> -> memref<7x16x8x128xf32, #tpu.memory_space<any>>
        tpu.enqueue_dma source(%dma_start3A_2297 : memref<7x16x8x128xf32, #tpu.memory_space<any>>) target(%dma_start3A_2293 : memref<7x16x8x128xf32, #tpu.memory_space<vmem>>) target_semaphore(%dma_start3A_2287 : memref<!tpu.dma_semaphore, #tpu.memory_space<semaphore_mem>>)
      } else {
      }
    }
    %scan3A_147 = arith.constant 343 : i32
    %dma_wait3A = arith.constant 7 : i32
    %dma_wait3A_148 = arith.constant 7 : i32
    %dma_wait3A_149 = tpu.memref_slice %arg7[%dma_wait3A_148] : memref<8x!tpu.dma_semaphore, #tpu.memory_space<semaphore_mem>> -> memref<1x!tpu.dma_semaphore, #tpu.memory_space<semaphore_mem>>
    %dma_wait3A_150 = tpu.memref_squeeze %dma_wait3A_149 : memref<1x!tpu.dma_semaphore, #tpu.memory_space<semaphore_mem>> -> memref<!tpu.dma_semaphore, #tpu.memory_space<semaphore_mem>>
    %dma_wait3A_151 = arith.constant 2345 : i32
    %dma_wait3A_152 = arith.constant 0 : i32
    %dma_wait3A_153 = arith.constant 0 : i32
    %dma_wait3A_154 = arith.constant 0 : i32
    %dma_wait3A_155 = tpu.memref_slice %arg2[%dma_wait3A_151, %dma_wait3A_152, %dma_wait3A_153, %dma_wait3A_154] : memref<2401x16x8x128xf32, #tpu.memory_space<any>> -> memref<7x16x8x128xf32, #tpu.memory_space<any>>
    %dma_wait3A_156 = arith.constant 0 : i32
    %dma_wait3A_157 = arith.constant 0 : i32
    %dma_wait3A_158 = arith.constant 0 : i32
    %dma_wait3A_159 = arith.constant 0 : i32
    %dma_wait3A_160 = tpu.memref_slice %arg4[%dma_wait3A, %dma_wait3A_156, %dma_wait3A_157, %dma_wait3A_158, %dma_wait3A_159] : memref<8x7x16x8x128xf32, #tpu.memory_space<vmem>> -> memref<1x7x16x8x128xf32, #tpu.memory_space<vmem>>
    %dma_wait3A_161 = tpu.memref_squeeze %dma_wait3A_160 : memref<1x7x16x8x128xf32, #tpu.memory_space<vmem>> -> memref<7x16x8x128xf32, #tpu.memory_space<vmem>>
    tpu.wait_dma2 semaphore(%dma_wait3A_150 : memref<!tpu.dma_semaphore, #tpu.memory_space<semaphore_mem>>) src(%dma_wait3A_161 : memref<7x16x8x128xf32, #tpu.memory_space<vmem>>) dst(%dma_wait3A_155 : memref<7x16x8x128xf32, #tpu.memory_space<any>>)
    %dma_wait3A_162 = arith.constant 0 : i32
    %dma_wait3A_163 = arith.constant 0 : i32
    %dma_wait3A_164 = tpu.memref_slice %arg7[%dma_wait3A_163] : memref<8x!tpu.dma_semaphore, #tpu.memory_space<semaphore_mem>> -> memref<1x!tpu.dma_semaphore, #tpu.memory_space<semaphore_mem>>
    %dma_wait3A_165 = tpu.memref_squeeze %dma_wait3A_164 : memref<1x!tpu.dma_semaphore, #tpu.memory_space<semaphore_mem>> -> memref<!tpu.dma_semaphore, #tpu.memory_space<semaphore_mem>>
    %dma_wait3A_166 = arith.constant 2352 : i32
    %dma_wait3A_167 = arith.constant 0 : i32
    %dma_wait3A_168 = arith.constant 0 : i32
    %dma_wait3A_169 = arith.constant 0 : i32
    %dma_wait3A_170 = tpu.memref_slice %arg2[%dma_wait3A_166, %dma_wait3A_167, %dma_wait3A_168, %dma_wait3A_169] : memref<2401x16x8x128xf32, #tpu.memory_space<any>> -> memref<7x16x8x128xf32, #tpu.memory_space<any>>
    %dma_wait3A_171 = arith.constant 0 : i32
    %dma_wait3A_172 = arith.constant 0 : i32
    %dma_wait3A_173 = arith.constant 0 : i32
    %dma_wait3A_174 = arith.constant 0 : i32
    %dma_wait3A_175 = tpu.memref_slice %arg4[%dma_wait3A_162, %dma_wait3A_171, %dma_wait3A_172, %dma_wait3A_173, %dma_wait3A_174] : memref<8x7x16x8x128xf32, #tpu.memory_space<vmem>> -> memref<1x7x16x8x128xf32, #tpu.memory_space<vmem>>
    %dma_wait3A_176 = tpu.memref_squeeze %dma_wait3A_175 : memref<1x7x16x8x128xf32, #tpu.memory_space<vmem>> -> memref<7x16x8x128xf32, #tpu.memory_space<vmem>>
    tpu.wait_dma2 semaphore(%dma_wait3A_165 : memref<!tpu.dma_semaphore, #tpu.memory_space<semaphore_mem>>) src(%dma_wait3A_176 : memref<7x16x8x128xf32, #tpu.memory_space<vmem>>) dst(%dma_wait3A_170 : memref<7x16x8x128xf32, #tpu.memory_space<any>>)
    %dma_wait3A_177 = arith.constant 1 : i32
    %dma_wait3A_178 = arith.constant 1 : i32
    %dma_wait3A_179 = tpu.memref_slice %arg7[%dma_wait3A_178] : memref<8x!tpu.dma_semaphore, #tpu.memory_space<semaphore_mem>> -> memref<1x!tpu.dma_semaphore, #tpu.memory_space<semaphore_mem>>
    %dma_wait3A_180 = tpu.memref_squeeze %dma_wait3A_179 : memref<1x!tpu.dma_semaphore, #tpu.memory_space<semaphore_mem>> -> memref<!tpu.dma_semaphore, #tpu.memory_space<semaphore_mem>>
    %dma_wait3A_181 = arith.constant 2359 : i32
    %dma_wait3A_182 = arith.constant 0 : i32
    %dma_wait3A_183 = arith.constant 0 : i32
    %dma_wait3A_184 = arith.constant 0 : i32
    %dma_wait3A_185 = tpu.memref_slice %arg2[%dma_wait3A_181, %dma_wait3A_182, %dma_wait3A_183, %dma_wait3A_184] : memref<2401x16x8x128xf32, #tpu.memory_space<any>> -> memref<7x16x8x128xf32, #tpu.memory_space<any>>
    %dma_wait3A_186 = arith.constant 0 : i32
    %dma_wait3A_187 = arith.constant 0 : i32
    %dma_wait3A_188 = arith.constant 0 : i32
    %dma_wait3A_189 = arith.constant 0 : i32
    %dma_wait3A_190 = tpu.memref_slice %arg4[%dma_wait3A_177, %dma_wait3A_186, %dma_wait3A_187, %dma_wait3A_188, %dma_wait3A_189] : memref<8x7x16x8x128xf32, #tpu.memory_space<vmem>> -> memref<1x7x16x8x128xf32, #tpu.memory_space<vmem>>
    %dma_wait3A_191 = tpu.memref_squeeze %dma_wait3A_190 : memref<1x7x16x8x128xf32, #tpu.memory_space<vmem>> -> memref<7x16x8x128xf32, #tpu.memory_space<vmem>>
    tpu.wait_dma2 semaphore(%dma_wait3A_180 : memref<!tpu.dma_semaphore, #tpu.memory_space<semaphore_mem>>) src(%dma_wait3A_191 : memref<7x16x8x128xf32, #tpu.memory_space<vmem>>) dst(%dma_wait3A_185 : memref<7x16x8x128xf32, #tpu.memory_space<any>>)
    %dma_wait3A_192 = arith.constant 2 : i32
    %dma_wait3A_193 = arith.constant 2 : i32
    %dma_wait3A_194 = tpu.memref_slice %arg7[%dma_wait3A_193] : memref<8x!tpu.dma_semaphore, #tpu.memory_space<semaphore_mem>> -> memref<1x!tpu.dma_semaphore, #tpu.memory_space<semaphore_mem>>
    %dma_wait3A_195 = tpu.memref_squeeze %dma_wait3A_194 : memref<1x!tpu.dma_semaphore, #tpu.memory_space<semaphore_mem>> -> memref<!tpu.dma_semaphore, #tpu.memory_space<semaphore_mem>>
    %dma_wait3A_196 = arith.constant 2366 : i32
    %dma_wait3A_197 = arith.constant 0 : i32
    %dma_wait3A_198 = arith.constant 0 : i32
    %dma_wait3A_199 = arith.constant 0 : i32
    %dma_wait3A_200 = tpu.memref_slice %arg2[%dma_wait3A_196, %dma_wait3A_197, %dma_wait3A_198, %dma_wait3A_199] : memref<2401x16x8x128xf32, #tpu.memory_space<any>> -> memref<7x16x8x128xf32, #tpu.memory_space<any>>
    %dma_wait3A_201 = arith.constant 0 : i32
    %dma_wait3A_202 = arith.constant 0 : i32
    %dma_wait3A_203 = arith.constant 0 : i32
    %dma_wait3A_204 = arith.constant 0 : i32
    %dma_wait3A_205 = tpu.memref_slice %arg4[%dma_wait3A_192, %dma_wait3A_201, %dma_wait3A_202, %dma_wait3A_203, %dma_wait3A_204] : memref<8x7x16x8x128xf32, #tpu.memory_space<vmem>> -> memref<1x7x16x8x128xf32, #tpu.memory_space<vmem>>
    %dma_wait3A_206 = tpu.memref_squeeze %dma_wait3A_205 : memref<1x7x16x8x128xf32, #tpu.memory_space<vmem>> -> memref<7x16x8x128xf32, #tpu.memory_space<vmem>>
    tpu.wait_dma2 semaphore(%dma_wait3A_195 : memref<!tpu.dma_semaphore, #tpu.memory_space<semaphore_mem>>) src(%dma_wait3A_206 : memref<7x16x8x128xf32, #tpu.memory_space<vmem>>) dst(%dma_wait3A_200 : memref<7x16x8x128xf32, #tpu.memory_space<any>>)
    %dma_wait3A_207 = arith.constant 3 : i32
    %dma_wait3A_208 = arith.constant 3 : i32
    %dma_wait3A_209 = tpu.memref_slice %arg7[%dma_wait3A_208] : memref<8x!tpu.dma_semaphore, #tpu.memory_space<semaphore_mem>> -> memref<1x!tpu.dma_semaphore, #tpu.memory_space<semaphore_mem>>
    %dma_wait3A_210 = tpu.memref_squeeze %dma_wait3A_209 : memref<1x!tpu.dma_semaphore, #tpu.memory_space<semaphore_mem>> -> memref<!tpu.dma_semaphore, #tpu.memory_space<semaphore_mem>>
    %dma_wait3A_211 = arith.constant 2373 : i32
    %dma_wait3A_212 = arith.constant 0 : i32
    %dma_wait3A_213 = arith.constant 0 : i32
    %dma_wait3A_214 = arith.constant 0 : i32
    %dma_wait3A_215 = tpu.memref_slice %arg2[%dma_wait3A_211, %dma_wait3A_212, %dma_wait3A_213, %dma_wait3A_214] : memref<2401x16x8x128xf32, #tpu.memory_space<any>> -> memref<7x16x8x128xf32, #tpu.memory_space<any>>
    %dma_wait3A_216 = arith.constant 0 : i32
    %dma_wait3A_217 = arith.constant 0 : i32
    %dma_wait3A_218 = arith.constant 0 : i32
    %dma_wait3A_219 = arith.constant 0 : i32
    %dma_wait3A_220 = tpu.memref_slice %arg4[%dma_wait3A_207, %dma_wait3A_216, %dma_wait3A_217, %dma_wait3A_218, %dma_wait3A_219] : memref<8x7x16x8x128xf32, #tpu.memory_space<vmem>> -> memref<1x7x16x8x128xf32, #tpu.memory_space<vmem>>
    %dma_wait3A_221 = tpu.memref_squeeze %dma_wait3A_220 : memref<1x7x16x8x128xf32, #tpu.memory_space<vmem>> -> memref<7x16x8x128xf32, #tpu.memory_space<vmem>>
    tpu.wait_dma2 semaphore(%dma_wait3A_210 : memref<!tpu.dma_semaphore, #tpu.memory_space<semaphore_mem>>) src(%dma_wait3A_221 : memref<7x16x8x128xf32, #tpu.memory_space<vmem>>) dst(%dma_wait3A_215 : memref<7x16x8x128xf32, #tpu.memory_space<any>>)
    %dma_wait3A_222 = arith.constant 4 : i32
    %dma_wait3A_223 = arith.constant 4 : i32
    %dma_wait3A_224 = tpu.memref_slice %arg7[%dma_wait3A_223] : memref<8x!tpu.dma_semaphore, #tpu.memory_space<semaphore_mem>> -> memref<1x!tpu.dma_semaphore, #tpu.memory_space<semaphore_mem>>
    %dma_wait3A_225 = tpu.memref_squeeze %dma_wait3A_224 : memref<1x!tpu.dma_semaphore, #tpu.memory_space<semaphore_mem>> -> memref<!tpu.dma_semaphore, #tpu.memory_space<semaphore_mem>>
    %dma_wait3A_226 = arith.constant 2380 : i32
    %dma_wait3A_227 = arith.constant 0 : i32
    %dma_wait3A_228 = arith.constant 0 : i32
    %dma_wait3A_229 = arith.constant 0 : i32
    %dma_wait3A_230 = tpu.memref_slice %arg2[%dma_wait3A_226, %dma_wait3A_227, %dma_wait3A_228, %dma_wait3A_229] : memref<2401x16x8x128xf32, #tpu.memory_space<any>> -> memref<7x16x8x128xf32, #tpu.memory_space<any>>
    %dma_wait3A_231 = arith.constant 0 : i32
    %dma_wait3A_232 = arith.constant 0 : i32
    %dma_wait3A_233 = arith.constant 0 : i32
    %dma_wait3A_234 = arith.constant 0 : i32
    %dma_wait3A_235 = tpu.memref_slice %arg4[%dma_wait3A_222, %dma_wait3A_231, %dma_wait3A_232, %dma_wait3A_233, %dma_wait3A_234] : memref<8x7x16x8x128xf32, #tpu.memory_space<vmem>> -> memref<1x7x16x8x128xf32, #tpu.memory_space<vmem>>
    %dma_wait3A_236 = tpu.memref_squeeze %dma_wait3A_235 : memref<1x7x16x8x128xf32, #tpu.memory_space<vmem>> -> memref<7x16x8x128xf32, #tpu.memory_space<vmem>>
    tpu.wait_dma2 semaphore(%dma_wait3A_225 : memref<!tpu.dma_semaphore, #tpu.memory_space<semaphore_mem>>) src(%dma_wait3A_236 : memref<7x16x8x128xf32, #tpu.memory_space<vmem>>) dst(%dma_wait3A_230 : memref<7x16x8x128xf32, #tpu.memory_space<any>>)
    %dma_wait3A_237 = arith.constant 5 : i32
    %dma_wait3A_238 = arith.constant 5 : i32
    %dma_wait3A_239 = tpu.memref_slice %arg7[%dma_wait3A_238] : memref<8x!tpu.dma_semaphore, #tpu.memory_space<semaphore_mem>> -> memref<1x!tpu.dma_semaphore, #tpu.memory_space<semaphore_mem>>
    %dma_wait3A_240 = tpu.memref_squeeze %dma_wait3A_239 : memref<1x!tpu.dma_semaphore, #tpu.memory_space<semaphore_mem>> -> memref<!tpu.dma_semaphore, #tpu.memory_space<semaphore_mem>>
    %dma_wait3A_241 = arith.constant 2387 : i32
    %dma_wait3A_242 = arith.constant 0 : i32
    %dma_wait3A_243 = arith.constant 0 : i32
    %dma_wait3A_244 = arith.constant 0 : i32
    %dma_wait3A_245 = tpu.memref_slice %arg2[%dma_wait3A_241, %dma_wait3A_242, %dma_wait3A_243, %dma_wait3A_244] : memref<2401x16x8x128xf32, #tpu.memory_space<any>> -> memref<7x16x8x128xf32, #tpu.memory_space<any>>
    %dma_wait3A_246 = arith.constant 0 : i32
    %dma_wait3A_247 = arith.constant 0 : i32
    %dma_wait3A_248 = arith.constant 0 : i32
    %dma_wait3A_249 = arith.constant 0 : i32
    %dma_wait3A_250 = tpu.memref_slice %arg4[%dma_wait3A_237, %dma_wait3A_246, %dma_wait3A_247, %dma_wait3A_248, %dma_wait3A_249] : memref<8x7x16x8x128xf32, #tpu.memory_space<vmem>> -> memref<1x7x16x8x128xf32, #tpu.memory_space<vmem>>
    %dma_wait3A_251 = tpu.memref_squeeze %dma_wait3A_250 : memref<1x7x16x8x128xf32, #tpu.memory_space<vmem>> -> memref<7x16x8x128xf32, #tpu.memory_space<vmem>>
    tpu.wait_dma2 semaphore(%dma_wait3A_240 : memref<!tpu.dma_semaphore, #tpu.memory_space<semaphore_mem>>) src(%dma_wait3A_251 : memref<7x16x8x128xf32, #tpu.memory_space<vmem>>) dst(%dma_wait3A_245 : memref<7x16x8x128xf32, #tpu.memory_space<any>>)
    %dma_wait3A_252 = arith.constant 6 : i32
    %dma_wait3A_253 = arith.constant 6 : i32
    %dma_wait3A_254 = tpu.memref_slice %arg7[%dma_wait3A_253] : memref<8x!tpu.dma_semaphore, #tpu.memory_space<semaphore_mem>> -> memref<1x!tpu.dma_semaphore, #tpu.memory_space<semaphore_mem>>
    %dma_wait3A_255 = tpu.memref_squeeze %dma_wait3A_254 : memref<1x!tpu.dma_semaphore, #tpu.memory_space<semaphore_mem>> -> memref<!tpu.dma_semaphore, #tpu.memory_space<semaphore_mem>>
    %dma_wait3A_256 = arith.constant 2394 : i32
    %dma_wait3A_257 = arith.constant 0 : i32
    %dma_wait3A_258 = arith.constant 0 : i32
    %dma_wait3A_259 = arith.constant 0 : i32
    %dma_wait3A_260 = tpu.memref_slice %arg2[%dma_wait3A_256, %dma_wait3A_257, %dma_wait3A_258, %dma_wait3A_259] : memref<2401x16x8x128xf32, #tpu.memory_space<any>> -> memref<7x16x8x128xf32, #tpu.memory_space<any>>
    %dma_wait3A_261 = arith.constant 0 : i32
    %dma_wait3A_262 = arith.constant 0 : i32
    %dma_wait3A_263 = arith.constant 0 : i32
    %dma_wait3A_264 = arith.constant 0 : i32
    %dma_wait3A_265 = tpu.memref_slice %arg4[%dma_wait3A_252, %dma_wait3A_261, %dma_wait3A_262, %dma_wait3A_263, %dma_wait3A_264] : memref<8x7x16x8x128xf32, #tpu.memory_space<vmem>> -> memref<1x7x16x8x128xf32, #tpu.memory_space<vmem>>
    %dma_wait3A_266 = tpu.memref_squeeze %dma_wait3A_265 : memref<1x7x16x8x128xf32, #tpu.memory_space<vmem>> -> memref<7x16x8x128xf32, #tpu.memory_space<vmem>>
    tpu.wait_dma2 semaphore(%dma_wait3A_255 : memref<!tpu.dma_semaphore, #tpu.memory_space<semaphore_mem>>) src(%dma_wait3A_266 : memref<7x16x8x128xf32, #tpu.memory_space<vmem>>) dst(%dma_wait3A_260 : memref<7x16x8x128xf32, #tpu.memory_space<any>>)
    return
  }
}

</mosaic_0001>

<sc_bundles>
// kernel: kernel.4.cloned.1.call-start
scs
__scs_entry_jumppad:
0x0: {  	(pc) =	sbr.rel $0x88, $3  }
0x1: {  	(tag) =	ssettag $0x0;
	lr =	simm.s32 $0x1  }
0x2: {  	[smem:$0x3F9F] =	sst lr;
	_ =	strace $0xD0000000  }
0x3: {  	_ = 	snop  }
0x4: {  	_ = 	snop  }
0x5: {  	_ = 	snop  }
0x6: {  	_ = 	snop  }
0x7: {  	_ = 	snop  }
__scs_overlays_trampoline_lowered:
0x8: {  	[smem:$0x3FAE] =	sst s0  }
0x9: {  	[smem:$0x3FAF] =	sst s1  }
0xa: {  	[smem:$0x3FB0] =	sst s2  }
0xb: {  	[smem:$0x3FB1] =	sst s3  }
0xc: {  	[smem:$0x3FB2] =	sst s4  }
0xd: {  	[smem:$0x3FB3] =	sst s5  }
0xe: {  	[smem:$0x3FB4] =	sst s6  }
0xf: {  	[smem:$0x3FB5] =	sst s7  }
0x10: {  	[smem:$0x3FB6] =	sst s8  }
0x11: {  	[smem:$0x3FB7] =	sst s9;
	s0 =	simm.s32 @!p0 $0x0  }
0x12: {  	s1 =	sld [smem:$0x3F9D];
	s0 =	simm.s32 @p0 $0x1  }
0x13: {  	[smem:$0x3FB8] =	sst s0;
	s0 =	simm.s32 @!p1 $0x0  }
0x14: {  	s2 =	sld [smem:$0x3F9C];
	s0 =	simm.s32 @p1 $0x1  }
0x15: {  	[smem:$0x3FB9] =	sst s0;
	s0 =	simm.s32 @!p2 $0x0  }
0x16: {  	s3 =	sld [smem:$0x3FDB];
	s0 =	simm.s32 @p2 $0x1  }
0x17: {  	s4 =	simm.s32 $0x1BF5;
	[smem:$0x3FBB] =	sst s0  }
0x18: {  	s0 =	sld [smem:$0x3F9E];
	_ =	swait.ge [sflag:s4], $0x0  }
0x19: {  	s7 =	sld [smem:$0x3F9F]  }
0x1a: {  	s8 =	sadd.s32 $0xFFFFE003, lr  }
0x1b: {  	s9 =	sadd.s32 $0xFFFFFEF7, lr;
	s5 =	simm.s32 $0xFFFFFFFF;
	p2 =	slt.u32 s8, $0xFFFFF086  }
0x1c: {  	p1 =	slt.u32 s9, $0xF7A;
	s5 =	simm.s32 @!p2 $0x0  }
0x1d: {  	s5 =	simm.s32 @p1 $0x1;
	p0 =	seq.s32 s7, s2  }
0x1e: {  	s7 =	smul.u32 @!p0 $0xF7A, s2;
	p2 =	seq.s32 @!p0 s5, $0x0  }
0x1f: {  	s9 =	smul.u32 $0xF7A, s1;
	s8 =	simm.s32 @!p0 $0x1BF5;
	p2 =	por !p2, p0  }
0x20: {  	[sflag:s8] =	ssyncset.s32 @!p0 $0xFFFFF086;
	s6 =	sadd.s32 @!p0 s3, s7;
	s7 =	simm.s32 @!p0 $0x108  }
0x21: {  	s3 =	sadd.s32 s3, s9;
	s6 =	sadd.s32 @!p0 $0x88, s6;
	s7 =	simm.s32 @p2 $0x1082  }
0x22: {  	[simem:s7], [sflag:s8] =	dma.local @!p0 [hbm:s6], $0xF7A  }
0x23: {  	s9 =	sor.u32 $0xD0000000, s2;
	s6 =	simm.s32 $0x108;
	_ =	swait.ge @!p0 [sflag:s8], $0x0  }
0x24: {  	s3 =	sadd.s32 $0x88, s3;
	s6 =	simm.s32 @!p1 $0x1082;
	[sflag:s4] =	ssyncset.s32 $0xFFFFF086  }
0x25: {  	[simem:s6], [sflag:s4] =	dma.local [hbm:s3], $0xF7A  }
0x26: {  	[smem:$0x3F9F] =	sst s1;
	(tag) =	ssettag s2;
	_ =	strace s9  }
0x27: {  	s1 =	sld [smem:$0x3FAF]  }
0x28: {  	s2 =	sld [smem:$0x3FB0]  }
0x29: {  	s4 =	sld [smem:$0x3FB2]  }
0x2a: {  	p0 =	seq.s32 s5, $0x0;
	s5 =	sld [smem:$0x3FB3]  }
0x2b: {  	s6 =	sld [smem:$0x3FB4]  }
0x2c: {  	s7 =	sld [smem:$0x3FB5]  }
0x2d: {  	s3 =	simm.s32 $0x108;
	s8 =	sld [smem:$0x3FB6]  }
0x2e: {  	s3 =	simm.s32 @!p0 $0x1082;
	s9 =	sld [smem:$0x3FB7]  }
0x2f: {  	lr =	sadd.s32 s0, s3;
	s0 =	sld [smem:$0x3FAE]  }
0x30: {  	s3 =	sld [smem:$0x3FB1]  }
0x31: {  	[smem:$0x3FBA] =	sst s10  }
0x32: {  	s10 =	sld [smem:$0x3FB8];
	_ =	sdelay $0x3  }
0x33: {  	p0 =	seq.s32 s10, $0x1;
	s10 =	sld [smem:$0x3FBA];
	_ =	sdelay $0x3  }
0x34: {  	[smem:$0x3FBA] =	sst s10  }
0x35: {  	s10 =	sld [smem:$0x3FB9];
	_ =	sdelay $0x3  }
0x36: {  	p1 =	seq.s32 s10, $0x1;
	s10 =	sld [smem:$0x3FBA];
	_ =	sdelay $0x3  }
0x37: {  	[smem:$0x3FBA] =	sst s10  }
0x38: {  	s10 =	sld [smem:$0x3FBB]  }
0x39: {  	_ = 	snop;
	(pc) =	sbr.ind lr, $3  }
0x3a: {  	_ = 	snop  }
0x3b: {  	_ = 	snop  }
0x3c: {  	p2 =	seq.s32 s10, $0x1;
	s10 =	sld [smem:$0x3FBA]  }
0x3d: {  	_ =	shalt  }
0x3e: {  	_ =	shalt  }
0x3f: {  	_ =	shalt  }
0x40: {  	_ =	shalt  }
0x41: {  	_ =	shalt  }
0x42: {  	_ =	shalt  }
0x43: {  	_ =	shalt  }
0x44: {  	_ =	shalt  }
0x45: {  	_ =	shalt  }
0x46: {  	_ =	shalt  }
0x47: {  	_ =	shalt  }
0x48: {  	_ =	shalt  }
0x49: {  	_ =	shalt  }
0x4a: {  	_ =	shalt  }
0x4b: {  	_ =	shalt  }
0x4c: {  	_ =	shalt  }
0x4d: {  	_ =	shalt  }
0x4e: {  	_ =	shalt  }
0x4f: {  	_ =	shalt  }
0x50: {  	_ =	shalt  }
0x51: {  	_ =	shalt  }
0x52: {  	_ =	shalt  }
0x53: {  	_ =	shalt  }
0x54: {  	_ =	shalt  }
0x55: {  	_ =	shalt  }
0x56: {  	_ =	shalt  }
0x57: {  	_ =	shalt  }
0x58: {  	_ =	shalt  }
0x59: {  	_ =	shalt  }
0x5a: {  	_ =	shalt  }
0x5b: {  	_ =	shalt  }
0x5c: {  	_ =	shalt  }
0x5d: {  	_ =	shalt  }
0x5e: {  	_ =	shalt  }
0x5f: {  	_ =	shalt  }
0x60: {  	_ =	shalt  }
0x61: {  	_ =	shalt  }
0x62: {  	_ =	shalt  }
0x63: {  	_ =	shalt  }
0x64: {  	_ =	shalt  }
0x65: {  	_ =	shalt  }
0x66: {  	_ =	shalt  }
0x67: {  	_ =	shalt  }
0x68: {  	_ =	shalt  }
0x69: {  	_ =	shalt  }
0x6a: {  	_ =	shalt  }
0x6b: {  	_ =	shalt  }
0x6c: {  	_ =	shalt  }
0x6d: {  	_ =	shalt  }
0x6e: {  	_ =	shalt  }
0x6f: {  	_ =	shalt  }
0x70: {  	_ =	shalt  }
0x71: {  	_ =	shalt  }
0x72: {  	_ =	shalt  }
0x73: {  	_ =	shalt  }
0x74: {  	_ =	shalt  }
0x75: {  	_ =	shalt  }
0x76: {  	_ =	shalt  }
0x77: {  	_ =	shalt  }
0x78: {  	_ =	shalt  }
0x79: {  	_ =	shalt  }
0x7a: {  	_ =	shalt  }
0x7b: {  	_ =	shalt  }
0x7c: {  	_ =	shalt  }
0x7d: {  	_ =	shalt  }
0x7e: {  	_ =	shalt  }
0x7f: {  	_ =	shalt  }
0x80: {  	_ =	shalt  }
0x81: {  	_ =	shalt  }
0x82: {  	_ =	shalt  }
0x83: {  	_ =	shalt  }
0x84: {  	_ =	shalt  }
0x85: {  	_ =	shalt  }
0x86: {  	_ =	shalt  }
0x87: {  	_ =	shalt  }
.Lfunc_end0:
.L_simem_size_0:
called_computation_lowered:
.L_overlay_start_0:
0x88: {  	s2 =	sld [smem:$0x3FD9]  }
0x89: {  	s3 =	sld [smem:$0x3FFE];
	_ =	sdelay $0x1  }
0x8a: {  	s1 =	srdreg.scid  }
0x8b: {  	s0 =	sand.u32 $0x1, s1  }
0x8c: {  	s17 =	sshll.u32 s0, $0xA;
	s2 =	sadd.s32 s3, s2  }
0x8d: {  	s2 =	sadd.s32 s2, s17  }
0x8e: {  	[smem:$0x3FC6] =	sst s2  }
0x8f: {  	_ = 	snop  }
0x90: {  	s2 =	sld [smem:$0x3FD0];
	(tm) =	ssettm $0x1  }
0x91: {  	s18 =	sld [smem:$0x3FFB];
	_ =	sdelay $0x3  }
0x92: {  	_ =	strace s18  }
0x93: {  	s3 =	sld [smem:$0x3FFC];
	_ =	sdelay $0x3  }
0x94: {  	_ =	strace s3  }
0x95: {  	s3 =	sld [smem:$0x3FFD];
	_ =	sdelay $0x3  }
0x96: {  	_ =	strace s3  }
0x97: {  	_ =	strace $0x8FFFFFFF  }
0x98: {  	s19 =	sld [smem:$0x3FDB];
	_ =	sdelay $0x1  }
0x99: {  	s4 =	simm.s32 $_scs_section_size  }
0x9a: {  	s5 =	simm.s32 $_size__tile_overlayer_lowered;
	s6 =	simm.s32 $_tile_overlayer_lowered  }
0x9b: {  	s22 =	simm.s32 $0x1BFF;
	s21 =	sshll.u32 s6, $0x1;
	s3 =	sadd.s32 s4, s19  }
0x9c: {  	s7 =	simm.s32 $0x0;
	s20 =	sshll.u32 s5, $0x1;
	s5 =	sadd.s32 s21, s3  }
0x9d: {  	[timem:s7], [sflag:s22] =	dma.local [hbm:s5], s20  }
0x9e: {  	_ =	swait.ge [sflag:s22], s20  }
0x9f: {  	s4 =	ssub.s32 $0x0, s20;
	[sflag:s22] =	ssyncset.done $0x0  }
0xa0: {  	[sflag:s22] =	ssyncadd.s32 s4;
	_ =	sdelay $0x1  }
0xa1: {  	s23 =	simm.s32 $0x1B8B  }
0xa2: {  	_ =	swait.ge [sflag:s23], $0x1  }
0xa3: {  	[sflag:s23] =	ssyncset.done $0x0  }
0xa4: {  	s25 =	simm.s32 $0x1B8E;
	s24 =	sld [smem:$0x3FFE];
	[sflag:s23] =	ssyncadd.s32 $0xFFFFFFFF  }
0xa5: {  	s26 =	simm.s32 $execute0_lowered;
	[smem:$0x3FD2] =	sst s25  }
0xa6: {  	s5 =	sshll.u32 s26, $0x1;
	_ =	strace $0x80000046;
	[dreg:$0x1] =	wrdreg $0xFFFFFFFF  }
0xa7: {  	s28 =	simm.s32 $_size_execute0_lowered;
	s3 =	sadd.s32 s3, s5;
	[dreg:$0x0] =	wrdreg $0x0  }
0xa8: {  	s5 =	sshll.u32 s28, $0x1;
	[dreg:$0x2] =	wrdreg s3  }
0xa9: {  	[dreg:$0x3] =	wrdreg s5  }
0xaa: {  	[dreg:$0x4] =	wrdreg $0xC0  }
0xab: {  	_ =	task [dreg:s7], $0x5FFFF  }
0xac: {  	[dreg:$0x1] =	wrdreg $0xFFFFFFFF  }
0xad: {  	[dreg:$0x0] =	wrdreg $0x60  }
0xae: {  	[dreg:$0x2] =	wrdreg s24  }
0xaf: {  	[dreg:$0x3] =	wrdreg s2  }
0xb0: {  	[dreg:$0x4] =	wrdreg $0x9  }
0xb1: {  	_ =	task.clear_ibuf [dreg:s7], $0x5FFFF;
	_ =	strace $0x90000046  }
0xb2: {  	s29 =	simm.s32 $0x9;
	_ =	strace $0x80000048  }
0xb3: {  	_ =	swait.ge [sflag:s29], $0x1  }
0xb4: {  	[sflag:s29] =	ssyncadd.s32 $0xFFFFFFFF  }
0xb5: {  	_ =	strace $0x90000048  }
0xb6: {  	_ =	sfence  }
0xb7: {  	s30 =	sld [smem:$0x0];
	_ =	sdelay $0x2  }
0xb8: {  	s31 =	sshll.u32 s1, $0xD;
	s1 =	sshrl.u32 s1, $0x2  }
0xb9: {  	s3 =	sand.u32 $0x4000, s31;
	s1 =	sadd.s32 s1, s30  }
0xba: {  	s0 =	sor.u32 s3, s0;
	s1 =	sshll.u32 s1, $0x11  }
0xbb: {  	s0 =	sor.u32 s1, s0  }
0xbc: {  	s0 =	sadd.s32 $0x8F2B, s0  }
0xbd: {  	[sflag:s0] =	ssyncadd.remote.s32 $0x1  }
0xbe: {  	_ =	sfence.sel $0xFFFF  }
0xbf: {  	[dreg:$0x0] =	wrdreg $0xFFFFFFFF;
	(pc) =	sbr.abs _section_cstart, $3  }
0xc0: {  	[dreg:$0x1] =	wrdreg $0xFFFFFFFF  }
0xc1: {  	_ =	task.clear_ibuf [dreg:s7], $0x2FFFF;
	_ =	strace $0x9FFFFFFF  }
0xc2: {  	(tm) =	ssettm $0x7FFFFFFF  }
0xc3: {  	_ =	shalt  }
tec
execute0_lowered:
.L_overlay_start_1:
0x0: {  	(tag) =	ssettag $0x1  }
0x1: {  	s1 =	srdreg.scid;
	s4 =	rddreg [dreg:$0x0]  }
0x2: {  	s0 =	stileid.u32;
	s6 =	rddreg [dreg:$0x1]  }
0x3: {  	s2 =	simm.s32 $0x0;
	s14 =	simm.s32 $0x500;
	s15 =	simm.s32 $0x1  }
0x4: {  	s16 =	simm.s32 $0xB80;
	s17 =	simm.s32 $0x1040;
	s18 =	simm.s32 $0x1500  }
0x5: {  	s19 =	simm.s32 $0x19C0;
	s5 =	sand.u32 $0x1, s1;
	s31 =	sshll.u32 s0, $0x1  }
0x6: {  	s20 =	simm.s32 $0x1E80;
	s21 =	simm.s32 $0x2340;
	s3 =	sor.u32 s5, s31  }
0x7: {  	s22 =	simm.s32 $0x2800;
	s23 =	simm.s32 $0x2CC0;
	s3 =	smul.u32 $0x4C0, s3  }
0x8: {  	s24 =	simm.s32 $0x0;
	s1 =	rddreg [dreg:$0x2];
	s5 =	ssub.s32 $0x2, s5  }
0x9: {  	[smem:$0x7FF] =	sst s2;
	s9 =	sshrl.u32 s5, $0x1;
	s7 =	smin.u32 s3, $0x9150  }
0xa: {  	_ =	strace $0x80000047;
	s13 =	ssub.s32 s5, s9;
	s7 =	sshrl.u32 s7, $0x3  }
0xb: {  	s3 =	sadd.s32 $0x400, s4;
	s8 =	sadd.s32 s7, s4;
	s4 =	sadd.s32 s6, s7  }
0xc: {  	s13 =	smax.u32 s13, $0x1;
	s5 =	sadd.s32 $0x600, s8;
	s6 =	sadd.s32 $0x12C2, s4  }
0xd: {  	s7 =	sadd.s32 $0x2584, s4;
	s8 =	sadd.s32 $0x3846, s4;
	s9 =	sadd.s32 $0x4B08, s4  }
0xe: {  	s10 =	sadd.s32 $0x5DCA, s4;
	s11 =	sadd.s32 $0x708C, s4;
	s12 =	sadd.s32 $0x834E, s4  }
.LBB2_1:
0xf: {  	[tilespmem:s14], [sflag:$0x1] =	stream.linear.gather [hbm4b:s3+s2], $0x680, $0x38;
	[tilespmem:$0x3180] =	vst v63  }
0x10: {  	_ =	swait.ge [sflag:s15], $0x680  }
0x11: {  	[sflag:s15] =	ssyncset.done $0x0  }
0x12: {  	[sflag:s15] =	ssyncadd.s32 $0xFFFFF980  }
0x13: {  	[tilespmem:s2], [sflag:$0x1] =	stream.linear.gather [hbm4b:s5+s2], $0x4C0, $0x38;
	[tilespmem:$0x3180] =	vst v63  }
0x14: {  	_ =	swait.ge [sflag:s15], $0x4C0  }
0x15: {  	[sflag:s15] =	ssyncset.done $0x0  }
0x16: {  	[sflag:s15] =	ssyncadd.s32 $0xFFFFFB40  }
0x17: {  	v0 =	vld [tilespmem:s2+$0x0];
	_ =	sdelay $0x4  }
0x18: {  	v0 =	vshll.u32 v0, $0x3;
	_ =	sdelay $0x4  }
0x19: {  	v1 =	vld.idx.msk [tilespmem:v0+s14+$0x0], $0xffff  }
0x1a: {  	v2 =	vor.u32 $0x1, v0;
	_ =	sdelay $0x3  }
0x1b: {  	[tilespmem:s21+$0xFFFFE840] =	vst v1  }
0x1c: {  	v1 =	vld.idx.msk [tilespmem:v2+s14+$0x0], $0xffff  }
0x1d: {  	v2 =	vor.u32 $0x2, v0;
	_ =	sdelay $0x3  }
0x1e: {  	[tilespmem:s21+$0xFFFFED00] =	vst v1  }
0x1f: {  	v1 =	vld.idx.msk [tilespmem:v2+s14+$0x0], $0xffff  }
0x20: {  	v2 =	vor.u32 $0x3, v0;
	_ =	sdelay $0x2  }
0x21: {  	s25 =	sand.u32 $0x7F0, s2  }
0x22: {  	[tilespmem:s25+$0x1500] =	vst v1  }
0x23: {  	v1 =	vld.idx.msk [tilespmem:v2+s14+$0x0], $0xffff  }
0x24: {  	v2 =	vor.u32 $0x4, v0;
	_ =	sdelay $0x3  }
0x25: {  	[tilespmem:s21+$0xFFFFF680] =	vst v1  }
0x26: {  	v1 =	vld.idx.msk [tilespmem:v2+s14+$0x0], $0xffff  }
0x27: {  	v2 =	vor.u32 $0x5, v0;
	_ =	sdelay $0x3  }
0x28: {  	[tilespmem:s25+$0x1E80] =	vst v1  }
0x29: {  	v1 =	vld.idx.msk [tilespmem:v2+s14+$0x0], $0xffff  }
0x2a: {  	v2 =	vor.u32 $0x6, v0;
	_ =	sdelay $0x3  }
0x2b: {  	[tilespmem:s21+$0x0] =	vst v1  }
0x2c: {  	v1 =	vld.idx.msk [tilespmem:v2+s14+$0x0], $0xffff  }
0x2d: {  	v0 =	vor.u32 $0x7, v0;
	_ =	sdelay $0x3  }
0x2e: {  	[tilespmem:s25+$0x2800] =	vst v1  }
0x2f: {  	s26 =	simm.s32 $0x2340;
	s28 =	simm.s32 $0x0;
	s25 =	simm.s32 $0x10;
	v0 =	vld.idx.msk [tilespmem:v0+s14+$0x0], $0xffff  }
.LBB2_2:
0x30: {  	_ =	sdelay $0x3  }
0x31: {  	p0 =	sne.s32 s25, $0x4B0;
	s28 =	sadd.s32 $0x10, s28;
	[tilespmem:s26+$0x980] =	vst v0;
	s26 =	sadd.s32 $0x10, s26  }
0x32: {  	s29 =	smov.u32 s25;
	s25 =	sadd.s32 $0x10, s25;
	v0 =	vld [tilespmem:s28+$0x0];
	_ =	sdelay $0x4  }
0x33: {  	v0 =	vshll.u32 v0, $0x3;
	_ =	sdelay $0x4  }
0x34: {  	v1 =	vld.idx.msk [tilespmem:v0+s14+$0x0], $0xffff;
	_ =	sdelay $0x1  }
0x35: {  	v2 =	vor.u32 $0x1, v0;
	_ =	sdelay $0x3  }
0x36: {  	[tilespmem:s26+$0xFFFFE840] =	vst v1  }
0x37: {  	v1 =	vld.idx.msk [tilespmem:v2+s14+$0x0], $0xffff;
	_ =	sdelay $0x1  }
0x38: {  	v2 =	vor.u32 $0x2, v0;
	_ =	sdelay $0x3  }
0x39: {  	[tilespmem:s26+$0xFFFFED00] =	vst v1  }
0x3a: {  	v1 =	vld.idx.msk [tilespmem:v2+s14+$0x0], $0xffff;
	_ =	sdelay $0x1  }
0x3b: {  	v2 =	vor.u32 $0x3, v0;
	_ =	sdelay $0x2  }
0x3c: {  	s29 =	sand.u32 $0x7F0, s29  }
0x3d: {  	[tilespmem:s29+$0x1500] =	vst v1  }
0x3e: {  	v1 =	vld.idx.msk [tilespmem:v2+s14+$0x0], $0xffff;
	_ =	sdelay $0x1  }
0x3f: {  	v2 =	vor.u32 $0x4, v0;
	_ =	sdelay $0x3  }
0x40: {  	[tilespmem:s26+$0xFFFFF680] =	vst v1  }
0x41: {  	v1 =	vld.idx.msk [tilespmem:v2+s14+$0x0], $0xffff;
	_ =	sdelay $0x1  }
0x42: {  	v2 =	vor.u32 $0x5, v0;
	_ =	sdelay $0x3  }
0x43: {  	[tilespmem:s29+$0x1E80] =	vst v1  }
0x44: {  	v1 =	vld.idx.msk [tilespmem:v2+s14+$0x0], $0xffff;
	_ =	sdelay $0x1  }
0x45: {  	v2 =	vor.u32 $0x6, v0;
	_ =	sdelay $0x3  }
0x46: {  	[tilespmem:s26+$0x0] =	vst v1  }
0x47: {  	v1 =	vld.idx.msk [tilespmem:v2+s14+$0x0], $0xffff;
	_ =	sdelay $0x1  }
0x48: {  	v0 =	vor.u32 $0x7, v0  }
.Ltmp0:
0x49: {  	(pc) =	sbr.rel @p0 .LBB2_2-.Ltmp0, $3  }
0x4a: {  	_ =	sdelay $0x1  }
0x4b: {  	[tilespmem:s29+$0x2800] =	vst v1  }
0x4c: {  	v0 =	vld.idx.msk [tilespmem:v0+s14+$0x0], $0xffff  }
0x4d: {  	_ =	sdelay $0x3  }
0x4e: {  	[tilespmem:s26+$0x980] =	vst v0  }
0x4f: {  	[hbm4b:s4+s2] =	stream.linear.scatter [tilespmem:s16], [sflag:$0x1], $0x4C0, $0x38;
	[tilespmem:$0x3180] =	vst v63  }
0x50: {  	_ =	swait.ge [sflag:s15], $0x4C0  }
0x51: {  	[sflag:s15] =	ssyncset.done $0x0  }
0x52: {  	[sflag:s15] =	ssyncadd.s32 $0xFFFFFB40  }
0x53: {  	[hbm4b:s6+s2] =	stream.linear.scatter [tilespmem:s17], [sflag:$0x1], $0x4C0, $0x38;
	[tilespmem:$0x3180] =	vst v63  }
0x54: {  	_ =	swait.ge [sflag:s15], $0x4C0  }
0x55: {  	[sflag:s15] =	ssyncset.done $0x0  }
0x56: {  	[sflag:s15] =	ssyncadd.s32 $0xFFFFFB40  }
0x57: {  	[hbm4b:s7+s2] =	stream.linear.scatter [tilespmem:s18], [sflag:$0x1], $0x4C0, $0x38;
	[tilespmem:$0x3180] =	vst v63  }
0x58: {  	_ =	swait.ge [sflag:s15], $0x4C0  }
0x59: {  	[sflag:s15] =	ssyncset.done $0x0  }
0x5a: {  	[sflag:s15] =	ssyncadd.s32 $0xFFFFFB40  }
0x5b: {  	[hbm4b:s8+s2] =	stream.linear.scatter [tilespmem:s19], [sflag:$0x1], $0x4C0, $0x38;
	[tilespmem:$0x3180] =	vst v63  }
0x5c: {  	_ =	swait.ge [sflag:s15], $0x4C0  }
0x5d: {  	[sflag:s15] =	ssyncset.done $0x0  }
0x5e: {  	[sflag:s15] =	ssyncadd.s32 $0xFFFFFB40  }
0x5f: {  	[hbm4b:s9+s2] =	stream.linear.scatter [tilespmem:s20], [sflag:$0x1], $0x4C0, $0x38;
	[tilespmem:$0x3180] =	vst v63  }
0x60: {  	_ =	swait.ge [sflag:s15], $0x4C0  }
0x61: {  	[sflag:s15] =	ssyncset.done $0x0  }
0x62: {  	[sflag:s15] =	ssyncadd.s32 $0xFFFFFB40  }
0x63: {  	[hbm4b:s10+s2] =	stream.linear.scatter [tilespmem:s21], [sflag:$0x1], $0x4C0, $0x38;
	[tilespmem:$0x3180] =	vst v63  }
0x64: {  	_ =	swait.ge [sflag:s15], $0x4C0  }
0x65: {  	[sflag:s15] =	ssyncset.done $0x0  }
0x66: {  	[sflag:s15] =	ssyncadd.s32 $0xFFFFFB40  }
0x67: {  	[hbm4b:s11+s2] =	stream.linear.scatter [tilespmem:s22], [sflag:$0x1], $0x4C0, $0x38;
	[tilespmem:$0x3180] =	vst v63  }
0x68: {  	s24 =	sadd.s32 $0x1, s24;
	_ =	swait.ge [sflag:s15], $0x4C0  }
0x69: {  	p0 =	sne.s32 s24, s13;
	[sflag:s15] =	ssyncset.done $0x0  }
.Ltmp1:
0x6a: {  	[sflag:s15] =	ssyncadd.s32 $0xFFFFFB40;
	(pc) =	sbr.rel @p0 .LBB2_1-.Ltmp1, $4  }
0x6b: {  	[hbm4b:s12+s2] =	stream.linear.scatter [tilespmem:s23], [sflag:$0x1], $0x4C0, $0x38;
	[tilespmem:$0x3180] =	vst v63  }
0x6c: {  	_ =	swait.ge [sflag:s15], $0x4C0  }
0x6d: {  	[sflag:s15] =	ssyncset.done $0x0  }
0x6e: {  	[sflag:s15] =	ssyncadd.s32 $0xFFFFFB40  }
0x6f: {  	_ =	sfence.sel $0x180000  }
0x70: {  	[bflag:$0x0] =	sbarrier.arrive $0xFFFF  }
0x71: {  	p0 =	sne.s32 s0, $0x0;
	_ =	strace $0x90000047  }
0x72: {  	s0 =	sadd.s32 @!p0 $0x100000, s1;
	[bflag:$0x2] =	sbarrier.arrive $0xFFFF  }
0x73: {  	[sflag:s0] =	ssyncadd.tile.s32 @!p0 $0x1;
	_ =	shalt  }
.Lfunc_end2:
_tile_overlayer_lowered:
.L_overlay_start_2:
0x74: {  	(tag) =	ssettag $0x2  }
0x75: {  	s0 =	rddreg [dreg:$0x0];
	s2 =	stileid.u32  }
0x76: {  	s1 =	rddreg [dreg:$0x1];
	p0 =	sne.s32 s2, $0x0  }
0x77: {  	s3 =	rddreg [dreg:$0x2];
	[bflag:$0x3] =	sbarrier.arrive $0xFFFF;
	s2 =	simm.s32 @!p0 $0x1C01  }
0x78: {  	[timem:s3], [sflag:s2] =	dma.local @!p0 [hbm:s0], s1  }
0x79: {  	s0 =	simm.s32 @!p0 $0x1  }
0x7a: {  	_ =	swait.ge @!p0 [sflag:s0], s1  }
0x7b: {  	s1 =	ssub.s32 @!p0 $0x0, s1;
	[sflag:s0] =	ssyncset.done @!p0 $0x0  }
0x7c: {  	[sflag:s0] =	ssyncadd.s32 @!p0 s1  }
0x7d: {  	[bflag:$0x3] =	sbarrier.arrive $0xFFFF  }
0x7e: {  	_ =	shalt  }

</sc_bundles>
